<compile_context>
chip_gen: v7x
topology: tpu7x:2x2x1
jax: 0.10.2.dev20260603
libtpu: 0.0.44.dev20260713+nightly
codegen_flags: <defaults>
</compile_context>

<pallas_src>
import jax
import jax.numpy as jnp
from jax import lax
from jax.experimental import pallas as pl

TAU = 0.5
ITERS = 5
EPS = 1e-6
CLAMP = 8.0
POS_W = 1.0
VEL_W = 0.2
BETA = 1.0
KEEP = 0.9
MIN_K = 2

B, C, T, V = 64, 64, 128, 25
D = 64

_BF = jnp.bfloat16
_HP = lax.Precision.HIGHEST


def _q(z):
    return z.astype(_BF).astype(jnp.float32)


def _dot_bf(wq, m):
    return lax.dot_general(wq, m.astype(_BF), (((1,), (0,)), ((), ())),
                           preferred_element_type=jnp.float32)


def _stats_body(x_ref, sx_ref, sxx_ref):
    b = pl.program_id(0)
    xq = x_ref[0].astype(_BF)
    @pl.when(b == 0)
    def _init():
        sx_ref[...] = jnp.zeros_like(sx_ref)
        sxx_ref[...] = jnp.zeros_like(sxx_ref)
    s = xq.astype(jnp.float32).sum(axis=1)
    sx_ref[...] += jnp.broadcast_to(s[None, :], sx_ref.shape)
    sxx_ref[...] += lax.dot_general(xq, xq, (((1,), (1,)), ((), ())),
                                    preferred_element_type=jnp.float32)


def _main_body(x_ref, we_ref, w12_ref, mu_ref, sig_ref,
               g_ref, be_ref, msg_ref, sr_ref, srr_ref):
    b = pl.program_id(0)
    xf = x_ref[0]
    we = we_ref[...]
    w12 = w12_ref[...]
    mu_e = mu_ref[...]
    sig_e = sig_ref[...]
    g_e = g_ref[...]
    b_e = be_ref[...]

    e_raw = _dot_bf(we, xf)
    e = ((e_raw - mu_e) / sig_e) * g_e + b_e
    ab_flat = lax.dot_general(w12, e.astype(_BF), (((1,), (0,)), ((), ())),
                              preferred_element_type=jnp.float32)
    a3 = jnp.stack([ab_flat[:D, T * v:T * (v + 1)] for v in range(V)], 0)
    b3 = jnp.stack([ab_flat[D:, T * v:T * (v + 1)] for v in range(V)], 0)
    b_sh = jnp.concatenate(
        [b3[..., 1:], jnp.zeros_like(b3[..., :1])], axis=-1)

    xb = jnp.stack([xf[:, T * v:T * (v + 1)] for v in range(V)], 0)
    vel = xb[..., 1:] - xb[..., :-1]
    vmag = jnp.sqrt((vel * vel).sum(axis=1) + 1e-12)
    vf = jnp.concatenate([jnp.zeros_like(vmag[:, :1]), vmag], axis=-1)
    vf_sh = jnp.concatenate(
        [vf[:, 1:], jnp.zeros_like(vf[:, :1])], axis=-1)

    aa = (a3 * a3).sum(axis=1)
    bb = (b_sh * b_sh).sum(axis=1)
    aq = _q(a3)
    bq = _q(b_sh)

    k_rows = []
    for v in range(V):
        ab_v = (aq[v][None, :, :] * bq).sum(axis=1)
        dist2 = jnp.maximum(aa[v:v + 1, :] + bb - 2.0 * ab_v, 0.0)
        s_v = -jnp.sqrt(dist2 + 1e-8) * POS_W
        s_v = s_v - VEL_W * jnp.abs(vf[v:v + 1, :] - vf_sh)
        s_v = jnp.clip(s_v, -CLAMP, CLAMP)
        k_rows.append(jnp.exp(s_v * (1.0 / TAU)) + EPS)
    K = jnp.stack(k_rows, axis=0)

    for _ in range(ITERS):
        K = K / (K.sum(axis=1, keepdims=True) + EPS) + EPS
        K = K / (K.sum(axis=0, keepdims=True) + EPS) + EPS
    P = K

    csum = jnp.zeros_like(P)
    cnt = jnp.zeros_like(P)
    for sp in range(V):
        pv = P[sp:sp + 1, :, :]
        if sp + 1 < V:
            cond = jnp.concatenate(
                [pv > P[:sp + 1], pv >= P[sp + 1:]], axis=0)
        else:
            cond = pv > P
        csum = csum + jnp.where(cond, pv, 0.0)
        cnt = cnt + cond.astype(jnp.float32)
    keep = ((csum + P) < KEEP) | (cnt < MIN_K)
    Pm = P * keep.astype(jnp.float32)
    P = Pm / (Pm.sum(axis=0, keepdims=True) + 1e-6)

    xq = _q(xb)
    pq = _q(P)
    acc = jnp.zeros((C, V, T), jnp.float32)
    for s in range(V):
        acc = acc + xq[s][:, None, :] * pq[s][None, :, :]
    msg_sh = jnp.concatenate(
        [jnp.zeros_like(acc[..., :1]), acc[..., :-1]], axis=-1)
    mflat = jnp.concatenate([msg_sh[:, v, :] for v in range(V)], axis=1)
    msg_ref[0] = mflat

    @pl.when(b == 0)
    def _init():
        sr_ref[...] = jnp.zeros_like(sr_ref)
        srr_ref[...] = jnp.zeros_like(srr_ref)
    mq = mflat.astype(_BF)
    s = mq.astype(jnp.float32).sum(axis=1)
    sr_ref[...] += jnp.broadcast_to(s[None, :], sr_ref.shape)
    srr_ref[...] += lax.dot_general(mq, mq, (((1,), (1,)), ((), ())),
                                    preferred_element_type=jnp.float32)


def _proj_body(m_ref, W_ref, mu_ref, sig_ref, g_ref, bp_ref, o_ref):
    mb = m_ref[0]
    W = W_ref[...]
    p_raw = _dot_bf(W, mb)
    o_ref[0] = BETA * (((p_raw - mu_ref[...]) / sig_ref[...])
                       * g_ref[...] + bp_ref[...])


def kernel(x, W_embed, g_e, b_e, W_f1, W_f2, W_proj, g_p, b_p):
    N = B * T * V
    VT = V * T
    x2 = x.reshape(B, C, T * V)

    sx8, Sxx = pl.pallas_call(
        _stats_body,
        grid=(B,),
        in_specs=[pl.BlockSpec((1, C, T * V), lambda b: (b, 0, 0))],
        out_specs=[pl.BlockSpec((8, C), lambda b: (0, 0)),
                   pl.BlockSpec((C, C), lambda b: (0, 0))],
        out_shape=[jax.ShapeDtypeStruct((8, C), jnp.float32),
                   jax.ShapeDtypeStruct((C, C), jnp.float32)],
    )(x2)
    Sx = sx8[0]

    mm = lambda u, w: jnp.einsum('ij,jk->ik', u, w, precision=_HP)
    mv = lambda u, w: jnp.einsum('ij,j->i', u, w, precision=_HP)
    weq = _q(W_embed)
    mu_e = mv(weq, Sx / N)
    E2 = (mm(weq, Sxx / N) * weq).sum(-1)
    sig_e = jnp.sqrt(E2 - mu_e * mu_e + 1e-5)
    bc = lambda z: jnp.broadcast_to(z[:, None], (z.shape[0], VT))
    w12 = jnp.concatenate([W_f1, W_f2], axis=0).astype(_BF)

    x3 = x.transpose(0, 1, 3, 2).reshape(B, C, VT)

    mflat, sr8, SRR = pl.pallas_call(
        _main_body,
        grid=(B,),
        in_specs=[pl.BlockSpec((1, C, VT), lambda b: (b, 0, 0)),
                  pl.BlockSpec((D, C), lambda b: (0, 0)),
                  pl.BlockSpec((2 * D, C), lambda b: (0, 0)),
                  pl.BlockSpec((D, VT), lambda b: (0, 0)),
                  pl.BlockSpec((D, VT), lambda b: (0, 0)),
                  pl.BlockSpec((D, VT), lambda b: (0, 0)),
                  pl.BlockSpec((D, VT), lambda b: (0, 0))],
        out_specs=[pl.BlockSpec((1, C, VT), lambda b: (b, 0, 0)),
                   pl.BlockSpec((8, C), lambda b: (0, 0)),
                   pl.BlockSpec((C, C), lambda b: (0, 0))],
        out_shape=[jax.ShapeDtypeStruct((B, C, VT), jnp.float32),
                   jax.ShapeDtypeStruct((8, C), jnp.float32),
                   jax.ShapeDtypeStruct((C, C), jnp.float32)],
    )(x3, W_embed.astype(_BF), w12, bc(mu_e), bc(sig_e), bc(g_e), bc(b_e))
    SR = sr8[0]

    wpq = _q(W_proj)
    mu_p = mv(wpq, SR / N)
    E2p = (mm(wpq, SRR / N) * wpq).sum(-1)
    sig_p = jnp.sqrt(E2p - mu_p * mu_p + 1e-5)

    outf = pl.pallas_call(
        _proj_body,
        grid=(B,),
        in_specs=[pl.BlockSpec((1, C, VT), lambda b: (b, 0, 0)),
                  pl.BlockSpec((C, C), lambda b: (0, 0)),
                  pl.BlockSpec((C, VT), lambda b: (0, 0)),
                  pl.BlockSpec((C, VT), lambda b: (0, 0)),
                  pl.BlockSpec((C, VT), lambda b: (0, 0)),
                  pl.BlockSpec((C, VT), lambda b: (0, 0))],
        out_specs=pl.BlockSpec((1, C, VT), lambda b: (b, 0, 0)),
        out_shape=jax.ShapeDtypeStruct((B, C, VT), jnp.float32),
    )(mflat, W_proj.astype(_BF), bc(mu_p), bc(sig_p), bc(g_p), bc(b_p))

    return outf.reshape(B, C, V, T).transpose(0, 1, 3, 2)

# --- scband reference (transcript-rebuilt; emitter-appended) ---
"""Pipeline reference for scband-cfotlayer-54348516163934 (READ-ONLY COPY).

The authoritative reference and input builder live on the scoring server;
editing this copy changes nothing except your own understanding.
"""

import jax, jax.numpy as jnp
import numpy as np
import math

DELTA = 1; TAU = 0.5; ITERS = 5; EPS = 1e-6; CLAMP = 8.0
POS_W = 1.0; VEL_W = 0.2; BETA = 1.0; KEEP = 0.9; MIN_K = 2; EUCLID_SCALE = 1.0


def _conv1x1(x, W):
    return jnp.einsum('bctv,dc->bdtv', x, W)


def _bn(x, gamma, beta, eps=1e-5):
    mean = x.mean(axis=(0, 2, 3), keepdims=True)
    var = x.var(axis=(0, 2, 3), keepdims=True)
    xh = (x - mean) / jnp.sqrt(var + eps)
    return xh * gamma.reshape(1, -1, 1, 1) + beta.reshape(1, -1, 1, 1)


def _n2n(x):
    return jnp.nan_to_num(x, nan=0.0, posinf=0.0, neginf=0.0)


def _sinkhorn(S, tau=TAU, iters=ITERS, eps=EPS, clamp=CLAMP):
    tau = max(float(tau), 1e-3)
    S = jnp.clip(S, -clamp, clamp)
    K = _n2n(jnp.exp(S / tau)) + eps
    for _ in range(iters):
        K = K / (K.sum(axis=-1, keepdims=True) + eps)
        K = _n2n(K) + eps
        K = K / (K.sum(axis=-2, keepdims=True) + eps)
        K = _n2n(K) + eps
    return _n2n(K)


def _sparsify_adaptive(P, keep=KEEP, min_k=MIN_K):
    idx = jnp.argsort(-P, axis=-2)
    vals = jnp.take_along_axis(P, idx, axis=-2)
    csum = jnp.cumsum(vals, axis=-2)
    keep_mask = csum < keep
    Vsrc = P.shape[-2]
    kmin = jnp.arange(Vsrc)[:, None] < min_k
    mask = keep_mask | kmin
    rank = jnp.argsort(idx, axis=-2)
    M = jnp.take_along_axis(mask.astype(P.dtype), rank, axis=-2)
    P = P * M
    P = P / (P.sum(axis=-2, keepdims=True) + 1e-6)
    return _n2n(P)


def _forward(x, W_embed, g_e, b_e, W_f1, W_f2, W_proj, g_p, b_p):
    B, C, T, V = x.shape
    d = DELTA
    e = _bn(_conv1x1(x, W_embed), g_e, b_e)
    e_t = e[:, :, :-d]
    e_td = e[:, :, d:]
    vel = x[:, :, d:] - x[:, :, :-d]
    vmag = jnp.sqrt((vel * vel).sum(axis=1) + 1e-12)
    v_full = jnp.concatenate([jnp.zeros((B, d, V), x.dtype), vmag], axis=1)
    v_t = v_full[:, :-d]
    v_td = v_full[:, d:]
    a = jnp.transpose(_conv1x1(e_t, W_f1), (0, 2, 3, 1))
    b = jnp.transpose(_conv1x1(e_td, W_f2), (0, 2, 3, 1))
    aa = (a * a).sum(-1, keepdims=True)
    bb = jnp.swapaxes((b * b).sum(-1, keepdims=True), -1, -2)
    ab = jnp.einsum('btvd,btwd->btvw', a, b)
    dist2 = jnp.maximum(aa + bb - 2.0 * ab, 0.0)
    S_pos = -jnp.sqrt(dist2 + 1e-8) * EUCLID_SCALE
    Dv = jnp.abs(v_t[..., :, None] - v_td[..., None, :])
    S = POS_W * S_pos - VEL_W * Dv
    S = _n2n(jnp.clip(S, -CLAMP, CLAMP))
    P = _sinkhorn(S)
    P = _sparsify_adaptive(P)
    msg = jnp.einsum('bcts,btsw->bctw', x[:, :, :-d], P)
    R = jnp.concatenate([jnp.zeros((B, C, d, V), x.dtype), msg], axis=2)
    out = BETA * _bn(_conv1x1(R, W_proj), g_p, b_p)
    return out


def setup_inputs(seed: int = 0):
    key = jax.random.key(seed)
    ks = jax.random.split(key, 6)
    B, C, T, V, D = 64, 64, 128, 25, 64
    x = jax.random.normal(ks[0], (B, C, T, V), dtype=jnp.float32)
    W_embed = jax.random.normal(ks[1], (D, C), dtype=jnp.float32) / math.sqrt(C)
    W_f1 = jax.random.normal(ks[2], (D, D), dtype=jnp.float32) / math.sqrt(D)
    W_f2 = jax.random.normal(ks[3], (D, D), dtype=jnp.float32) / math.sqrt(D)
    W_proj = jax.random.normal(ks[4], (C, C), dtype=jnp.float32) / math.sqrt(C)
    return {
        'x': x,
        'W_embed': W_embed,
        'g_e': jnp.ones((D,), jnp.float32),
        'b_e': jnp.zeros((D,), jnp.float32),
        'W_f1': W_f1,
        'W_f2': W_f2,
        'W_proj': W_proj,
        'g_p': jnp.ones((C,), jnp.float32),
        'b_p': jnp.zeros((C,), jnp.float32),
    }


def reference(x, W_embed, g_e, b_e, W_f1, W_f2, W_proj, g_p, b_p):
    return _forward(x, W_embed, g_e, b_e, W_f1, W_f2, W_proj, g_p, b_p)

if __name__ == "__main__":
    import jax
    _d = setup_inputs()
    print(jax.jit(kernel)(*tuple(_d.values())))

</pallas_src>

<mosaic_0001>
module attributes {stable_mosaic.version = 14 : i64} {
  func.func @_stats_body(%arg0: i32, %arg1: memref<1x64x3200xf32, #tpu.memory_space<vmem>>, %arg2: memref<8x64xf32, #tpu.memory_space<vmem>>, %arg3: memref<64x64xf32, #tpu.memory_space<vmem>>) attributes {dimension_semantics = [#tpu.dimension_semantics<arbitrary>], iteration_bounds = array<i64: 64>, scalar_prefetch = 0 : i64, scratch_operands = 0 : i64, tpu.core_type = #tpu.core_type<tc>, window_params = [{transform_indices = @transform_0, window_bounds = array<i64: 1, 64, 3200>}, {pipeline_mode = #tpu.pipeline_mode<synchronous>, transform_indices = @transform_1, window_bounds = array<i64: 8, 64>}, {pipeline_mode = #tpu.pipeline_mode<synchronous>, transform_indices = @transform_2, window_bounds = array<i64: 64, 64>}]} {
    %get3A = arith.constant 0 : index
    %get3A_0 = arith.constant 0 : index
    %get3A_1 = arith.constant 0 : index
    %get3A_2 = vector.load %arg1[%get3A, %get3A_0, %get3A_1] : memref<1x64x3200xf32, #tpu.memory_space<vmem>>, vector<1x64x3200xf32>
    %get3A_3 = vector.shape_cast %get3A_2 : vector<1x64x3200xf32> to vector<64x3200xf32>
    %convert_element_type3A = arith.truncf %get3A_3 : vector<64x3200xf32> to vector<64x3200xbf16>
    %eq3A = arith.constant 0 : i32
    %eq3A_4 = arith.cmpi eq, %arg0, %eq3A : i32
    %convert_element_type3A_5 = arith.extui %eq3A_4 : i1 to i32
    %cond3A = arith.constant 0 : i32
    %cond3A_6 = arith.cmpi ne, %convert_element_type3A_5, %cond3A : i32
    scf.if %cond3A_6 {
      %broadcast_in_dim3A_24 = arith.constant 0.000000e+00 : f32
      %broadcast_in_dim3A_25 = vector.broadcast %broadcast_in_dim3A_24 : f32 to vector<8x64xf32>
      %swap3A_26 = arith.constant 0 : index
      %swap3A_27 = arith.constant 0 : index
      %swap3A_28 = vector.load %arg2[%swap3A_26, %swap3A_27] : memref<8x64xf32, #tpu.memory_space<vmem>>, vector<8x64xf32>
      tpu.vector_store %arg2[%swap3A_26, %swap3A_27], %broadcast_in_dim3A_25 {strides = array<i32>} : memref<8x64xf32, #tpu.memory_space<vmem>>, vector<8x64xf32>,
      %broadcast_in_dim3A_29 = arith.constant 0.000000e+00 : f32
      %broadcast_in_dim3A_30 = vector.broadcast %broadcast_in_dim3A_29 : f32 to vector<64x64xf32>
      %swap3A_31 = arith.constant 0 : index
      %swap3A_32 = arith.constant 0 : index
      %swap3A_33 = vector.load %arg3[%swap3A_31, %swap3A_32] : memref<64x64xf32, #tpu.memory_space<vmem>>, vector<64x64xf32>
      tpu.vector_store %arg3[%swap3A_31, %swap3A_32], %broadcast_in_dim3A_30 {strides = array<i32>} : memref<64x64xf32, #tpu.memory_space<vmem>>, vector<64x64xf32>,
    } else {
    }
    %convert_element_type3A_7 = arith.extf %convert_element_type3A : vector<64x3200xbf16> to vector<64x3200xf32>
    %reduce_sum3A = arith.constant dense<0.000000e+00> : vector<64xf32>
    %reduce_sum3A_8 = vector.multi_reduction <add>, %convert_element_type3A_7, %reduce_sum3A [1] : vector<64x3200xf32> to vector<64xf32>
    %get3A_9 = arith.constant 0 : index
    %get3A_10 = arith.constant 0 : index
    %get3A_11 = vector.load %arg2[%get3A_9, %get3A_10] : memref<8x64xf32, #tpu.memory_space<vmem>>, vector<8x64xf32>
    %broadcast_in_dim3A = vector.shape_cast %reduce_sum3A_8 : vector<64xf32> to vector<1x64xf32>
    %broadcast_in_dim3A_12 = vector.shape_cast %broadcast_in_dim3A : vector<1x64xf32> to vector<1x64xf32>
    %broadcast_in_dim3A_13 = vector.broadcast %broadcast_in_dim3A_12 : vector<1x64xf32> to vector<8x64xf32>
    %add3A = arith.addf %get3A_11, %broadcast_in_dim3A_13 : vector<8x64xf32>
    %swap3A = arith.constant 0 : index
    %swap3A_14 = arith.constant 0 : index
    %swap3A_15 = vector.load %arg2[%swap3A, %swap3A_14] : memref<8x64xf32, #tpu.memory_space<vmem>>, vector<8x64xf32>
    tpu.vector_store %arg2[%swap3A, %swap3A_14], %add3A {strides = array<i32>} : memref<8x64xf32, #tpu.memory_space<vmem>>, vector<8x64xf32>,
    %get3A_16 = arith.constant 0 : index
    %get3A_17 = arith.constant 0 : index
    %get3A_18 = vector.load %arg3[%get3A_16, %get3A_17] : memref<64x64xf32, #tpu.memory_space<vmem>>, vector<64x64xf32>
    %dot_general3A = arith.constant dense<0.000000e+00> : vector<64x64xf32>
    %dot_general3A_19 = tpu.matmul %convert_element_type3A, %convert_element_type3A, %dot_general3A {dimension_numbers = #tpu.dot_dimension_numbers<[1], [1], [0], [0], [0, 0, 1, 0], [], []>, transpose_lhs_hint = false} : vector<64x3200xbf16>, vector<64x3200xbf16>, vector<64x64xf32> -> vector<64x64xf32>
    %add3A_20 = arith.addf %get3A_18, %dot_general3A_19 : vector<64x64xf32>
    %swap3A_21 = arith.constant 0 : index
    %swap3A_22 = arith.constant 0 : index
    %swap3A_23 = vector.load %arg3[%swap3A_21, %swap3A_22] : memref<64x64xf32, #tpu.memory_space<vmem>>, vector<64x64xf32>
    tpu.vector_store %arg3[%swap3A_21, %swap3A_22], %add3A_20 {strides = array<i32>} : memref<64x64xf32, #tpu.memory_space<vmem>>, vector<64x64xf32>,
    return
  }
  func.func @transform_0(%arg0: i32) -> (i32, i32, i32) {
    %c0_i32 = arith.constant 0 : i32
    %c0_i32_0 = arith.constant 0 : i32
    %c0_i32_1 = arith.constant 0 : i32
    return %arg0, %c0_i32, %c0_i32_0 : i32, i32, i32
  }
  func.func @transform_1(%arg0: i32) -> (i32, i32) {
    %c0_i32 = arith.constant 0 : i32
    %c0_i32_0 = arith.constant 0 : i32
    %c0_i32_1 = arith.constant 0 : i32
    return %c0_i32, %c0_i32_0 : i32, i32
  }
  func.func @transform_2(%arg0: i32) -> (i32, i32) {
    %c0_i32 = arith.constant 0 : i32
    %c0_i32_0 = arith.constant 0 : i32
    %c0_i32_1 = arith.constant 0 : i32
    return %c0_i32, %c0_i32_0 : i32, i32
  }
}

module attributes {stable_mosaic.version = 14 : i64} {
  func.func @_main_body(%arg0: i32, %arg1: memref<1x64x3200xf32, #tpu.memory_space<vmem>>, %arg2: memref<64x64xbf16, #tpu.memory_space<vmem>>, %arg3: memref<128x64xbf16, #tpu.memory_space<vmem>>, %arg4: memref<64x3200xf32, #tpu.memory_space<vmem>>, %arg5: memref<64x3200xf32, #tpu.memory_space<vmem>>, %arg6: memref<64x3200xf32, #tpu.memory_space<vmem>>, %arg7: memref<64x3200xf32, #tpu.memory_space<vmem>>, %arg8: memref<1x64x3200xf32, #tpu.memory_space<vmem>>, %arg9: memref<8x64xf32, #tpu.memory_space<vmem>>, %arg10: memref<64x64xf32, #tpu.memory_space<vmem>>) attributes {dimension_semantics = [#tpu.dimension_semantics<arbitrary>], iteration_bounds = array<i64: 64>, scalar_prefetch = 0 : i64, scratch_operands = 0 : i64, tpu.core_type = #tpu.core_type<tc>, window_params = [{transform_indices = @transform_0, window_bounds = array<i64: 1, 64, 3200>}, {pipeline_mode = #tpu.pipeline_mode<synchronous>, transform_indices = @transform_1, window_bounds = array<i64: 64, 64>}, {pipeline_mode = #tpu.pipeline_mode<synchronous>, transform_indices = @transform_2, window_bounds = array<i64: 128, 64>}, {pipeline_mode = #tpu.pipeline_mode<synchronous>, transform_indices = @transform_3, window_bounds = array<i64: 64, 3200>}, {pipeline_mode = #tpu.pipeline_mode<synchronous>, transform_indices = @transform_4, window_bounds = array<i64: 64, 3200>}, {pipeline_mode = #tpu.pipeline_mode<synchronous>, transform_indices = @transform_5, window_bounds = array<i64: 64, 3200>}, {pipeline_mode = #tpu.pipeline_mode<synchronous>, transform_indices = @transform_6, window_bounds = array<i64: 64, 3200>}, {transform_indices = @transform_7, window_bounds = array<i64: 1, 64, 3200>}, {pipeline_mode = #tpu.pipeline_mode<synchronous>, transform_indices = @transform_8, window_bounds = array<i64: 8, 64>}, {pipeline_mode = #tpu.pipeline_mode<synchronous>, transform_indices = @transform_9, window_bounds = array<i64: 64, 64>}]} {
    %get3A = arith.constant 0 : index
    %get3A_0 = arith.constant 0 : index
    %get3A_1 = arith.constant 0 : index
    %get3A_2 = vector.load %arg1[%get3A, %get3A_0, %get3A_1] : memref<1x64x3200xf32, #tpu.memory_space<vmem>>, vector<1x64x3200xf32>
    %get3A_3 = vector.shape_cast %get3A_2 : vector<1x64x3200xf32> to vector<64x3200xf32>
    %get3A_4 = arith.constant 0 : index
    %get3A_5 = arith.constant 0 : index
    %get3A_6 = vector.load %arg2[%get3A_4, %get3A_5] : memref<64x64xbf16, #tpu.memory_space<vmem>>, vector<64x64xbf16>
    %get3A_7 = arith.constant 0 : index
    %get3A_8 = arith.constant 0 : index
    %get3A_9 = vector.load %arg3[%get3A_7, %get3A_8] : memref<128x64xbf16, #tpu.memory_space<vmem>>, vector<128x64xbf16>
    %get3A_10 = arith.constant 0 : index
    %get3A_11 = arith.constant 0 : index
    %get3A_12 = vector.load %arg4[%get3A_10, %get3A_11] : memref<64x3200xf32, #tpu.memory_space<vmem>>, vector<64x3200xf32>
    %get3A_13 = arith.constant 0 : index
    %get3A_14 = arith.constant 0 : index
    %get3A_15 = vector.load %arg5[%get3A_13, %get3A_14] : memref<64x3200xf32, #tpu.memory_space<vmem>>, vector<64x3200xf32>
    %get3A_16 = arith.constant 0 : index
    %get3A_17 = arith.constant 0 : index
    %get3A_18 = vector.load %arg6[%get3A_16, %get3A_17] : memref<64x3200xf32, #tpu.memory_space<vmem>>, vector<64x3200xf32>
    %get3A_19 = arith.constant 0 : index
    %get3A_20 = arith.constant 0 : index
    %get3A_21 = vector.load %arg7[%get3A_19, %get3A_20] : memref<64x3200xf32, #tpu.memory_space<vmem>>, vector<64x3200xf32>
    %convert_element_type3A = arith.truncf %get3A_3 : vector<64x3200xf32> to vector<64x3200xbf16>
    %dot_general3A = arith.constant dense<0.000000e+00> : vector<64x3200xf32>
    %dot_general3A_22 = tpu.matmul %get3A_6, %convert_element_type3A, %dot_general3A {dimension_numbers = #tpu.dot_dimension_numbers<[1], [0], [0], [1], [0, 0, 1, 1], [], []>, transpose_lhs_hint = false} : vector<64x64xbf16>, vector<64x3200xbf16>, vector<64x3200xf32> -> vector<64x3200xf32>
    %sub3A = arith.subf %dot_general3A_22, %get3A_12 : vector<64x3200xf32>
    %div3A = arith.divf %sub3A, %get3A_15 : vector<64x3200xf32>
    %mul3A = arith.mulf %div3A, %get3A_18 : vector<64x3200xf32>
    %add3A = arith.addf %mul3A, %get3A_21 : vector<64x3200xf32>
    %convert_element_type3A_23 = arith.truncf %add3A : vector<64x3200xf32> to vector<64x3200xbf16>
    %dot_general3A_24 = arith.constant dense<0.000000e+00> : vector<128x3200xf32>
    %dot_general3A_25 = tpu.matmul %get3A_9, %convert_element_type3A_23, %dot_general3A_24 {dimension_numbers = #tpu.dot_dimension_numbers<[1], [0], [0], [1], [0, 0, 1, 1], [], []>, transpose_lhs_hint = false} : vector<128x64xbf16>, vector<64x3200xbf16>, vector<128x3200xf32> -> vector<128x3200xf32>
    %slice3A = vector.extract_strided_slice %dot_general3A_25 {offsets = [0, 0], sizes = [64, 128], strides = [1, 1]} : vector<128x3200xf32> to vector<64x128xf32>
    %slice3A_26 = vector.extract_strided_slice %dot_general3A_25 {offsets = [0, 128], sizes = [64, 128], strides = [1, 1]} : vector<128x3200xf32> to vector<64x128xf32>
    %slice3A_27 = vector.extract_strided_slice %dot_general3A_25 {offsets = [0, 256], sizes = [64, 128], strides = [1, 1]} : vector<128x3200xf32> to vector<64x128xf32>
    %slice3A_28 = vector.extract_strided_slice %dot_general3A_25 {offsets = [0, 384], sizes = [64, 128], strides = [1, 1]} : vector<128x3200xf32> to vector<64x128xf32>
    %slice3A_29 = vector.extract_strided_slice %dot_general3A_25 {offsets = [0, 512], sizes = [64, 128], strides = [1, 1]} : vector<128x3200xf32> to vector<64x128xf32>
    %slice3A_30 = vector.extract_strided_slice %dot_general3A_25 {offsets = [0, 640], sizes = [64, 128], strides = [1, 1]} : vector<128x3200xf32> to vector<64x128xf32>
    %slice3A_31 = vector.extract_strided_slice %dot_general3A_25 {offsets = [0, 768], sizes = [64, 128], strides = [1, 1]} : vector<128x3200xf32> to vector<64x128xf32>
    %slice3A_32 = vector.extract_strided_slice %dot_general3A_25 {offsets = [0, 896], sizes = [64, 128], strides = [1, 1]} : vector<128x3200xf32> to vector<64x128xf32>
    %slice3A_33 = vector.extract_strided_slice %dot_general3A_25 {offsets = [0, 1024], sizes = [64, 128], strides = [1, 1]} : vector<128x3200xf32> to vector<64x128xf32>
    %slice3A_34 = vector.extract_strided_slice %dot_general3A_25 {offsets = [0, 1152], sizes = [64, 128], strides = [1, 1]} : vector<128x3200xf32> to vector<64x128xf32>
    %slice3A_35 = vector.extract_strided_slice %dot_general3A_25 {offsets = [0, 1280], sizes = [64, 128], strides = [1, 1]} : vector<128x3200xf32> to vector<64x128xf32>
    %slice3A_36 = vector.extract_strided_slice %dot_general3A_25 {offsets = [0, 1408], sizes = [64, 128], strides = [1, 1]} : vector<128x3200xf32> to vector<64x128xf32>
    %slice3A_37 = vector.extract_strided_slice %dot_general3A_25 {offsets = [0, 1536], sizes = [64, 128], strides = [1, 1]} : vector<128x3200xf32> to vector<64x128xf32>
    %slice3A_38 = vector.extract_strided_slice %dot_general3A_25 {offsets = [0, 1664], sizes = [64, 128], strides = [1, 1]} : vector<128x3200xf32> to vector<64x128xf32>
    %slice3A_39 = vector.extract_strided_slice %dot_general3A_25 {offsets = [0, 1792], sizes = [64, 128], strides = [1, 1]} : vector<128x3200xf32> to vector<64x128xf32>
    %slice3A_40 = vector.extract_strided_slice %dot_general3A_25 {offsets = [0, 1920], sizes = [64, 128], strides = [1, 1]} : vector<128x3200xf32> to vector<64x128xf32>
    %slice3A_41 = vector.extract_strided_slice %dot_general3A_25 {offsets = [0, 2048], sizes = [64, 128], strides = [1, 1]} : vector<128x3200xf32> to vector<64x128xf32>
    %slice3A_42 = vector.extract_strided_slice %dot_general3A_25 {offsets = [0, 2176], sizes = [64, 128], strides = [1, 1]} : vector<128x3200xf32> to vector<64x128xf32>
    %slice3A_43 = vector.extract_strided_slice %dot_general3A_25 {offsets = [0, 2304], sizes = [64, 128], strides = [1, 1]} : vector<128x3200xf32> to vector<64x128xf32>
    %slice3A_44 = vector.extract_strided_slice %dot_general3A_25 {offsets = [0, 2432], sizes = [64, 128], strides = [1, 1]} : vector<128x3200xf32> to vector<64x128xf32>
    %slice3A_45 = vector.extract_strided_slice %dot_general3A_25 {offsets = [0, 2560], sizes = [64, 128], strides = [1, 1]} : vector<128x3200xf32> to vector<64x128xf32>
    %slice3A_46 = vector.extract_strided_slice %dot_general3A_25 {offsets = [0, 2688], sizes = [64, 128], strides = [1, 1]} : vector<128x3200xf32> to vector<64x128xf32>
    %slice3A_47 = vector.extract_strided_slice %dot_general3A_25 {offsets = [0, 2816], sizes = [64, 128], strides = [1, 1]} : vector<128x3200xf32> to vector<64x128xf32>
    %slice3A_48 = vector.extract_strided_slice %dot_general3A_25 {offsets = [0, 2944], sizes = [64, 128], strides = [1, 1]} : vector<128x3200xf32> to vector<64x128xf32>
    %slice3A_49 = vector.extract_strided_slice %dot_general3A_25 {offsets = [0, 3072], sizes = [64, 128], strides = [1, 1]} : vector<128x3200xf32> to vector<64x128xf32>
    %stack3A = vector.shape_cast %slice3A : vector<64x128xf32> to vector<1x64x128xf32>
    %stack3A_50 = vector.shape_cast %slice3A_26 : vector<64x128xf32> to vector<1x64x128xf32>
    %stack3A_51 = vector.shape_cast %slice3A_27 : vector<64x128xf32> to vector<1x64x128xf32>
    %stack3A_52 = vector.shape_cast %slice3A_28 : vector<64x128xf32> to vector<1x64x128xf32>
    %stack3A_53 = vector.shape_cast %slice3A_29 : vector<64x128xf32> to vector<1x64x128xf32>
    %stack3A_54 = vector.shape_cast %slice3A_30 : vector<64x128xf32> to vector<1x64x128xf32>
    %stack3A_55 = vector.shape_cast %slice3A_31 : vector<64x128xf32> to vector<1x64x128xf32>
    %stack3A_56 = vector.shape_cast %slice3A_32 : vector<64x128xf32> to vector<1x64x128xf32>
    %stack3A_57 = vector.shape_cast %slice3A_33 : vector<64x128xf32> to vector<1x64x128xf32>
    %stack3A_58 = vector.shape_cast %slice3A_34 : vector<64x128xf32> to vector<1x64x128xf32>
    %stack3A_59 = vector.shape_cast %slice3A_35 : vector<64x128xf32> to vector<1x64x128xf32>
    %stack3A_60 = vector.shape_cast %slice3A_36 : vector<64x128xf32> to vector<1x64x128xf32>
    %stack3A_61 = vector.shape_cast %slice3A_37 : vector<64x128xf32> to vector<1x64x128xf32>
    %stack3A_62 = vector.shape_cast %slice3A_38 : vector<64x128xf32> to vector<1x64x128xf32>
    %stack3A_63 = vector.shape_cast %slice3A_39 : vector<64x128xf32> to vector<1x64x128xf32>
    %stack3A_64 = vector.shape_cast %slice3A_40 : vector<64x128xf32> to vector<1x64x128xf32>
    %stack3A_65 = vector.shape_cast %slice3A_41 : vector<64x128xf32> to vector<1x64x128xf32>
    %stack3A_66 = vector.shape_cast %slice3A_42 : vector<64x128xf32> to vector<1x64x128xf32>
    %stack3A_67 = vector.shape_cast %slice3A_43 : vector<64x128xf32> to vector<1x64x128xf32>
    %stack3A_68 = vector.shape_cast %slice3A_44 : vector<64x128xf32> to vector<1x64x128xf32>
    %stack3A_69 = vector.shape_cast %slice3A_45 : vector<64x128xf32> to vector<1x64x128xf32>
    %stack3A_70 = vector.shape_cast %slice3A_46 : vector<64x128xf32> to vector<1x64x128xf32>
    %stack3A_71 = vector.shape_cast %slice3A_47 : vector<64x128xf32> to vector<1x64x128xf32>
    %stack3A_72 = vector.shape_cast %slice3A_48 : vector<64x128xf32> to vector<1x64x128xf32>
    %stack3A_73 = vector.shape_cast %slice3A_49 : vector<64x128xf32> to vector<1x64x128xf32>
    %stack3A_74 = tpu.concatenate %stack3A, %stack3A_50, %stack3A_51, %stack3A_52, %stack3A_53, %stack3A_54, %stack3A_55, %stack3A_56, %stack3A_57, %stack3A_58, %stack3A_59, %stack3A_60, %stack3A_61, %stack3A_62, %stack3A_63, %stack3A_64, %stack3A_65, %stack3A_66, %stack3A_67, %stack3A_68, %stack3A_69, %stack3A_70, %stack3A_71, %stack3A_72, %stack3A_73 in 0 : vector<1x64x128xf32>, vector<1x64x128xf32>, vector<1x64x128xf32>, vector<1x64x128xf32>, vector<1x64x128xf32>, vector<1x64x128xf32>, vector<1x64x128xf32>, vector<1x64x128xf32>, vector<1x64x128xf32>, vector<1x64x128xf32>, vector<1x64x128xf32>, vector<1x64x128xf32>, vector<1x64x128xf32>, vector<1x64x128xf32>, vector<1x64x128xf32>, vector<1x64x128xf32>, vector<1x64x128xf32>, vector<1x64x128xf32>, vector<1x64x128xf32>, vector<1x64x128xf32>, vector<1x64x128xf32>, vector<1x64x128xf32>, vector<1x64x128xf32>, vector<1x64x128xf32>, vector<1x64x128xf32> -> vector<25x64x128xf32>
    %slice3A_75 = vector.extract_strided_slice %dot_general3A_25 {offsets = [64, 0], sizes = [64, 128], strides = [1, 1]} : vector<128x3200xf32> to vector<64x128xf32>
    %slice3A_76 = vector.extract_strided_slice %dot_general3A_25 {offsets = [64, 128], sizes = [64, 128], strides = [1, 1]} : vector<128x3200xf32> to vector<64x128xf32>
    %slice3A_77 = vector.extract_strided_slice %dot_general3A_25 {offsets = [64, 256], sizes = [64, 128], strides = [1, 1]} : vector<128x3200xf32> to vector<64x128xf32>
    %slice3A_78 = vector.extract_strided_slice %dot_general3A_25 {offsets = [64, 384], sizes = [64, 128], strides = [1, 1]} : vector<128x3200xf32> to vector<64x128xf32>
    %slice3A_79 = vector.extract_strided_slice %dot_general3A_25 {offsets = [64, 512], sizes = [64, 128], strides = [1, 1]} : vector<128x3200xf32> to vector<64x128xf32>
    %slice3A_80 = vector.extract_strided_slice %dot_general3A_25 {offsets = [64, 640], sizes = [64, 128], strides = [1, 1]} : vector<128x3200xf32> to vector<64x128xf32>
    %slice3A_81 = vector.extract_strided_slice %dot_general3A_25 {offsets = [64, 768], sizes = [64, 128], strides = [1, 1]} : vector<128x3200xf32> to vector<64x128xf32>
    %slice3A_82 = vector.extract_strided_slice %dot_general3A_25 {offsets = [64, 896], sizes = [64, 128], strides = [1, 1]} : vector<128x3200xf32> to vector<64x128xf32>
    %slice3A_83 = vector.extract_strided_slice %dot_general3A_25 {offsets = [64, 1024], sizes = [64, 128], strides = [1, 1]} : vector<128x3200xf32> to vector<64x128xf32>
    %slice3A_84 = vector.extract_strided_slice %dot_general3A_25 {offsets = [64, 1152], sizes = [64, 128], strides = [1, 1]} : vector<128x3200xf32> to vector<64x128xf32>
    %slice3A_85 = vector.extract_strided_slice %dot_general3A_25 {offsets = [64, 1280], sizes = [64, 128], strides = [1, 1]} : vector<128x3200xf32> to vector<64x128xf32>
    %slice3A_86 = vector.extract_strided_slice %dot_general3A_25 {offsets = [64, 1408], sizes = [64, 128], strides = [1, 1]} : vector<128x3200xf32> to vector<64x128xf32>
    %slice3A_87 = vector.extract_strided_slice %dot_general3A_25 {offsets = [64, 1536], sizes = [64, 128], strides = [1, 1]} : vector<128x3200xf32> to vector<64x128xf32>
    %slice3A_88 = vector.extract_strided_slice %dot_general3A_25 {offsets = [64, 1664], sizes = [64, 128], strides = [1, 1]} : vector<128x3200xf32> to vector<64x128xf32>
    %slice3A_89 = vector.extract_strided_slice %dot_general3A_25 {offsets = [64, 1792], sizes = [64, 128], strides = [1, 1]} : vector<128x3200xf32> to vector<64x128xf32>
    %slice3A_90 = vector.extract_strided_slice %dot_general3A_25 {offsets = [64, 1920], sizes = [64, 128], strides = [1, 1]} : vector<128x3200xf32> to vector<64x128xf32>
    %slice3A_91 = vector.extract_strided_slice %dot_general3A_25 {offsets = [64, 2048], sizes = [64, 128], strides = [1, 1]} : vector<128x3200xf32> to vector<64x128xf32>
    %slice3A_92 = vector.extract_strided_slice %dot_general3A_25 {offsets = [64, 2176], sizes = [64, 128], strides = [1, 1]} : vector<128x3200xf32> to vector<64x128xf32>
    %slice3A_93 = vector.extract_strided_slice %dot_general3A_25 {offsets = [64, 2304], sizes = [64, 128], strides = [1, 1]} : vector<128x3200xf32> to vector<64x128xf32>
    %slice3A_94 = vector.extract_strided_slice %dot_general3A_25 {offsets = [64, 2432], sizes = [64, 128], strides = [1, 1]} : vector<128x3200xf32> to vector<64x128xf32>
    %slice3A_95 = vector.extract_strided_slice %dot_general3A_25 {offsets = [64, 2560], sizes = [64, 128], strides = [1, 1]} : vector<128x3200xf32> to vector<64x128xf32>
    %slice3A_96 = vector.extract_strided_slice %dot_general3A_25 {offsets = [64, 2688], sizes = [64, 128], strides = [1, 1]} : vector<128x3200xf32> to vector<64x128xf32>
    %slice3A_97 = vector.extract_strided_slice %dot_general3A_25 {offsets = [64, 2816], sizes = [64, 128], strides = [1, 1]} : vector<128x3200xf32> to vector<64x128xf32>
    %slice3A_98 = vector.extract_strided_slice %dot_general3A_25 {offsets = [64, 2944], sizes = [64, 128], strides = [1, 1]} : vector<128x3200xf32> to vector<64x128xf32>
    %slice3A_99 = vector.extract_strided_slice %dot_general3A_25 {offsets = [64, 3072], sizes = [64, 128], strides = [1, 1]} : vector<128x3200xf32> to vector<64x128xf32>
    %stack3A_100 = vector.shape_cast %slice3A_75 : vector<64x128xf32> to vector<1x64x128xf32>
    %stack3A_101 = vector.shape_cast %slice3A_76 : vector<64x128xf32> to vector<1x64x128xf32>
    %stack3A_102 = vector.shape_cast %slice3A_77 : vector<64x128xf32> to vector<1x64x128xf32>
    %stack3A_103 = vector.shape_cast %slice3A_78 : vector<64x128xf32> to vector<1x64x128xf32>
    %stack3A_104 = vector.shape_cast %slice3A_79 : vector<64x128xf32> to vector<1x64x128xf32>
    %stack3A_105 = vector.shape_cast %slice3A_80 : vector<64x128xf32> to vector<1x64x128xf32>
    %stack3A_106 = vector.shape_cast %slice3A_81 : vector<64x128xf32> to vector<1x64x128xf32>
    %stack3A_107 = vector.shape_cast %slice3A_82 : vector<64x128xf32> to vector<1x64x128xf32>
    %stack3A_108 = vector.shape_cast %slice3A_83 : vector<64x128xf32> to vector<1x64x128xf32>
    %stack3A_109 = vector.shape_cast %slice3A_84 : vector<64x128xf32> to vector<1x64x128xf32>
    %stack3A_110 = vector.shape_cast %slice3A_85 : vector<64x128xf32> to vector<1x64x128xf32>
    %stack3A_111 = vector.shape_cast %slice3A_86 : vector<64x128xf32> to vector<1x64x128xf32>
    %stack3A_112 = vector.shape_cast %slice3A_87 : vector<64x128xf32> to vector<1x64x128xf32>
    %stack3A_113 = vector.shape_cast %slice3A_88 : vector<64x128xf32> to vector<1x64x128xf32>
    %stack3A_114 = vector.shape_cast %slice3A_89 : vector<64x128xf32> to vector<1x64x128xf32>
    %stack3A_115 = vector.shape_cast %slice3A_90 : vector<64x128xf32> to vector<1x64x128xf32>
    %stack3A_116 = vector.shape_cast %slice3A_91 : vector<64x128xf32> to vector<1x64x128xf32>
    %stack3A_117 = vector.shape_cast %slice3A_92 : vector<64x128xf32> to vector<1x64x128xf32>
    %stack3A_118 = vector.shape_cast %slice3A_93 : vector<64x128xf32> to vector<1x64x128xf32>
    %stack3A_119 = vector.shape_cast %slice3A_94 : vector<64x128xf32> to vector<1x64x128xf32>
    %stack3A_120 = vector.shape_cast %slice3A_95 : vector<64x128xf32> to vector<1x64x128xf32>
    %stack3A_121 = vector.shape_cast %slice3A_96 : vector<64x128xf32> to vector<1x64x128xf32>
    %stack3A_122 = vector.shape_cast %slice3A_97 : vector<64x128xf32> to vector<1x64x128xf32>
    %stack3A_123 = vector.shape_cast %slice3A_98 : vector<64x128xf32> to vector<1x64x128xf32>
    %stack3A_124 = vector.shape_cast %slice3A_99 : vector<64x128xf32> to vector<1x64x128xf32>
    %stack3A_125 = tpu.concatenate %stack3A_100, %stack3A_101, %stack3A_102, %stack3A_103, %stack3A_104, %stack3A_105, %stack3A_106, %stack3A_107, %stack3A_108, %stack3A_109, %stack3A_110, %stack3A_111, %stack3A_112, %stack3A_113, %stack3A_114, %stack3A_115, %stack3A_116, %stack3A_117, %stack3A_118, %stack3A_119, %stack3A_120, %stack3A_121, %stack3A_122, %stack3A_123, %stack3A_124 in 0 : vector<1x64x128xf32>, vector<1x64x128xf32>, vector<1x64x128xf32>, vector<1x64x128xf32>, vector<1x64x128xf32>, vector<1x64x128xf32>, vector<1x64x128xf32>, vector<1x64x128xf32>, vector<1x64x128xf32>, vector<1x64x128xf32>, vector<1x64x128xf32>, vector<1x64x128xf32>, vector<1x64x128xf32>, vector<1x64x128xf32>, vector<1x64x128xf32>, vector<1x64x128xf32>, vector<1x64x128xf32>, vector<1x64x128xf32>, vector<1x64x128xf32>, vector<1x64x128xf32>, vector<1x64x128xf32>, vector<1x64x128xf32>, vector<1x64x128xf32>, vector<1x64x128xf32>, vector<1x64x128xf32> -> vector<25x64x128xf32>
    %slice3A_126 = vector.extract_strided_slice %stack3A_125 {offsets = [0, 0, 1], sizes = [25, 64, 127], strides = [1, 1, 1]} : vector<25x64x128xf32> to vector<25x64x127xf32>
    %broadcast_in_dim3A = arith.constant 0.000000e+00 : f32
    %broadcast_in_dim3A_127 = vector.broadcast %broadcast_in_dim3A : f32 to vector<25x64x1xf32>
    %concatenate3A = tpu.concatenate %slice3A_126, %broadcast_in_dim3A_127 in 2 : vector<25x64x127xf32>, vector<25x64x1xf32> -> vector<25x64x128xf32>
    %slice3A_128 = vector.extract_strided_slice %get3A_3 {offsets = [0, 0], sizes = [64, 128], strides = [1, 1]} : vector<64x3200xf32> to vector<64x128xf32>
    %slice3A_129 = vector.extract_strided_slice %get3A_3 {offsets = [0, 128], sizes = [64, 128], strides = [1, 1]} : vector<64x3200xf32> to vector<64x128xf32>
    %slice3A_130 = vector.extract_strided_slice %get3A_3 {offsets = [0, 256], sizes = [64, 128], strides = [1, 1]} : vector<64x3200xf32> to vector<64x128xf32>
    %slice3A_131 = vector.extract_strided_slice %get3A_3 {offsets = [0, 384], sizes = [64, 128], strides = [1, 1]} : vector<64x3200xf32> to vector<64x128xf32>
    %slice3A_132 = vector.extract_strided_slice %get3A_3 {offsets = [0, 512], sizes = [64, 128], strides = [1, 1]} : vector<64x3200xf32> to vector<64x128xf32>
    %slice3A_133 = vector.extract_strided_slice %get3A_3 {offsets = [0, 640], sizes = [64, 128], strides = [1, 1]} : vector<64x3200xf32> to vector<64x128xf32>
    %slice3A_134 = vector.extract_strided_slice %get3A_3 {offsets = [0, 768], sizes = [64, 128], strides = [1, 1]} : vector<64x3200xf32> to vector<64x128xf32>
    %slice3A_135 = vector.extract_strided_slice %get3A_3 {offsets = [0, 896], sizes = [64, 128], strides = [1, 1]} : vector<64x3200xf32> to vector<64x128xf32>
    %slice3A_136 = vector.extract_strided_slice %get3A_3 {offsets = [0, 1024], sizes = [64, 128], strides = [1, 1]} : vector<64x3200xf32> to vector<64x128xf32>
    %slice3A_137 = vector.extract_strided_slice %get3A_3 {offsets = [0, 1152], sizes = [64, 128], strides = [1, 1]} : vector<64x3200xf32> to vector<64x128xf32>
    %slice3A_138 = vector.extract_strided_slice %get3A_3 {offsets = [0, 1280], sizes = [64, 128], strides = [1, 1]} : vector<64x3200xf32> to vector<64x128xf32>
    %slice3A_139 = vector.extract_strided_slice %get3A_3 {offsets = [0, 1408], sizes = [64, 128], strides = [1, 1]} : vector<64x3200xf32> to vector<64x128xf32>
    %slice3A_140 = vector.extract_strided_slice %get3A_3 {offsets = [0, 1536], sizes = [64, 128], strides = [1, 1]} : vector<64x3200xf32> to vector<64x128xf32>
    %slice3A_141 = vector.extract_strided_slice %get3A_3 {offsets = [0, 1664], sizes = [64, 128], strides = [1, 1]} : vector<64x3200xf32> to vector<64x128xf32>
    %slice3A_142 = vector.extract_strided_slice %get3A_3 {offsets = [0, 1792], sizes = [64, 128], strides = [1, 1]} : vector<64x3200xf32> to vector<64x128xf32>
    %slice3A_143 = vector.extract_strided_slice %get3A_3 {offsets = [0, 1920], sizes = [64, 128], strides = [1, 1]} : vector<64x3200xf32> to vector<64x128xf32>
    %slice3A_144 = vector.extract_strided_slice %get3A_3 {offsets = [0, 2048], sizes = [64, 128], strides = [1, 1]} : vector<64x3200xf32> to vector<64x128xf32>
    %slice3A_145 = vector.extract_strided_slice %get3A_3 {offsets = [0, 2176], sizes = [64, 128], strides = [1, 1]} : vector<64x3200xf32> to vector<64x128xf32>
    %slice3A_146 = vector.extract_strided_slice %get3A_3 {offsets = [0, 2304], sizes = [64, 128], strides = [1, 1]} : vector<64x3200xf32> to vector<64x128xf32>
    %slice3A_147 = vector.extract_strided_slice %get3A_3 {offsets = [0, 2432], sizes = [64, 128], strides = [1, 1]} : vector<64x3200xf32> to vector<64x128xf32>
    %slice3A_148 = vector.extract_strided_slice %get3A_3 {offsets = [0, 2560], sizes = [64, 128], strides = [1, 1]} : vector<64x3200xf32> to vector<64x128xf32>
    %slice3A_149 = vector.extract_strided_slice %get3A_3 {offsets = [0, 2688], sizes = [64, 128], strides = [1, 1]} : vector<64x3200xf32> to vector<64x128xf32>
    %slice3A_150 = vector.extract_strided_slice %get3A_3 {offsets = [0, 2816], sizes = [64, 128], strides = [1, 1]} : vector<64x3200xf32> to vector<64x128xf32>
    %slice3A_151 = vector.extract_strided_slice %get3A_3 {offsets = [0, 2944], sizes = [64, 128], strides = [1, 1]} : vector<64x3200xf32> to vector<64x128xf32>
    %slice3A_152 = vector.extract_strided_slice %get3A_3 {offsets = [0, 3072], sizes = [64, 128], strides = [1, 1]} : vector<64x3200xf32> to vector<64x128xf32>
    %stack3A_153 = vector.shape_cast %slice3A_128 : vector<64x128xf32> to vector<1x64x128xf32>
    %stack3A_154 = vector.shape_cast %slice3A_129 : vector<64x128xf32> to vector<1x64x128xf32>
    %stack3A_155 = vector.shape_cast %slice3A_130 : vector<64x128xf32> to vector<1x64x128xf32>
    %stack3A_156 = vector.shape_cast %slice3A_131 : vector<64x128xf32> to vector<1x64x128xf32>
    %stack3A_157 = vector.shape_cast %slice3A_132 : vector<64x128xf32> to vector<1x64x128xf32>
    %stack3A_158 = vector.shape_cast %slice3A_133 : vector<64x128xf32> to vector<1x64x128xf32>
    %stack3A_159 = vector.shape_cast %slice3A_134 : vector<64x128xf32> to vector<1x64x128xf32>
    %stack3A_160 = vector.shape_cast %slice3A_135 : vector<64x128xf32> to vector<1x64x128xf32>
    %stack3A_161 = vector.shape_cast %slice3A_136 : vector<64x128xf32> to vector<1x64x128xf32>
    %stack3A_162 = vector.shape_cast %slice3A_137 : vector<64x128xf32> to vector<1x64x128xf32>
    %stack3A_163 = vector.shape_cast %slice3A_138 : vector<64x128xf32> to vector<1x64x128xf32>
    %stack3A_164 = vector.shape_cast %slice3A_139 : vector<64x128xf32> to vector<1x64x128xf32>
    %stack3A_165 = vector.shape_cast %slice3A_140 : vector<64x128xf32> to vector<1x64x128xf32>
    %stack3A_166 = vector.shape_cast %slice3A_141 : vector<64x128xf32> to vector<1x64x128xf32>
    %stack3A_167 = vector.shape_cast %slice3A_142 : vector<64x128xf32> to vector<1x64x128xf32>
    %stack3A_168 = vector.shape_cast %slice3A_143 : vector<64x128xf32> to vector<1x64x128xf32>
    %stack3A_169 = vector.shape_cast %slice3A_144 : vector<64x128xf32> to vector<1x64x128xf32>
    %stack3A_170 = vector.shape_cast %slice3A_145 : vector<64x128xf32> to vector<1x64x128xf32>
    %stack3A_171 = vector.shape_cast %slice3A_146 : vector<64x128xf32> to vector<1x64x128xf32>
    %stack3A_172 = vector.shape_cast %slice3A_147 : vector<64x128xf32> to vector<1x64x128xf32>
    %stack3A_173 = vector.shape_cast %slice3A_148 : vector<64x128xf32> to vector<1x64x128xf32>
    %stack3A_174 = vector.shape_cast %slice3A_149 : vector<64x128xf32> to vector<1x64x128xf32>
    %stack3A_175 = vector.shape_cast %slice3A_150 : vector<64x128xf32> to vector<1x64x128xf32>
    %stack3A_176 = vector.shape_cast %slice3A_151 : vector<64x128xf32> to vector<1x64x128xf32>
    %stack3A_177 = vector.shape_cast %slice3A_152 : vector<64x128xf32> to vector<1x64x128xf32>
    %stack3A_178 = tpu.concatenate %stack3A_153, %stack3A_154, %stack3A_155, %stack3A_156, %stack3A_157, %stack3A_158, %stack3A_159, %stack3A_160, %stack3A_161, %stack3A_162, %stack3A_163, %stack3A_164, %stack3A_165, %stack3A_166, %stack3A_167, %stack3A_168, %stack3A_169, %stack3A_170, %stack3A_171, %stack3A_172, %stack3A_173, %stack3A_174, %stack3A_175, %stack3A_176, %stack3A_177 in 0 : vector<1x64x128xf32>, vector<1x64x128xf32>, vector<1x64x128xf32>, vector<1x64x128xf32>, vector<1x64x128xf32>, vector<1x64x128xf32>, vector<1x64x128xf32>, vector<1x64x128xf32>, vector<1x64x128xf32>, vector<1x64x128xf32>, vector<1x64x128xf32>, vector<1x64x128xf32>, vector<1x64x128xf32>, vector<1x64x128xf32>, vector<1x64x128xf32>, vector<1x64x128xf32>, vector<1x64x128xf32>, vector<1x64x128xf32>, vector<1x64x128xf32>, vector<1x64x128xf32>, vector<1x64x128xf32>, vector<1x64x128xf32>, vector<1x64x128xf32>, vector<1x64x128xf32>, vector<1x64x128xf32> -> vector<25x64x128xf32>
    %slice3A_179 = vector.extract_strided_slice %stack3A_178 {offsets = [0, 0, 1], sizes = [25, 64, 127], strides = [1, 1, 1]} : vector<25x64x128xf32> to vector<25x64x127xf32>
    %slice3A_180 = vector.extract_strided_slice %stack3A_178 {offsets = [0, 0, 0], sizes = [25, 64, 127], strides = [1, 1, 1]} : vector<25x64x128xf32> to vector<25x64x127xf32>
    %sub3A_181 = arith.subf %slice3A_179, %slice3A_180 : vector<25x64x127xf32>
    %mul3A_182 = arith.mulf %sub3A_181, %sub3A_181 : vector<25x64x127xf32>
    %reduce_sum3A = arith.constant dense<0.000000e+00> : vector<25x127xf32>
    %reduce_sum3A_183 = vector.multi_reduction <add>, %mul3A_182, %reduce_sum3A [1] : vector<25x64x127xf32> to vector<25x127xf32>
    %add3A_184 = arith.constant 9.99999996E-13 : f32
    %add3A_185 = vector.broadcast %add3A_184 : f32 to vector<25x127xf32>
    %add3A_186 = arith.addf %reduce_sum3A_183, %add3A_185 : vector<25x127xf32>
    %sqrt3A = math.sqrt %add3A_186 : vector<25x127xf32>
    %broadcast_in_dim3A_187 = arith.constant 0.000000e+00 : f32
    %broadcast_in_dim3A_188 = vector.broadcast %broadcast_in_dim3A_187 : f32 to vector<25x1xf32>
    %concatenate3A_189 = tpu.concatenate %broadcast_in_dim3A_188, %sqrt3A in 1 : vector<25x1xf32>, vector<25x127xf32> -> vector<25x128xf32>
    %slice3A_190 = vector.extract_strided_slice %concatenate3A_189 {offsets = [0, 1], sizes = [25, 127], strides = [1, 1]} : vector<25x128xf32> to vector<25x127xf32>
    %broadcast_in_dim3A_191 = arith.constant 0.000000e+00 : f32
    %broadcast_in_dim3A_192 = vector.broadcast %broadcast_in_dim3A_191 : f32 to vector<25x1xf32>
    %concatenate3A_193 = tpu.concatenate %slice3A_190, %broadcast_in_dim3A_192 in 1 : vector<25x127xf32>, vector<25x1xf32> -> vector<25x128xf32>
    %mul3A_194 = arith.mulf %stack3A_74, %stack3A_74 : vector<25x64x128xf32>
    %reduce_sum3A_195 = arith.constant dense<0.000000e+00> : vector<25x128xf32>
    %reduce_sum3A_196 = vector.multi_reduction <add>, %mul3A_194, %reduce_sum3A_195 [1] : vector<25x64x128xf32> to vector<25x128xf32>
    %mul3A_197 = arith.mulf %concatenate3A, %concatenate3A : vector<25x64x128xf32>
    %reduce_sum3A_198 = arith.constant dense<0.000000e+00> : vector<25x128xf32>
    %reduce_sum3A_199 = vector.multi_reduction <add>, %mul3A_197, %reduce_sum3A_198 [1] : vector<25x64x128xf32> to vector<25x128xf32>
    %convert_element_type3A_200 = arith.truncf %stack3A_74 : vector<25x64x128xf32> to vector<25x64x128xbf16>
    %convert_element_type3A_201 = arith.extf %convert_element_type3A_200 : vector<25x64x128xbf16> to vector<25x64x128xf32>
    %convert_element_type3A_202 = arith.truncf %concatenate3A : vector<25x64x128xf32> to vector<25x64x128xbf16>
    %convert_element_type3A_203 = arith.extf %convert_element_type3A_202 : vector<25x64x128xbf16> to vector<25x64x128xf32>
    %slice3A_204 = vector.extract_strided_slice %convert_element_type3A_201 {offsets = [0, 0, 0], sizes = [1, 64, 128], strides = [1, 1, 1]} : vector<25x64x128xf32> to vector<1x64x128xf32>
    %squeeze3A = vector.shape_cast %slice3A_204 : vector<1x64x128xf32> to vector<64x128xf32>
    %broadcast_in_dim3A_205 = vector.shape_cast %squeeze3A : vector<64x128xf32> to vector<1x64x128xf32>
    %mul3A_206 = vector.broadcast %broadcast_in_dim3A_205 : vector<1x64x128xf32> to vector<25x64x128xf32>
    %mul3A_207 = arith.mulf %mul3A_206, %convert_element_type3A_203 : vector<25x64x128xf32>
    %reduce_sum3A_208 = arith.constant dense<0.000000e+00> : vector<25x128xf32>
    %reduce_sum3A_209 = vector.multi_reduction <add>, %mul3A_207, %reduce_sum3A_208 [1] : vector<25x64x128xf32> to vector<25x128xf32>
    %slice3A_210 = vector.extract_strided_slice %reduce_sum3A_196 {offsets = [0, 0], sizes = [1, 128], strides = [1, 1]} : vector<25x128xf32> to vector<1x128xf32>
    %add3A_211 = vector.broadcast %slice3A_210 : vector<1x128xf32> to vector<25x128xf32>
    %add3A_212 = arith.addf %add3A_211, %reduce_sum3A_199 : vector<25x128xf32>
    %mul3A_213 = arith.constant 2.000000e+00 : f32
    %mul3A_214 = vector.broadcast %mul3A_213 : f32 to vector<25x128xf32>
    %mul3A_215 = arith.mulf %mul3A_214, %reduce_sum3A_209 : vector<25x128xf32>
    %sub3A_216 = arith.subf %add3A_212, %mul3A_215 : vector<25x128xf32>
    %max3A = arith.constant 0.000000e+00 : f32
    %max3A_217 = vector.broadcast %max3A : f32 to vector<25x128xf32>
    %max3A_218 = arith.maximumf %sub3A_216, %max3A_217 : vector<25x128xf32>
    %add3A_219 = arith.constant 9.99999993E-9 : f32
    %add3A_220 = vector.broadcast %add3A_219 : f32 to vector<25x128xf32>
    %add3A_221 = arith.addf %max3A_218, %add3A_220 : vector<25x128xf32>
    %sqrt3A_222 = math.sqrt %add3A_221 : vector<25x128xf32>
    %neg3A = arith.constant 0.000000e+00 : f32
    %neg3A_223 = vector.broadcast %neg3A : f32 to vector<25x128xf32>
    %neg3A_224 = arith.subf %neg3A_223, %sqrt3A_222 : vector<25x128xf32>
    %mul3A_225 = arith.constant 1.000000e+00 : f32
    %mul3A_226 = vector.broadcast %mul3A_225 : f32 to vector<25x128xf32>
    %mul3A_227 = arith.mulf %neg3A_224, %mul3A_226 : vector<25x128xf32>
    %slice3A_228 = vector.extract_strided_slice %concatenate3A_189 {offsets = [0, 0], sizes = [1, 128], strides = [1, 1]} : vector<25x128xf32> to vector<1x128xf32>
    %sub3A_229 = vector.broadcast %slice3A_228 : vector<1x128xf32> to vector<25x128xf32>
    %sub3A_230 = arith.subf %sub3A_229, %concatenate3A_193 : vector<25x128xf32>
    %abs3A = math.absf %sub3A_230 : vector<25x128xf32>
    %mul3A_231 = arith.constant 2.000000e-01 : f32
    %mul3A_232 = vector.broadcast %mul3A_231 : f32 to vector<25x128xf32>
    %mul3A_233 = arith.mulf %mul3A_232, %abs3A : vector<25x128xf32>
    %sub3A_234 = arith.subf %mul3A_227, %mul3A_233 : vector<25x128xf32>
    %jit3A = arith.constant -8.000000e+00 : f32
    %jit3A_235 = arith.constant 8.000000e+00 : f32
    %max3A_236 = vector.broadcast %jit3A : f32 to vector<25x128xf32>
    %max3A_237 = arith.maximumf %max3A_236, %sub3A_234 : vector<25x128xf32>
    %min3A = vector.broadcast %jit3A_235 : f32 to vector<25x128xf32>
    %min3A_238 = arith.minimumf %min3A, %max3A_237 : vector<25x128xf32>
    %mul3A_239 = arith.constant 2.000000e+00 : f32
    %mul3A_240 = vector.broadcast %mul3A_239 : f32 to vector<25x128xf32>
    %mul3A_241 = arith.mulf %min3A_238, %mul3A_240 : vector<25x128xf32>
    %exp3A = math.exp %mul3A_241 : vector<25x128xf32>
    %add3A_242 = arith.constant 9.99999997E-7 : f32
    %add3A_243 = vector.broadcast %add3A_242 : f32 to vector<25x128xf32>
    %add3A_244 = arith.addf %exp3A, %add3A_243 : vector<25x128xf32>
    %slice3A_245 = vector.extract_strided_slice %convert_element_type3A_201 {offsets = [1, 0, 0], sizes = [1, 64, 128], strides = [1, 1, 1]} : vector<25x64x128xf32> to vector<1x64x128xf32>
    %squeeze3A_246 = vector.shape_cast %slice3A_245 : vector<1x64x128xf32> to vector<64x128xf32>
    %broadcast_in_dim3A_247 = vector.shape_cast %squeeze3A_246 : vector<64x128xf32> to vector<1x64x128xf32>
    %mul3A_248 = vector.broadcast %broadcast_in_dim3A_247 : vector<1x64x128xf32> to vector<25x64x128xf32>
    %mul3A_249 = arith.mulf %mul3A_248, %convert_element_type3A_203 : vector<25x64x128xf32>
    %reduce_sum3A_250 = arith.constant dense<0.000000e+00> : vector<25x128xf32>
    %reduce_sum3A_251 = vector.multi_reduction <add>, %mul3A_249, %reduce_sum3A_250 [1] : vector<25x64x128xf32> to vector<25x128xf32>
    %slice3A_252 = vector.extract_strided_slice %reduce_sum3A_196 {offsets = [1, 0], sizes = [1, 128], strides = [1, 1]} : vector<25x128xf32> to vector<1x128xf32>
    %add3A_253 = vector.broadcast %slice3A_252 : vector<1x128xf32> to vector<25x128xf32>
    %add3A_254 = arith.addf %add3A_253, %reduce_sum3A_199 : vector<25x128xf32>
    %mul3A_255 = arith.constant 2.000000e+00 : f32
    %mul3A_256 = vector.broadcast %mul3A_255 : f32 to vector<25x128xf32>
    %mul3A_257 = arith.mulf %mul3A_256, %reduce_sum3A_251 : vector<25x128xf32>
    %sub3A_258 = arith.subf %add3A_254, %mul3A_257 : vector<25x128xf32>
    %max3A_259 = arith.constant 0.000000e+00 : f32
    %max3A_260 = vector.broadcast %max3A_259 : f32 to vector<25x128xf32>
    %max3A_261 = arith.maximumf %sub3A_258, %max3A_260 : vector<25x128xf32>
    %add3A_262 = arith.constant 9.99999993E-9 : f32
    %add3A_263 = vector.broadcast %add3A_262 : f32 to vector<25x128xf32>
    %add3A_264 = arith.addf %max3A_261, %add3A_263 : vector<25x128xf32>
    %sqrt3A_265 = math.sqrt %add3A_264 : vector<25x128xf32>
    %neg3A_266 = arith.constant 0.000000e+00 : f32
    %neg3A_267 = vector.broadcast %neg3A_266 : f32 to vector<25x128xf32>
    %neg3A_268 = arith.subf %neg3A_267, %sqrt3A_265 : vector<25x128xf32>
    %mul3A_269 = arith.constant 1.000000e+00 : f32
    %mul3A_270 = vector.broadcast %mul3A_269 : f32 to vector<25x128xf32>
    %mul3A_271 = arith.mulf %neg3A_268, %mul3A_270 : vector<25x128xf32>
    %slice3A_272 = vector.extract_strided_slice %concatenate3A_189 {offsets = [1, 0], sizes = [1, 128], strides = [1, 1]} : vector<25x128xf32> to vector<1x128xf32>
    %sub3A_273 = vector.broadcast %slice3A_272 : vector<1x128xf32> to vector<25x128xf32>
    %sub3A_274 = arith.subf %sub3A_273, %concatenate3A_193 : vector<25x128xf32>
    %abs3A_275 = math.absf %sub3A_274 : vector<25x128xf32>
    %mul3A_276 = arith.constant 2.000000e-01 : f32
    %mul3A_277 = vector.broadcast %mul3A_276 : f32 to vector<25x128xf32>
    %mul3A_278 = arith.mulf %mul3A_277, %abs3A_275 : vector<25x128xf32>
    %sub3A_279 = arith.subf %mul3A_271, %mul3A_278 : vector<25x128xf32>
    %jit3A_280 = arith.constant -8.000000e+00 : f32
    %jit3A_281 = arith.constant 8.000000e+00 : f32
    %max3A_282 = vector.broadcast %jit3A_280 : f32 to vector<25x128xf32>
    %max3A_283 = arith.maximumf %max3A_282, %sub3A_279 : vector<25x128xf32>
    %min3A_284 = vector.broadcast %jit3A_281 : f32 to vector<25x128xf32>
    %min3A_285 = arith.minimumf %min3A_284, %max3A_283 : vector<25x128xf32>
    %mul3A_286 = arith.constant 2.000000e+00 : f32
    %mul3A_287 = vector.broadcast %mul3A_286 : f32 to vector<25x128xf32>
    %mul3A_288 = arith.mulf %min3A_285, %mul3A_287 : vector<25x128xf32>
    %exp3A_289 = math.exp %mul3A_288 : vector<25x128xf32>
    %add3A_290 = arith.constant 9.99999997E-7 : f32
    %add3A_291 = vector.broadcast %add3A_290 : f32 to vector<25x128xf32>
    %add3A_292 = arith.addf %exp3A_289, %add3A_291 : vector<25x128xf32>
    %slice3A_293 = vector.extract_strided_slice %convert_element_type3A_201 {offsets = [2, 0, 0], sizes = [1, 64, 128], strides = [1, 1, 1]} : vector<25x64x128xf32> to vector<1x64x128xf32>
    %squeeze3A_294 = vector.shape_cast %slice3A_293 : vector<1x64x128xf32> to vector<64x128xf32>
    %broadcast_in_dim3A_295 = vector.shape_cast %squeeze3A_294 : vector<64x128xf32> to vector<1x64x128xf32>
    %mul3A_296 = vector.broadcast %broadcast_in_dim3A_295 : vector<1x64x128xf32> to vector<25x64x128xf32>
    %mul3A_297 = arith.mulf %mul3A_296, %convert_element_type3A_203 : vector<25x64x128xf32>
    %reduce_sum3A_298 = arith.constant dense<0.000000e+00> : vector<25x128xf32>
    %reduce_sum3A_299 = vector.multi_reduction <add>, %mul3A_297, %reduce_sum3A_298 [1] : vector<25x64x128xf32> to vector<25x128xf32>
    %slice3A_300 = vector.extract_strided_slice %reduce_sum3A_196 {offsets = [2, 0], sizes = [1, 128], strides = [1, 1]} : vector<25x128xf32> to vector<1x128xf32>
    %add3A_301 = vector.broadcast %slice3A_300 : vector<1x128xf32> to vector<25x128xf32>
    %add3A_302 = arith.addf %add3A_301, %reduce_sum3A_199 : vector<25x128xf32>
    %mul3A_303 = arith.constant 2.000000e+00 : f32
    %mul3A_304 = vector.broadcast %mul3A_303 : f32 to vector<25x128xf32>
    %mul3A_305 = arith.mulf %mul3A_304, %reduce_sum3A_299 : vector<25x128xf32>
    %sub3A_306 = arith.subf %add3A_302, %mul3A_305 : vector<25x128xf32>
    %max3A_307 = arith.constant 0.000000e+00 : f32
    %max3A_308 = vector.broadcast %max3A_307 : f32 to vector<25x128xf32>
    %max3A_309 = arith.maximumf %sub3A_306, %max3A_308 : vector<25x128xf32>
    %add3A_310 = arith.constant 9.99999993E-9 : f32
    %add3A_311 = vector.broadcast %add3A_310 : f32 to vector<25x128xf32>
    %add3A_312 = arith.addf %max3A_309, %add3A_311 : vector<25x128xf32>
    %sqrt3A_313 = math.sqrt %add3A_312 : vector<25x128xf32>
    %neg3A_314 = arith.constant 0.000000e+00 : f32
    %neg3A_315 = vector.broadcast %neg3A_314 : f32 to vector<25x128xf32>
    %neg3A_316 = arith.subf %neg3A_315, %sqrt3A_313 : vector<25x128xf32>
    %mul3A_317 = arith.constant 1.000000e+00 : f32
    %mul3A_318 = vector.broadcast %mul3A_317 : f32 to vector<25x128xf32>
    %mul3A_319 = arith.mulf %neg3A_316, %mul3A_318 : vector<25x128xf32>
    %slice3A_320 = vector.extract_strided_slice %concatenate3A_189 {offsets = [2, 0], sizes = [1, 128], strides = [1, 1]} : vector<25x128xf32> to vector<1x128xf32>
    %sub3A_321 = vector.broadcast %slice3A_320 : vector<1x128xf32> to vector<25x128xf32>
    %sub3A_322 = arith.subf %sub3A_321, %concatenate3A_193 : vector<25x128xf32>
    %abs3A_323 = math.absf %sub3A_322 : vector<25x128xf32>
    %mul3A_324 = arith.constant 2.000000e-01 : f32
    %mul3A_325 = vector.broadcast %mul3A_324 : f32 to vector<25x128xf32>
    %mul3A_326 = arith.mulf %mul3A_325, %abs3A_323 : vector<25x128xf32>
    %sub3A_327 = arith.subf %mul3A_319, %mul3A_326 : vector<25x128xf32>
    %jit3A_328 = arith.constant -8.000000e+00 : f32
    %jit3A_329 = arith.constant 8.000000e+00 : f32
    %max3A_330 = vector.broadcast %jit3A_328 : f32 to vector<25x128xf32>
    %max3A_331 = arith.maximumf %max3A_330, %sub3A_327 : vector<25x128xf32>
    %min3A_332 = vector.broadcast %jit3A_329 : f32 to vector<25x128xf32>
    %min3A_333 = arith.minimumf %min3A_332, %max3A_331 : vector<25x128xf32>
    %mul3A_334 = arith.constant 2.000000e+00 : f32
    %mul3A_335 = vector.broadcast %mul3A_334 : f32 to vector<25x128xf32>
    %mul3A_336 = arith.mulf %min3A_333, %mul3A_335 : vector<25x128xf32>
    %exp3A_337 = math.exp %mul3A_336 : vector<25x128xf32>
    %add3A_338 = arith.constant 9.99999997E-7 : f32
    %add3A_339 = vector.broadcast %add3A_338 : f32 to vector<25x128xf32>
    %add3A_340 = arith.addf %exp3A_337, %add3A_339 : vector<25x128xf32>
    %slice3A_341 = vector.extract_strided_slice %convert_element_type3A_201 {offsets = [3, 0, 0], sizes = [1, 64, 128], strides = [1, 1, 1]} : vector<25x64x128xf32> to vector<1x64x128xf32>
    %squeeze3A_342 = vector.shape_cast %slice3A_341 : vector<1x64x128xf32> to vector<64x128xf32>
    %broadcast_in_dim3A_343 = vector.shape_cast %squeeze3A_342 : vector<64x128xf32> to vector<1x64x128xf32>
    %mul3A_344 = vector.broadcast %broadcast_in_dim3A_343 : vector<1x64x128xf32> to vector<25x64x128xf32>
    %mul3A_345 = arith.mulf %mul3A_344, %convert_element_type3A_203 : vector<25x64x128xf32>
    %reduce_sum3A_346 = arith.constant dense<0.000000e+00> : vector<25x128xf32>
    %reduce_sum3A_347 = vector.multi_reduction <add>, %mul3A_345, %reduce_sum3A_346 [1] : vector<25x64x128xf32> to vector<25x128xf32>
    %slice3A_348 = vector.extract_strided_slice %reduce_sum3A_196 {offsets = [3, 0], sizes = [1, 128], strides = [1, 1]} : vector<25x128xf32> to vector<1x128xf32>
    %add3A_349 = vector.broadcast %slice3A_348 : vector<1x128xf32> to vector<25x128xf32>
    %add3A_350 = arith.addf %add3A_349, %reduce_sum3A_199 : vector<25x128xf32>
    %mul3A_351 = arith.constant 2.000000e+00 : f32
    %mul3A_352 = vector.broadcast %mul3A_351 : f32 to vector<25x128xf32>
    %mul3A_353 = arith.mulf %mul3A_352, %reduce_sum3A_347 : vector<25x128xf32>
    %sub3A_354 = arith.subf %add3A_350, %mul3A_353 : vector<25x128xf32>
    %max3A_355 = arith.constant 0.000000e+00 : f32
    %max3A_356 = vector.broadcast %max3A_355 : f32 to vector<25x128xf32>
    %max3A_357 = arith.maximumf %sub3A_354, %max3A_356 : vector<25x128xf32>
    %add3A_358 = arith.constant 9.99999993E-9 : f32
    %add3A_359 = vector.broadcast %add3A_358 : f32 to vector<25x128xf32>
    %add3A_360 = arith.addf %max3A_357, %add3A_359 : vector<25x128xf32>
    %sqrt3A_361 = math.sqrt %add3A_360 : vector<25x128xf32>
    %neg3A_362 = arith.constant 0.000000e+00 : f32
    %neg3A_363 = vector.broadcast %neg3A_362 : f32 to vector<25x128xf32>
    %neg3A_364 = arith.subf %neg3A_363, %sqrt3A_361 : vector<25x128xf32>
    %mul3A_365 = arith.constant 1.000000e+00 : f32
    %mul3A_366 = vector.broadcast %mul3A_365 : f32 to vector<25x128xf32>
    %mul3A_367 = arith.mulf %neg3A_364, %mul3A_366 : vector<25x128xf32>
    %slice3A_368 = vector.extract_strided_slice %concatenate3A_189 {offsets = [3, 0], sizes = [1, 128], strides = [1, 1]} : vector<25x128xf32> to vector<1x128xf32>
    %sub3A_369 = vector.broadcast %slice3A_368 : vector<1x128xf32> to vector<25x128xf32>
    %sub3A_370 = arith.subf %sub3A_369, %concatenate3A_193 : vector<25x128xf32>
    %abs3A_371 = math.absf %sub3A_370 : vector<25x128xf32>
    %mul3A_372 = arith.constant 2.000000e-01 : f32
    %mul3A_373 = vector.broadcast %mul3A_372 : f32 to vector<25x128xf32>
    %mul3A_374 = arith.mulf %mul3A_373, %abs3A_371 : vector<25x128xf32>
    %sub3A_375 = arith.subf %mul3A_367, %mul3A_374 : vector<25x128xf32>
    %jit3A_376 = arith.constant -8.000000e+00 : f32
    %jit3A_377 = arith.constant 8.000000e+00 : f32
    %max3A_378 = vector.broadcast %jit3A_376 : f32 to vector<25x128xf32>
    %max3A_379 = arith.maximumf %max3A_378, %sub3A_375 : vector<25x128xf32>
    %min3A_380 = vector.broadcast %jit3A_377 : f32 to vector<25x128xf32>
    %min3A_381 = arith.minimumf %min3A_380, %max3A_379 : vector<25x128xf32>
    %mul3A_382 = arith.constant 2.000000e+00 : f32
    %mul3A_383 = vector.broadcast %mul3A_382 : f32 to vector<25x128xf32>
    %mul3A_384 = arith.mulf %min3A_381, %mul3A_383 : vector<25x128xf32>
    %exp3A_385 = math.exp %mul3A_384 : vector<25x128xf32>
    %add3A_386 = arith.constant 9.99999997E-7 : f32
    %add3A_387 = vector.broadcast %add3A_386 : f32 to vector<25x128xf32>
    %add3A_388 = arith.addf %exp3A_385, %add3A_387 : vector<25x128xf32>
    %slice3A_389 = vector.extract_strided_slice %convert_element_type3A_201 {offsets = [4, 0, 0], sizes = [1, 64, 128], strides = [1, 1, 1]} : vector<25x64x128xf32> to vector<1x64x128xf32>
    %squeeze3A_390 = vector.shape_cast %slice3A_389 : vector<1x64x128xf32> to vector<64x128xf32>
    %broadcast_in_dim3A_391 = vector.shape_cast %squeeze3A_390 : vector<64x128xf32> to vector<1x64x128xf32>
    %mul3A_392 = vector.broadcast %broadcast_in_dim3A_391 : vector<1x64x128xf32> to vector<25x64x128xf32>
    %mul3A_393 = arith.mulf %mul3A_392, %convert_element_type3A_203 : vector<25x64x128xf32>
    %reduce_sum3A_394 = arith.constant dense<0.000000e+00> : vector<25x128xf32>
    %reduce_sum3A_395 = vector.multi_reduction <add>, %mul3A_393, %reduce_sum3A_394 [1] : vector<25x64x128xf32> to vector<25x128xf32>
    %slice3A_396 = vector.extract_strided_slice %reduce_sum3A_196 {offsets = [4, 0], sizes = [1, 128], strides = [1, 1]} : vector<25x128xf32> to vector<1x128xf32>
    %add3A_397 = vector.broadcast %slice3A_396 : vector<1x128xf32> to vector<25x128xf32>
    %add3A_398 = arith.addf %add3A_397, %reduce_sum3A_199 : vector<25x128xf32>
    %mul3A_399 = arith.constant 2.000000e+00 : f32
    %mul3A_400 = vector.broadcast %mul3A_399 : f32 to vector<25x128xf32>
    %mul3A_401 = arith.mulf %mul3A_400, %reduce_sum3A_395 : vector<25x128xf32>
    %sub3A_402 = arith.subf %add3A_398, %mul3A_401 : vector<25x128xf32>
    %max3A_403 = arith.constant 0.000000e+00 : f32
    %max3A_404 = vector.broadcast %max3A_403 : f32 to vector<25x128xf32>
    %max3A_405 = arith.maximumf %sub3A_402, %max3A_404 : vector<25x128xf32>
    %add3A_406 = arith.constant 9.99999993E-9 : f32
    %add3A_407 = vector.broadcast %add3A_406 : f32 to vector<25x128xf32>
    %add3A_408 = arith.addf %max3A_405, %add3A_407 : vector<25x128xf32>
    %sqrt3A_409 = math.sqrt %add3A_408 : vector<25x128xf32>
    %neg3A_410 = arith.constant 0.000000e+00 : f32
    %neg3A_411 = vector.broadcast %neg3A_410 : f32 to vector<25x128xf32>
    %neg3A_412 = arith.subf %neg3A_411, %sqrt3A_409 : vector<25x128xf32>
    %mul3A_413 = arith.constant 1.000000e+00 : f32
    %mul3A_414 = vector.broadcast %mul3A_413 : f32 to vector<25x128xf32>
    %mul3A_415 = arith.mulf %neg3A_412, %mul3A_414 : vector<25x128xf32>
    %slice3A_416 = vector.extract_strided_slice %concatenate3A_189 {offsets = [4, 0], sizes = [1, 128], strides = [1, 1]} : vector<25x128xf32> to vector<1x128xf32>
    %sub3A_417 = vector.broadcast %slice3A_416 : vector<1x128xf32> to vector<25x128xf32>
    %sub3A_418 = arith.subf %sub3A_417, %concatenate3A_193 : vector<25x128xf32>
    %abs3A_419 = math.absf %sub3A_418 : vector<25x128xf32>
    %mul3A_420 = arith.constant 2.000000e-01 : f32
    %mul3A_421 = vector.broadcast %mul3A_420 : f32 to vector<25x128xf32>
    %mul3A_422 = arith.mulf %mul3A_421, %abs3A_419 : vector<25x128xf32>
    %sub3A_423 = arith.subf %mul3A_415, %mul3A_422 : vector<25x128xf32>
    %jit3A_424 = arith.constant -8.000000e+00 : f32
    %jit3A_425 = arith.constant 8.000000e+00 : f32
    %max3A_426 = vector.broadcast %jit3A_424 : f32 to vector<25x128xf32>
    %max3A_427 = arith.maximumf %max3A_426, %sub3A_423 : vector<25x128xf32>
    %min3A_428 = vector.broadcast %jit3A_425 : f32 to vector<25x128xf32>
    %min3A_429 = arith.minimumf %min3A_428, %max3A_427 : vector<25x128xf32>
    %mul3A_430 = arith.constant 2.000000e+00 : f32
    %mul3A_431 = vector.broadcast %mul3A_430 : f32 to vector<25x128xf32>
    %mul3A_432 = arith.mulf %min3A_429, %mul3A_431 : vector<25x128xf32>
    %exp3A_433 = math.exp %mul3A_432 : vector<25x128xf32>
    %add3A_434 = arith.constant 9.99999997E-7 : f32
    %add3A_435 = vector.broadcast %add3A_434 : f32 to vector<25x128xf32>
    %add3A_436 = arith.addf %exp3A_433, %add3A_435 : vector<25x128xf32>
    %slice3A_437 = vector.extract_strided_slice %convert_element_type3A_201 {offsets = [5, 0, 0], sizes = [1, 64, 128], strides = [1, 1, 1]} : vector<25x64x128xf32> to vector<1x64x128xf32>
    %squeeze3A_438 = vector.shape_cast %slice3A_437 : vector<1x64x128xf32> to vector<64x128xf32>
    %broadcast_in_dim3A_439 = vector.shape_cast %squeeze3A_438 : vector<64x128xf32> to vector<1x64x128xf32>
    %mul3A_440 = vector.broadcast %broadcast_in_dim3A_439 : vector<1x64x128xf32> to vector<25x64x128xf32>
    %mul3A_441 = arith.mulf %mul3A_440, %convert_element_type3A_203 : vector<25x64x128xf32>
    %reduce_sum3A_442 = arith.constant dense<0.000000e+00> : vector<25x128xf32>
    %reduce_sum3A_443 = vector.multi_reduction <add>, %mul3A_441, %reduce_sum3A_442 [1] : vector<25x64x128xf32> to vector<25x128xf32>
    %slice3A_444 = vector.extract_strided_slice %reduce_sum3A_196 {offsets = [5, 0], sizes = [1, 128], strides = [1, 1]} : vector<25x128xf32> to vector<1x128xf32>
    %add3A_445 = vector.broadcast %slice3A_444 : vector<1x128xf32> to vector<25x128xf32>
    %add3A_446 = arith.addf %add3A_445, %reduce_sum3A_199 : vector<25x128xf32>
    %mul3A_447 = arith.constant 2.000000e+00 : f32
    %mul3A_448 = vector.broadcast %mul3A_447 : f32 to vector<25x128xf32>
    %mul3A_449 = arith.mulf %mul3A_448, %reduce_sum3A_443 : vector<25x128xf32>
    %sub3A_450 = arith.subf %add3A_446, %mul3A_449 : vector<25x128xf32>
    %max3A_451 = arith.constant 0.000000e+00 : f32
    %max3A_452 = vector.broadcast %max3A_451 : f32 to vector<25x128xf32>
    %max3A_453 = arith.maximumf %sub3A_450, %max3A_452 : vector<25x128xf32>
    %add3A_454 = arith.constant 9.99999993E-9 : f32
    %add3A_455 = vector.broadcast %add3A_454 : f32 to vector<25x128xf32>
    %add3A_456 = arith.addf %max3A_453, %add3A_455 : vector<25x128xf32>
    %sqrt3A_457 = math.sqrt %add3A_456 : vector<25x128xf32>
    %neg3A_458 = arith.constant 0.000000e+00 : f32
    %neg3A_459 = vector.broadcast %neg3A_458 : f32 to vector<25x128xf32>
    %neg3A_460 = arith.subf %neg3A_459, %sqrt3A_457 : vector<25x128xf32>
    %mul3A_461 = arith.constant 1.000000e+00 : f32
    %mul3A_462 = vector.broadcast %mul3A_461 : f32 to vector<25x128xf32>
    %mul3A_463 = arith.mulf %neg3A_460, %mul3A_462 : vector<25x128xf32>
    %slice3A_464 = vector.extract_strided_slice %concatenate3A_189 {offsets = [5, 0], sizes = [1, 128], strides = [1, 1]} : vector<25x128xf32> to vector<1x128xf32>
    %sub3A_465 = vector.broadcast %slice3A_464 : vector<1x128xf32> to vector<25x128xf32>
    %sub3A_466 = arith.subf %sub3A_465, %concatenate3A_193 : vector<25x128xf32>
    %abs3A_467 = math.absf %sub3A_466 : vector<25x128xf32>
    %mul3A_468 = arith.constant 2.000000e-01 : f32
    %mul3A_469 = vector.broadcast %mul3A_468 : f32 to vector<25x128xf32>
    %mul3A_470 = arith.mulf %mul3A_469, %abs3A_467 : vector<25x128xf32>
    %sub3A_471 = arith.subf %mul3A_463, %mul3A_470 : vector<25x128xf32>
    %jit3A_472 = arith.constant -8.000000e+00 : f32
    %jit3A_473 = arith.constant 8.000000e+00 : f32
    %max3A_474 = vector.broadcast %jit3A_472 : f32 to vector<25x128xf32>
    %max3A_475 = arith.maximumf %max3A_474, %sub3A_471 : vector<25x128xf32>
    %min3A_476 = vector.broadcast %jit3A_473 : f32 to vector<25x128xf32>
    %min3A_477 = arith.minimumf %min3A_476, %max3A_475 : vector<25x128xf32>
    %mul3A_478 = arith.constant 2.000000e+00 : f32
    %mul3A_479 = vector.broadcast %mul3A_478 : f32 to vector<25x128xf32>
    %mul3A_480 = arith.mulf %min3A_477, %mul3A_479 : vector<25x128xf32>
    %exp3A_481 = math.exp %mul3A_480 : vector<25x128xf32>
    %add3A_482 = arith.constant 9.99999997E-7 : f32
    %add3A_483 = vector.broadcast %add3A_482 : f32 to vector<25x128xf32>
    %add3A_484 = arith.addf %exp3A_481, %add3A_483 : vector<25x128xf32>
    %slice3A_485 = vector.extract_strided_slice %convert_element_type3A_201 {offsets = [6, 0, 0], sizes = [1, 64, 128], strides = [1, 1, 1]} : vector<25x64x128xf32> to vector<1x64x128xf32>
    %squeeze3A_486 = vector.shape_cast %slice3A_485 : vector<1x64x128xf32> to vector<64x128xf32>
    %broadcast_in_dim3A_487 = vector.shape_cast %squeeze3A_486 : vector<64x128xf32> to vector<1x64x128xf32>
    %mul3A_488 = vector.broadcast %broadcast_in_dim3A_487 : vector<1x64x128xf32> to vector<25x64x128xf32>
    %mul3A_489 = arith.mulf %mul3A_488, %convert_element_type3A_203 : vector<25x64x128xf32>
    %reduce_sum3A_490 = arith.constant dense<0.000000e+00> : vector<25x128xf32>
    %reduce_sum3A_491 = vector.multi_reduction <add>, %mul3A_489, %reduce_sum3A_490 [1] : vector<25x64x128xf32> to vector<25x128xf32>
    %slice3A_492 = vector.extract_strided_slice %reduce_sum3A_196 {offsets = [6, 0], sizes = [1, 128], strides = [1, 1]} : vector<25x128xf32> to vector<1x128xf32>
    %add3A_493 = vector.broadcast %slice3A_492 : vector<1x128xf32> to vector<25x128xf32>
    %add3A_494 = arith.addf %add3A_493, %reduce_sum3A_199 : vector<25x128xf32>
    %mul3A_495 = arith.constant 2.000000e+00 : f32
    %mul3A_496 = vector.broadcast %mul3A_495 : f32 to vector<25x128xf32>
    %mul3A_497 = arith.mulf %mul3A_496, %reduce_sum3A_491 : vector<25x128xf32>
    %sub3A_498 = arith.subf %add3A_494, %mul3A_497 : vector<25x128xf32>
    %max3A_499 = arith.constant 0.000000e+00 : f32
    %max3A_500 = vector.broadcast %max3A_499 : f32 to vector<25x128xf32>
    %max3A_501 = arith.maximumf %sub3A_498, %max3A_500 : vector<25x128xf32>
    %add3A_502 = arith.constant 9.99999993E-9 : f32
    %add3A_503 = vector.broadcast %add3A_502 : f32 to vector<25x128xf32>
    %add3A_504 = arith.addf %max3A_501, %add3A_503 : vector<25x128xf32>
    %sqrt3A_505 = math.sqrt %add3A_504 : vector<25x128xf32>
    %neg3A_506 = arith.constant 0.000000e+00 : f32
    %neg3A_507 = vector.broadcast %neg3A_506 : f32 to vector<25x128xf32>
    %neg3A_508 = arith.subf %neg3A_507, %sqrt3A_505 : vector<25x128xf32>
    %mul3A_509 = arith.constant 1.000000e+00 : f32
    %mul3A_510 = vector.broadcast %mul3A_509 : f32 to vector<25x128xf32>
    %mul3A_511 = arith.mulf %neg3A_508, %mul3A_510 : vector<25x128xf32>
    %slice3A_512 = vector.extract_strided_slice %concatenate3A_189 {offsets = [6, 0], sizes = [1, 128], strides = [1, 1]} : vector<25x128xf32> to vector<1x128xf32>
    %sub3A_513 = vector.broadcast %slice3A_512 : vector<1x128xf32> to vector<25x128xf32>
    %sub3A_514 = arith.subf %sub3A_513, %concatenate3A_193 : vector<25x128xf32>
    %abs3A_515 = math.absf %sub3A_514 : vector<25x128xf32>
    %mul3A_516 = arith.constant 2.000000e-01 : f32
    %mul3A_517 = vector.broadcast %mul3A_516 : f32 to vector<25x128xf32>
    %mul3A_518 = arith.mulf %mul3A_517, %abs3A_515 : vector<25x128xf32>
    %sub3A_519 = arith.subf %mul3A_511, %mul3A_518 : vector<25x128xf32>
    %jit3A_520 = arith.constant -8.000000e+00 : f32
    %jit3A_521 = arith.constant 8.000000e+00 : f32
    %max3A_522 = vector.broadcast %jit3A_520 : f32 to vector<25x128xf32>
    %max3A_523 = arith.maximumf %max3A_522, %sub3A_519 : vector<25x128xf32>
    %min3A_524 = vector.broadcast %jit3A_521 : f32 to vector<25x128xf32>
    %min3A_525 = arith.minimumf %min3A_524, %max3A_523 : vector<25x128xf32>
    %mul3A_526 = arith.constant 2.000000e+00 : f32
    %mul3A_527 = vector.broadcast %mul3A_526 : f32 to vector<25x128xf32>
    %mul3A_528 = arith.mulf %min3A_525, %mul3A_527 : vector<25x128xf32>
    %exp3A_529 = math.exp %mul3A_528 : vector<25x128xf32>
    %add3A_530 = arith.constant 9.99999997E-7 : f32
    %add3A_531 = vector.broadcast %add3A_530 : f32 to vector<25x128xf32>
    %add3A_532 = arith.addf %exp3A_529, %add3A_531 : vector<25x128xf32>
    %slice3A_533 = vector.extract_strided_slice %convert_element_type3A_201 {offsets = [7, 0, 0], sizes = [1, 64, 128], strides = [1, 1, 1]} : vector<25x64x128xf32> to vector<1x64x128xf32>
    %squeeze3A_534 = vector.shape_cast %slice3A_533 : vector<1x64x128xf32> to vector<64x128xf32>
    %broadcast_in_dim3A_535 = vector.shape_cast %squeeze3A_534 : vector<64x128xf32> to vector<1x64x128xf32>
    %mul3A_536 = vector.broadcast %broadcast_in_dim3A_535 : vector<1x64x128xf32> to vector<25x64x128xf32>
    %mul3A_537 = arith.mulf %mul3A_536, %convert_element_type3A_203 : vector<25x64x128xf32>
    %reduce_sum3A_538 = arith.constant dense<0.000000e+00> : vector<25x128xf32>
    %reduce_sum3A_539 = vector.multi_reduction <add>, %mul3A_537, %reduce_sum3A_538 [1] : vector<25x64x128xf32> to vector<25x128xf32>
    %slice3A_540 = vector.extract_strided_slice %reduce_sum3A_196 {offsets = [7, 0], sizes = [1, 128], strides = [1, 1]} : vector<25x128xf32> to vector<1x128xf32>
    %add3A_541 = vector.broadcast %slice3A_540 : vector<1x128xf32> to vector<25x128xf32>
    %add3A_542 = arith.addf %add3A_541, %reduce_sum3A_199 : vector<25x128xf32>
    %mul3A_543 = arith.constant 2.000000e+00 : f32
    %mul3A_544 = vector.broadcast %mul3A_543 : f32 to vector<25x128xf32>
    %mul3A_545 = arith.mulf %mul3A_544, %reduce_sum3A_539 : vector<25x128xf32>
    %sub3A_546 = arith.subf %add3A_542, %mul3A_545 : vector<25x128xf32>
    %max3A_547 = arith.constant 0.000000e+00 : f32
    %max3A_548 = vector.broadcast %max3A_547 : f32 to vector<25x128xf32>
    %max3A_549 = arith.maximumf %sub3A_546, %max3A_548 : vector<25x128xf32>
    %add3A_550 = arith.constant 9.99999993E-9 : f32
    %add3A_551 = vector.broadcast %add3A_550 : f32 to vector<25x128xf32>
    %add3A_552 = arith.addf %max3A_549, %add3A_551 : vector<25x128xf32>
    %sqrt3A_553 = math.sqrt %add3A_552 : vector<25x128xf32>
    %neg3A_554 = arith.constant 0.000000e+00 : f32
    %neg3A_555 = vector.broadcast %neg3A_554 : f32 to vector<25x128xf32>
    %neg3A_556 = arith.subf %neg3A_555, %sqrt3A_553 : vector<25x128xf32>
    %mul3A_557 = arith.constant 1.000000e+00 : f32
    %mul3A_558 = vector.broadcast %mul3A_557 : f32 to vector<25x128xf32>
    %mul3A_559 = arith.mulf %neg3A_556, %mul3A_558 : vector<25x128xf32>
    %slice3A_560 = vector.extract_strided_slice %concatenate3A_189 {offsets = [7, 0], sizes = [1, 128], strides = [1, 1]} : vector<25x128xf32> to vector<1x128xf32>
    %sub3A_561 = vector.broadcast %slice3A_560 : vector<1x128xf32> to vector<25x128xf32>
    %sub3A_562 = arith.subf %sub3A_561, %concatenate3A_193 : vector<25x128xf32>
    %abs3A_563 = math.absf %sub3A_562 : vector<25x128xf32>
    %mul3A_564 = arith.constant 2.000000e-01 : f32
    %mul3A_565 = vector.broadcast %mul3A_564 : f32 to vector<25x128xf32>
    %mul3A_566 = arith.mulf %mul3A_565, %abs3A_563 : vector<25x128xf32>
    %sub3A_567 = arith.subf %mul3A_559, %mul3A_566 : vector<25x128xf32>
    %jit3A_568 = arith.constant -8.000000e+00 : f32
    %jit3A_569 = arith.constant 8.000000e+00 : f32
    %max3A_570 = vector.broadcast %jit3A_568 : f32 to vector<25x128xf32>
    %max3A_571 = arith.maximumf %max3A_570, %sub3A_567 : vector<25x128xf32>
    %min3A_572 = vector.broadcast %jit3A_569 : f32 to vector<25x128xf32>
    %min3A_573 = arith.minimumf %min3A_572, %max3A_571 : vector<25x128xf32>
    %mul3A_574 = arith.constant 2.000000e+00 : f32
    %mul3A_575 = vector.broadcast %mul3A_574 : f32 to vector<25x128xf32>
    %mul3A_576 = arith.mulf %min3A_573, %mul3A_575 : vector<25x128xf32>
    %exp3A_577 = math.exp %mul3A_576 : vector<25x128xf32>
    %add3A_578 = arith.constant 9.99999997E-7 : f32
    %add3A_579 = vector.broadcast %add3A_578 : f32 to vector<25x128xf32>
    %add3A_580 = arith.addf %exp3A_577, %add3A_579 : vector<25x128xf32>
    %slice3A_581 = vector.extract_strided_slice %convert_element_type3A_201 {offsets = [8, 0, 0], sizes = [1, 64, 128], strides = [1, 1, 1]} : vector<25x64x128xf32> to vector<1x64x128xf32>
    %squeeze3A_582 = vector.shape_cast %slice3A_581 : vector<1x64x128xf32> to vector<64x128xf32>
    %broadcast_in_dim3A_583 = vector.shape_cast %squeeze3A_582 : vector<64x128xf32> to vector<1x64x128xf32>
    %mul3A_584 = vector.broadcast %broadcast_in_dim3A_583 : vector<1x64x128xf32> to vector<25x64x128xf32>
    %mul3A_585 = arith.mulf %mul3A_584, %convert_element_type3A_203 : vector<25x64x128xf32>
    %reduce_sum3A_586 = arith.constant dense<0.000000e+00> : vector<25x128xf32>
    %reduce_sum3A_587 = vector.multi_reduction <add>, %mul3A_585, %reduce_sum3A_586 [1] : vector<25x64x128xf32> to vector<25x128xf32>
    %slice3A_588 = vector.extract_strided_slice %reduce_sum3A_196 {offsets = [8, 0], sizes = [1, 128], strides = [1, 1]} : vector<25x128xf32> to vector<1x128xf32>
    %add3A_589 = vector.broadcast %slice3A_588 : vector<1x128xf32> to vector<25x128xf32>
    %add3A_590 = arith.addf %add3A_589, %reduce_sum3A_199 : vector<25x128xf32>
    %mul3A_591 = arith.constant 2.000000e+00 : f32
    %mul3A_592 = vector.broadcast %mul3A_591 : f32 to vector<25x128xf32>
    %mul3A_593 = arith.mulf %mul3A_592, %reduce_sum3A_587 : vector<25x128xf32>
    %sub3A_594 = arith.subf %add3A_590, %mul3A_593 : vector<25x128xf32>
    %max3A_595 = arith.constant 0.000000e+00 : f32
    %max3A_596 = vector.broadcast %max3A_595 : f32 to vector<25x128xf32>
    %max3A_597 = arith.maximumf %sub3A_594, %max3A_596 : vector<25x128xf32>
    %add3A_598 = arith.constant 9.99999993E-9 : f32
    %add3A_599 = vector.broadcast %add3A_598 : f32 to vector<25x128xf32>
    %add3A_600 = arith.addf %max3A_597, %add3A_599 : vector<25x128xf32>
    %sqrt3A_601 = math.sqrt %add3A_600 : vector<25x128xf32>
    %neg3A_602 = arith.constant 0.000000e+00 : f32
    %neg3A_603 = vector.broadcast %neg3A_602 : f32 to vector<25x128xf32>
    %neg3A_604 = arith.subf %neg3A_603, %sqrt3A_601 : vector<25x128xf32>
    %mul3A_605 = arith.constant 1.000000e+00 : f32
    %mul3A_606 = vector.broadcast %mul3A_605 : f32 to vector<25x128xf32>
    %mul3A_607 = arith.mulf %neg3A_604, %mul3A_606 : vector<25x128xf32>
    %slice3A_608 = vector.extract_strided_slice %concatenate3A_189 {offsets = [8, 0], sizes = [1, 128], strides = [1, 1]} : vector<25x128xf32> to vector<1x128xf32>
    %sub3A_609 = vector.broadcast %slice3A_608 : vector<1x128xf32> to vector<25x128xf32>
    %sub3A_610 = arith.subf %sub3A_609, %concatenate3A_193 : vector<25x128xf32>
    %abs3A_611 = math.absf %sub3A_610 : vector<25x128xf32>
    %mul3A_612 = arith.constant 2.000000e-01 : f32
    %mul3A_613 = vector.broadcast %mul3A_612 : f32 to vector<25x128xf32>
    %mul3A_614 = arith.mulf %mul3A_613, %abs3A_611 : vector<25x128xf32>
    %sub3A_615 = arith.subf %mul3A_607, %mul3A_614 : vector<25x128xf32>
    %jit3A_616 = arith.constant -8.000000e+00 : f32
    %jit3A_617 = arith.constant 8.000000e+00 : f32
    %max3A_618 = vector.broadcast %jit3A_616 : f32 to vector<25x128xf32>
    %max3A_619 = arith.maximumf %max3A_618, %sub3A_615 : vector<25x128xf32>
    %min3A_620 = vector.broadcast %jit3A_617 : f32 to vector<25x128xf32>
    %min3A_621 = arith.minimumf %min3A_620, %max3A_619 : vector<25x128xf32>
    %mul3A_622 = arith.constant 2.000000e+00 : f32
    %mul3A_623 = vector.broadcast %mul3A_622 : f32 to vector<25x128xf32>
    %mul3A_624 = arith.mulf %min3A_621, %mul3A_623 : vector<25x128xf32>
    %exp3A_625 = math.exp %mul3A_624 : vector<25x128xf32>
    %add3A_626 = arith.constant 9.99999997E-7 : f32
    %add3A_627 = vector.broadcast %add3A_626 : f32 to vector<25x128xf32>
    %add3A_628 = arith.addf %exp3A_625, %add3A_627 : vector<25x128xf32>
    %slice3A_629 = vector.extract_strided_slice %convert_element_type3A_201 {offsets = [9, 0, 0], sizes = [1, 64, 128], strides = [1, 1, 1]} : vector<25x64x128xf32> to vector<1x64x128xf32>
    %squeeze3A_630 = vector.shape_cast %slice3A_629 : vector<1x64x128xf32> to vector<64x128xf32>
    %broadcast_in_dim3A_631 = vector.shape_cast %squeeze3A_630 : vector<64x128xf32> to vector<1x64x128xf32>
    %mul3A_632 = vector.broadcast %broadcast_in_dim3A_631 : vector<1x64x128xf32> to vector<25x64x128xf32>
    %mul3A_633 = arith.mulf %mul3A_632, %convert_element_type3A_203 : vector<25x64x128xf32>
    %reduce_sum3A_634 = arith.constant dense<0.000000e+00> : vector<25x128xf32>
    %reduce_sum3A_635 = vector.multi_reduction <add>, %mul3A_633, %reduce_sum3A_634 [1] : vector<25x64x128xf32> to vector<25x128xf32>
    %slice3A_636 = vector.extract_strided_slice %reduce_sum3A_196 {offsets = [9, 0], sizes = [1, 128], strides = [1, 1]} : vector<25x128xf32> to vector<1x128xf32>
    %add3A_637 = vector.broadcast %slice3A_636 : vector<1x128xf32> to vector<25x128xf32>
    %add3A_638 = arith.addf %add3A_637, %reduce_sum3A_199 : vector<25x128xf32>
    %mul3A_639 = arith.constant 2.000000e+00 : f32
    %mul3A_640 = vector.broadcast %mul3A_639 : f32 to vector<25x128xf32>
    %mul3A_641 = arith.mulf %mul3A_640, %reduce_sum3A_635 : vector<25x128xf32>
    %sub3A_642 = arith.subf %add3A_638, %mul3A_641 : vector<25x128xf32>
    %max3A_643 = arith.constant 0.000000e+00 : f32
    %max3A_644 = vector.broadcast %max3A_643 : f32 to vector<25x128xf32>
    %max3A_645 = arith.maximumf %sub3A_642, %max3A_644 : vector<25x128xf32>
    %add3A_646 = arith.constant 9.99999993E-9 : f32
    %add3A_647 = vector.broadcast %add3A_646 : f32 to vector<25x128xf32>
    %add3A_648 = arith.addf %max3A_645, %add3A_647 : vector<25x128xf32>
    %sqrt3A_649 = math.sqrt %add3A_648 : vector<25x128xf32>
    %neg3A_650 = arith.constant 0.000000e+00 : f32
    %neg3A_651 = vector.broadcast %neg3A_650 : f32 to vector<25x128xf32>
    %neg3A_652 = arith.subf %neg3A_651, %sqrt3A_649 : vector<25x128xf32>
    %mul3A_653 = arith.constant 1.000000e+00 : f32
    %mul3A_654 = vector.broadcast %mul3A_653 : f32 to vector<25x128xf32>
    %mul3A_655 = arith.mulf %neg3A_652, %mul3A_654 : vector<25x128xf32>
    %slice3A_656 = vector.extract_strided_slice %concatenate3A_189 {offsets = [9, 0], sizes = [1, 128], strides = [1, 1]} : vector<25x128xf32> to vector<1x128xf32>
    %sub3A_657 = vector.broadcast %slice3A_656 : vector<1x128xf32> to vector<25x128xf32>
    %sub3A_658 = arith.subf %sub3A_657, %concatenate3A_193 : vector<25x128xf32>
    %abs3A_659 = math.absf %sub3A_658 : vector<25x128xf32>
    %mul3A_660 = arith.constant 2.000000e-01 : f32
    %mul3A_661 = vector.broadcast %mul3A_660 : f32 to vector<25x128xf32>
    %mul3A_662 = arith.mulf %mul3A_661, %abs3A_659 : vector<25x128xf32>
    %sub3A_663 = arith.subf %mul3A_655, %mul3A_662 : vector<25x128xf32>
    %jit3A_664 = arith.constant -8.000000e+00 : f32
    %jit3A_665 = arith.constant 8.000000e+00 : f32
    %max3A_666 = vector.broadcast %jit3A_664 : f32 to vector<25x128xf32>
    %max3A_667 = arith.maximumf %max3A_666, %sub3A_663 : vector<25x128xf32>
    %min3A_668 = vector.broadcast %jit3A_665 : f32 to vector<25x128xf32>
    %min3A_669 = arith.minimumf %min3A_668, %max3A_667 : vector<25x128xf32>
    %mul3A_670 = arith.constant 2.000000e+00 : f32
    %mul3A_671 = vector.broadcast %mul3A_670 : f32 to vector<25x128xf32>
    %mul3A_672 = arith.mulf %min3A_669, %mul3A_671 : vector<25x128xf32>
    %exp3A_673 = math.exp %mul3A_672 : vector<25x128xf32>
    %add3A_674 = arith.constant 9.99999997E-7 : f32
    %add3A_675 = vector.broadcast %add3A_674 : f32 to vector<25x128xf32>
    %add3A_676 = arith.addf %exp3A_673, %add3A_675 : vector<25x128xf32>
    %slice3A_677 = vector.extract_strided_slice %convert_element_type3A_201 {offsets = [10, 0, 0], sizes = [1, 64, 128], strides = [1, 1, 1]} : vector<25x64x128xf32> to vector<1x64x128xf32>
    %squeeze3A_678 = vector.shape_cast %slice3A_677 : vector<1x64x128xf32> to vector<64x128xf32>
    %broadcast_in_dim3A_679 = vector.shape_cast %squeeze3A_678 : vector<64x128xf32> to vector<1x64x128xf32>
    %mul3A_680 = vector.broadcast %broadcast_in_dim3A_679 : vector<1x64x128xf32> to vector<25x64x128xf32>
    %mul3A_681 = arith.mulf %mul3A_680, %convert_element_type3A_203 : vector<25x64x128xf32>
    %reduce_sum3A_682 = arith.constant dense<0.000000e+00> : vector<25x128xf32>
    %reduce_sum3A_683 = vector.multi_reduction <add>, %mul3A_681, %reduce_sum3A_682 [1] : vector<25x64x128xf32> to vector<25x128xf32>
    %slice3A_684 = vector.extract_strided_slice %reduce_sum3A_196 {offsets = [10, 0], sizes = [1, 128], strides = [1, 1]} : vector<25x128xf32> to vector<1x128xf32>
    %add3A_685 = vector.broadcast %slice3A_684 : vector<1x128xf32> to vector<25x128xf32>
    %add3A_686 = arith.addf %add3A_685, %reduce_sum3A_199 : vector<25x128xf32>
    %mul3A_687 = arith.constant 2.000000e+00 : f32
    %mul3A_688 = vector.broadcast %mul3A_687 : f32 to vector<25x128xf32>
    %mul3A_689 = arith.mulf %mul3A_688, %reduce_sum3A_683 : vector<25x128xf32>
    %sub3A_690 = arith.subf %add3A_686, %mul3A_689 : vector<25x128xf32>
    %max3A_691 = arith.constant 0.000000e+00 : f32
    %max3A_692 = vector.broadcast %max3A_691 : f32 to vector<25x128xf32>
    %max3A_693 = arith.maximumf %sub3A_690, %max3A_692 : vector<25x128xf32>
    %add3A_694 = arith.constant 9.99999993E-9 : f32
    %add3A_695 = vector.broadcast %add3A_694 : f32 to vector<25x128xf32>
    %add3A_696 = arith.addf %max3A_693, %add3A_695 : vector<25x128xf32>
    %sqrt3A_697 = math.sqrt %add3A_696 : vector<25x128xf32>
    %neg3A_698 = arith.constant 0.000000e+00 : f32
    %neg3A_699 = vector.broadcast %neg3A_698 : f32 to vector<25x128xf32>
    %neg3A_700 = arith.subf %neg3A_699, %sqrt3A_697 : vector<25x128xf32>
    %mul3A_701 = arith.constant 1.000000e+00 : f32
    %mul3A_702 = vector.broadcast %mul3A_701 : f32 to vector<25x128xf32>
    %mul3A_703 = arith.mulf %neg3A_700, %mul3A_702 : vector<25x128xf32>
    %slice3A_704 = vector.extract_strided_slice %concatenate3A_189 {offsets = [10, 0], sizes = [1, 128], strides = [1, 1]} : vector<25x128xf32> to vector<1x128xf32>
    %sub3A_705 = vector.broadcast %slice3A_704 : vector<1x128xf32> to vector<25x128xf32>
    %sub3A_706 = arith.subf %sub3A_705, %concatenate3A_193 : vector<25x128xf32>
    %abs3A_707 = math.absf %sub3A_706 : vector<25x128xf32>
    %mul3A_708 = arith.constant 2.000000e-01 : f32
    %mul3A_709 = vector.broadcast %mul3A_708 : f32 to vector<25x128xf32>
    %mul3A_710 = arith.mulf %mul3A_709, %abs3A_707 : vector<25x128xf32>
    %sub3A_711 = arith.subf %mul3A_703, %mul3A_710 : vector<25x128xf32>
    %jit3A_712 = arith.constant -8.000000e+00 : f32
    %jit3A_713 = arith.constant 8.000000e+00 : f32
    %max3A_714 = vector.broadcast %jit3A_712 : f32 to vector<25x128xf32>
    %max3A_715 = arith.maximumf %max3A_714, %sub3A_711 : vector<25x128xf32>
    %min3A_716 = vector.broadcast %jit3A_713 : f32 to vector<25x128xf32>
    %min3A_717 = arith.minimumf %min3A_716, %max3A_715 : vector<25x128xf32>
    %mul3A_718 = arith.constant 2.000000e+00 : f32
    %mul3A_719 = vector.broadcast %mul3A_718 : f32 to vector<25x128xf32>
    %mul3A_720 = arith.mulf %min3A_717, %mul3A_719 : vector<25x128xf32>
    %exp3A_721 = math.exp %mul3A_720 : vector<25x128xf32>
    %add3A_722 = arith.constant 9.99999997E-7 : f32
    %add3A_723 = vector.broadcast %add3A_722 : f32 to vector<25x128xf32>
    %add3A_724 = arith.addf %exp3A_721, %add3A_723 : vector<25x128xf32>
    %slice3A_725 = vector.extract_strided_slice %convert_element_type3A_201 {offsets = [11, 0, 0], sizes = [1, 64, 128], strides = [1, 1, 1]} : vector<25x64x128xf32> to vector<1x64x128xf32>
    %squeeze3A_726 = vector.shape_cast %slice3A_725 : vector<1x64x128xf32> to vector<64x128xf32>
    %broadcast_in_dim3A_727 = vector.shape_cast %squeeze3A_726 : vector<64x128xf32> to vector<1x64x128xf32>
    %mul3A_728 = vector.broadcast %broadcast_in_dim3A_727 : vector<1x64x128xf32> to vector<25x64x128xf32>
    %mul3A_729 = arith.mulf %mul3A_728, %convert_element_type3A_203 : vector<25x64x128xf32>
    %reduce_sum3A_730 = arith.constant dense<0.000000e+00> : vector<25x128xf32>
    %reduce_sum3A_731 = vector.multi_reduction <add>, %mul3A_729, %reduce_sum3A_730 [1] : vector<25x64x128xf32> to vector<25x128xf32>
    %slice3A_732 = vector.extract_strided_slice %reduce_sum3A_196 {offsets = [11, 0], sizes = [1, 128], strides = [1, 1]} : vector<25x128xf32> to vector<1x128xf32>
    %add3A_733 = vector.broadcast %slice3A_732 : vector<1x128xf32> to vector<25x128xf32>
    %add3A_734 = arith.addf %add3A_733, %reduce_sum3A_199 : vector<25x128xf32>
    %mul3A_735 = arith.constant 2.000000e+00 : f32
    %mul3A_736 = vector.broadcast %mul3A_735 : f32 to vector<25x128xf32>
    %mul3A_737 = arith.mulf %mul3A_736, %reduce_sum3A_731 : vector<25x128xf32>
    %sub3A_738 = arith.subf %add3A_734, %mul3A_737 : vector<25x128xf32>
    %max3A_739 = arith.constant 0.000000e+00 : f32
    %max3A_740 = vector.broadcast %max3A_739 : f32 to vector<25x128xf32>
    %max3A_741 = arith.maximumf %sub3A_738, %max3A_740 : vector<25x128xf32>
    %add3A_742 = arith.constant 9.99999993E-9 : f32
    %add3A_743 = vector.broadcast %add3A_742 : f32 to vector<25x128xf32>
    %add3A_744 = arith.addf %max3A_741, %add3A_743 : vector<25x128xf32>
    %sqrt3A_745 = math.sqrt %add3A_744 : vector<25x128xf32>
    %neg3A_746 = arith.constant 0.000000e+00 : f32
    %neg3A_747 = vector.broadcast %neg3A_746 : f32 to vector<25x128xf32>
    %neg3A_748 = arith.subf %neg3A_747, %sqrt3A_745 : vector<25x128xf32>
    %mul3A_749 = arith.constant 1.000000e+00 : f32
    %mul3A_750 = vector.broadcast %mul3A_749 : f32 to vector<25x128xf32>
    %mul3A_751 = arith.mulf %neg3A_748, %mul3A_750 : vector<25x128xf32>
    %slice3A_752 = vector.extract_strided_slice %concatenate3A_189 {offsets = [11, 0], sizes = [1, 128], strides = [1, 1]} : vector<25x128xf32> to vector<1x128xf32>
    %sub3A_753 = vector.broadcast %slice3A_752 : vector<1x128xf32> to vector<25x128xf32>
    %sub3A_754 = arith.subf %sub3A_753, %concatenate3A_193 : vector<25x128xf32>
    %abs3A_755 = math.absf %sub3A_754 : vector<25x128xf32>
    %mul3A_756 = arith.constant 2.000000e-01 : f32
    %mul3A_757 = vector.broadcast %mul3A_756 : f32 to vector<25x128xf32>
    %mul3A_758 = arith.mulf %mul3A_757, %abs3A_755 : vector<25x128xf32>
    %sub3A_759 = arith.subf %mul3A_751, %mul3A_758 : vector<25x128xf32>
    %jit3A_760 = arith.constant -8.000000e+00 : f32
    %jit3A_761 = arith.constant 8.000000e+00 : f32
    %max3A_762 = vector.broadcast %jit3A_760 : f32 to vector<25x128xf32>
    %max3A_763 = arith.maximumf %max3A_762, %sub3A_759 : vector<25x128xf32>
    %min3A_764 = vector.broadcast %jit3A_761 : f32 to vector<25x128xf32>
    %min3A_765 = arith.minimumf %min3A_764, %max3A_763 : vector<25x128xf32>
    %mul3A_766 = arith.constant 2.000000e+00 : f32
    %mul3A_767 = vector.broadcast %mul3A_766 : f32 to vector<25x128xf32>
    %mul3A_768 = arith.mulf %min3A_765, %mul3A_767 : vector<25x128xf32>
    %exp3A_769 = math.exp %mul3A_768 : vector<25x128xf32>
    %add3A_770 = arith.constant 9.99999997E-7 : f32
    %add3A_771 = vector.broadcast %add3A_770 : f32 to vector<25x128xf32>
    %add3A_772 = arith.addf %exp3A_769, %add3A_771 : vector<25x128xf32>
    %slice3A_773 = vector.extract_strided_slice %convert_element_type3A_201 {offsets = [12, 0, 0], sizes = [1, 64, 128], strides = [1, 1, 1]} : vector<25x64x128xf32> to vector<1x64x128xf32>
    %squeeze3A_774 = vector.shape_cast %slice3A_773 : vector<1x64x128xf32> to vector<64x128xf32>
    %broadcast_in_dim3A_775 = vector.shape_cast %squeeze3A_774 : vector<64x128xf32> to vector<1x64x128xf32>
    %mul3A_776 = vector.broadcast %broadcast_in_dim3A_775 : vector<1x64x128xf32> to vector<25x64x128xf32>
    %mul3A_777 = arith.mulf %mul3A_776, %convert_element_type3A_203 : vector<25x64x128xf32>
    %reduce_sum3A_778 = arith.constant dense<0.000000e+00> : vector<25x128xf32>
    %reduce_sum3A_779 = vector.multi_reduction <add>, %mul3A_777, %reduce_sum3A_778 [1] : vector<25x64x128xf32> to vector<25x128xf32>
    %slice3A_780 = vector.extract_strided_slice %reduce_sum3A_196 {offsets = [12, 0], sizes = [1, 128], strides = [1, 1]} : vector<25x128xf32> to vector<1x128xf32>
    %add3A_781 = vector.broadcast %slice3A_780 : vector<1x128xf32> to vector<25x128xf32>
    %add3A_782 = arith.addf %add3A_781, %reduce_sum3A_199 : vector<25x128xf32>
    %mul3A_783 = arith.constant 2.000000e+00 : f32
    %mul3A_784 = vector.broadcast %mul3A_783 : f32 to vector<25x128xf32>
    %mul3A_785 = arith.mulf %mul3A_784, %reduce_sum3A_779 : vector<25x128xf32>
    %sub3A_786 = arith.subf %add3A_782, %mul3A_785 : vector<25x128xf32>
    %max3A_787 = arith.constant 0.000000e+00 : f32
    %max3A_788 = vector.broadcast %max3A_787 : f32 to vector<25x128xf32>
    %max3A_789 = arith.maximumf %sub3A_786, %max3A_788 : vector<25x128xf32>
    %add3A_790 = arith.constant 9.99999993E-9 : f32
    %add3A_791 = vector.broadcast %add3A_790 : f32 to vector<25x128xf32>
    %add3A_792 = arith.addf %max3A_789, %add3A_791 : vector<25x128xf32>
    %sqrt3A_793 = math.sqrt %add3A_792 : vector<25x128xf32>
    %neg3A_794 = arith.constant 0.000000e+00 : f32
    %neg3A_795 = vector.broadcast %neg3A_794 : f32 to vector<25x128xf32>
    %neg3A_796 = arith.subf %neg3A_795, %sqrt3A_793 : vector<25x128xf32>
    %mul3A_797 = arith.constant 1.000000e+00 : f32
    %mul3A_798 = vector.broadcast %mul3A_797 : f32 to vector<25x128xf32>
    %mul3A_799 = arith.mulf %neg3A_796, %mul3A_798 : vector<25x128xf32>
    %slice3A_800 = vector.extract_strided_slice %concatenate3A_189 {offsets = [12, 0], sizes = [1, 128], strides = [1, 1]} : vector<25x128xf32> to vector<1x128xf32>
    %sub3A_801 = vector.broadcast %slice3A_800 : vector<1x128xf32> to vector<25x128xf32>
    %sub3A_802 = arith.subf %sub3A_801, %concatenate3A_193 : vector<25x128xf32>
    %abs3A_803 = math.absf %sub3A_802 : vector<25x128xf32>
    %mul3A_804 = arith.constant 2.000000e-01 : f32
    %mul3A_805 = vector.broadcast %mul3A_804 : f32 to vector<25x128xf32>
    %mul3A_806 = arith.mulf %mul3A_805, %abs3A_803 : vector<25x128xf32>
    %sub3A_807 = arith.subf %mul3A_799, %mul3A_806 : vector<25x128xf32>
    %jit3A_808 = arith.constant -8.000000e+00 : f32
    %jit3A_809 = arith.constant 8.000000e+00 : f32
    %max3A_810 = vector.broadcast %jit3A_808 : f32 to vector<25x128xf32>
    %max3A_811 = arith.maximumf %max3A_810, %sub3A_807 : vector<25x128xf32>
    %min3A_812 = vector.broadcast %jit3A_809 : f32 to vector<25x128xf32>
    %min3A_813 = arith.minimumf %min3A_812, %max3A_811 : vector<25x128xf32>
    %mul3A_814 = arith.constant 2.000000e+00 : f32
    %mul3A_815 = vector.broadcast %mul3A_814 : f32 to vector<25x128xf32>
    %mul3A_816 = arith.mulf %min3A_813, %mul3A_815 : vector<25x128xf32>
    %exp3A_817 = math.exp %mul3A_816 : vector<25x128xf32>
    %add3A_818 = arith.constant 9.99999997E-7 : f32
    %add3A_819 = vector.broadcast %add3A_818 : f32 to vector<25x128xf32>
    %add3A_820 = arith.addf %exp3A_817, %add3A_819 : vector<25x128xf32>
    %slice3A_821 = vector.extract_strided_slice %convert_element_type3A_201 {offsets = [13, 0, 0], sizes = [1, 64, 128], strides = [1, 1, 1]} : vector<25x64x128xf32> to vector<1x64x128xf32>
    %squeeze3A_822 = vector.shape_cast %slice3A_821 : vector<1x64x128xf32> to vector<64x128xf32>
    %broadcast_in_dim3A_823 = vector.shape_cast %squeeze3A_822 : vector<64x128xf32> to vector<1x64x128xf32>
    %mul3A_824 = vector.broadcast %broadcast_in_dim3A_823 : vector<1x64x128xf32> to vector<25x64x128xf32>
    %mul3A_825 = arith.mulf %mul3A_824, %convert_element_type3A_203 : vector<25x64x128xf32>
    %reduce_sum3A_826 = arith.constant dense<0.000000e+00> : vector<25x128xf32>
    %reduce_sum3A_827 = vector.multi_reduction <add>, %mul3A_825, %reduce_sum3A_826 [1] : vector<25x64x128xf32> to vector<25x128xf32>
    %slice3A_828 = vector.extract_strided_slice %reduce_sum3A_196 {offsets = [13, 0], sizes = [1, 128], strides = [1, 1]} : vector<25x128xf32> to vector<1x128xf32>
    %add3A_829 = vector.broadcast %slice3A_828 : vector<1x128xf32> to vector<25x128xf32>
    %add3A_830 = arith.addf %add3A_829, %reduce_sum3A_199 : vector<25x128xf32>
    %mul3A_831 = arith.constant 2.000000e+00 : f32
    %mul3A_832 = vector.broadcast %mul3A_831 : f32 to vector<25x128xf32>
    %mul3A_833 = arith.mulf %mul3A_832, %reduce_sum3A_827 : vector<25x128xf32>
    %sub3A_834 = arith.subf %add3A_830, %mul3A_833 : vector<25x128xf32>
    %max3A_835 = arith.constant 0.000000e+00 : f32
    %max3A_836 = vector.broadcast %max3A_835 : f32 to vector<25x128xf32>
    %max3A_837 = arith.maximumf %sub3A_834, %max3A_836 : vector<25x128xf32>
    %add3A_838 = arith.constant 9.99999993E-9 : f32
    %add3A_839 = vector.broadcast %add3A_838 : f32 to vector<25x128xf32>
    %add3A_840 = arith.addf %max3A_837, %add3A_839 : vector<25x128xf32>
    %sqrt3A_841 = math.sqrt %add3A_840 : vector<25x128xf32>
    %neg3A_842 = arith.constant 0.000000e+00 : f32
    %neg3A_843 = vector.broadcast %neg3A_842 : f32 to vector<25x128xf32>
    %neg3A_844 = arith.subf %neg3A_843, %sqrt3A_841 : vector<25x128xf32>
    %mul3A_845 = arith.constant 1.000000e+00 : f32
    %mul3A_846 = vector.broadcast %mul3A_845 : f32 to vector<25x128xf32>
    %mul3A_847 = arith.mulf %neg3A_844, %mul3A_846 : vector<25x128xf32>
    %slice3A_848 = vector.extract_strided_slice %concatenate3A_189 {offsets = [13, 0], sizes = [1, 128], strides = [1, 1]} : vector<25x128xf32> to vector<1x128xf32>
    %sub3A_849 = vector.broadcast %slice3A_848 : vector<1x128xf32> to vector<25x128xf32>
    %sub3A_850 = arith.subf %sub3A_849, %concatenate3A_193 : vector<25x128xf32>
    %abs3A_851 = math.absf %sub3A_850 : vector<25x128xf32>
    %mul3A_852 = arith.constant 2.000000e-01 : f32
    %mul3A_853 = vector.broadcast %mul3A_852 : f32 to vector<25x128xf32>
    %mul3A_854 = arith.mulf %mul3A_853, %abs3A_851 : vector<25x128xf32>
    %sub3A_855 = arith.subf %mul3A_847, %mul3A_854 : vector<25x128xf32>
    %jit3A_856 = arith.constant -8.000000e+00 : f32
    %jit3A_857 = arith.constant 8.000000e+00 : f32
    %max3A_858 = vector.broadcast %jit3A_856 : f32 to vector<25x128xf32>
    %max3A_859 = arith.maximumf %max3A_858, %sub3A_855 : vector<25x128xf32>
    %min3A_860 = vector.broadcast %jit3A_857 : f32 to vector<25x128xf32>
    %min3A_861 = arith.minimumf %min3A_860, %max3A_859 : vector<25x128xf32>
    %mul3A_862 = arith.constant 2.000000e+00 : f32
    %mul3A_863 = vector.broadcast %mul3A_862 : f32 to vector<25x128xf32>
    %mul3A_864 = arith.mulf %min3A_861, %mul3A_863 : vector<25x128xf32>
    %exp3A_865 = math.exp %mul3A_864 : vector<25x128xf32>
    %add3A_866 = arith.constant 9.99999997E-7 : f32
    %add3A_867 = vector.broadcast %add3A_866 : f32 to vector<25x128xf32>
    %add3A_868 = arith.addf %exp3A_865, %add3A_867 : vector<25x128xf32>
    %slice3A_869 = vector.extract_strided_slice %convert_element_type3A_201 {offsets = [14, 0, 0], sizes = [1, 64, 128], strides = [1, 1, 1]} : vector<25x64x128xf32> to vector<1x64x128xf32>
    %squeeze3A_870 = vector.shape_cast %slice3A_869 : vector<1x64x128xf32> to vector<64x128xf32>
    %broadcast_in_dim3A_871 = vector.shape_cast %squeeze3A_870 : vector<64x128xf32> to vector<1x64x128xf32>
    %mul3A_872 = vector.broadcast %broadcast_in_dim3A_871 : vector<1x64x128xf32> to vector<25x64x128xf32>
    %mul3A_873 = arith.mulf %mul3A_872, %convert_element_type3A_203 : vector<25x64x128xf32>
    %reduce_sum3A_874 = arith.constant dense<0.000000e+00> : vector<25x128xf32>
    %reduce_sum3A_875 = vector.multi_reduction <add>, %mul3A_873, %reduce_sum3A_874 [1] : vector<25x64x128xf32> to vector<25x128xf32>
    %slice3A_876 = vector.extract_strided_slice %reduce_sum3A_196 {offsets = [14, 0], sizes = [1, 128], strides = [1, 1]} : vector<25x128xf32> to vector<1x128xf32>
    %add3A_877 = vector.broadcast %slice3A_876 : vector<1x128xf32> to vector<25x128xf32>
    %add3A_878 = arith.addf %add3A_877, %reduce_sum3A_199 : vector<25x128xf32>
    %mul3A_879 = arith.constant 2.000000e+00 : f32
    %mul3A_880 = vector.broadcast %mul3A_879 : f32 to vector<25x128xf32>
    %mul3A_881 = arith.mulf %mul3A_880, %reduce_sum3A_875 : vector<25x128xf32>
    %sub3A_882 = arith.subf %add3A_878, %mul3A_881 : vector<25x128xf32>
    %max3A_883 = arith.constant 0.000000e+00 : f32
    %max3A_884 = vector.broadcast %max3A_883 : f32 to vector<25x128xf32>
    %max3A_885 = arith.maximumf %sub3A_882, %max3A_884 : vector<25x128xf32>
    %add3A_886 = arith.constant 9.99999993E-9 : f32
    %add3A_887 = vector.broadcast %add3A_886 : f32 to vector<25x128xf32>
    %add3A_888 = arith.addf %max3A_885, %add3A_887 : vector<25x128xf32>
    %sqrt3A_889 = math.sqrt %add3A_888 : vector<25x128xf32>
    %neg3A_890 = arith.constant 0.000000e+00 : f32
    %neg3A_891 = vector.broadcast %neg3A_890 : f32 to vector<25x128xf32>
    %neg3A_892 = arith.subf %neg3A_891, %sqrt3A_889 : vector<25x128xf32>
    %mul3A_893 = arith.constant 1.000000e+00 : f32
    %mul3A_894 = vector.broadcast %mul3A_893 : f32 to vector<25x128xf32>
    %mul3A_895 = arith.mulf %neg3A_892, %mul3A_894 : vector<25x128xf32>
    %slice3A_896 = vector.extract_strided_slice %concatenate3A_189 {offsets = [14, 0], sizes = [1, 128], strides = [1, 1]} : vector<25x128xf32> to vector<1x128xf32>
    %sub3A_897 = vector.broadcast %slice3A_896 : vector<1x128xf32> to vector<25x128xf32>
    %sub3A_898 = arith.subf %sub3A_897, %concatenate3A_193 : vector<25x128xf32>
    %abs3A_899 = math.absf %sub3A_898 : vector<25x128xf32>
    %mul3A_900 = arith.constant 2.000000e-01 : f32
    %mul3A_901 = vector.broadcast %mul3A_900 : f32 to vector<25x128xf32>
    %mul3A_902 = arith.mulf %mul3A_901, %abs3A_899 : vector<25x128xf32>
    %sub3A_903 = arith.subf %mul3A_895, %mul3A_902 : vector<25x128xf32>
    %jit3A_904 = arith.constant -8.000000e+00 : f32
    %jit3A_905 = arith.constant 8.000000e+00 : f32
    %max3A_906 = vector.broadcast %jit3A_904 : f32 to vector<25x128xf32>
    %max3A_907 = arith.maximumf %max3A_906, %sub3A_903 : vector<25x128xf32>
    %min3A_908 = vector.broadcast %jit3A_905 : f32 to vector<25x128xf32>
    %min3A_909 = arith.minimumf %min3A_908, %max3A_907 : vector<25x128xf32>
    %mul3A_910 = arith.constant 2.000000e+00 : f32
    %mul3A_911 = vector.broadcast %mul3A_910 : f32 to vector<25x128xf32>
    %mul3A_912 = arith.mulf %min3A_909, %mul3A_911 : vector<25x128xf32>
    %exp3A_913 = math.exp %mul3A_912 : vector<25x128xf32>
    %add3A_914 = arith.constant 9.99999997E-7 : f32
    %add3A_915 = vector.broadcast %add3A_914 : f32 to vector<25x128xf32>
    %add3A_916 = arith.addf %exp3A_913, %add3A_915 : vector<25x128xf32>
    %slice3A_917 = vector.extract_strided_slice %convert_element_type3A_201 {offsets = [15, 0, 0], sizes = [1, 64, 128], strides = [1, 1, 1]} : vector<25x64x128xf32> to vector<1x64x128xf32>
    %squeeze3A_918 = vector.shape_cast %slice3A_917 : vector<1x64x128xf32> to vector<64x128xf32>
    %broadcast_in_dim3A_919 = vector.shape_cast %squeeze3A_918 : vector<64x128xf32> to vector<1x64x128xf32>
    %mul3A_920 = vector.broadcast %broadcast_in_dim3A_919 : vector<1x64x128xf32> to vector<25x64x128xf32>
    %mul3A_921 = arith.mulf %mul3A_920, %convert_element_type3A_203 : vector<25x64x128xf32>
    %reduce_sum3A_922 = arith.constant dense<0.000000e+00> : vector<25x128xf32>
    %reduce_sum3A_923 = vector.multi_reduction <add>, %mul3A_921, %reduce_sum3A_922 [1] : vector<25x64x128xf32> to vector<25x128xf32>
    %slice3A_924 = vector.extract_strided_slice %reduce_sum3A_196 {offsets = [15, 0], sizes = [1, 128], strides = [1, 1]} : vector<25x128xf32> to vector<1x128xf32>
    %add3A_925 = vector.broadcast %slice3A_924 : vector<1x128xf32> to vector<25x128xf32>
    %add3A_926 = arith.addf %add3A_925, %reduce_sum3A_199 : vector<25x128xf32>
    %mul3A_927 = arith.constant 2.000000e+00 : f32
    %mul3A_928 = vector.broadcast %mul3A_927 : f32 to vector<25x128xf32>
    %mul3A_929 = arith.mulf %mul3A_928, %reduce_sum3A_923 : vector<25x128xf32>
    %sub3A_930 = arith.subf %add3A_926, %mul3A_929 : vector<25x128xf32>
    %max3A_931 = arith.constant 0.000000e+00 : f32
    %max3A_932 = vector.broadcast %max3A_931 : f32 to vector<25x128xf32>
    %max3A_933 = arith.maximumf %sub3A_930, %max3A_932 : vector<25x128xf32>
    %add3A_934 = arith.constant 9.99999993E-9 : f32
    %add3A_935 = vector.broadcast %add3A_934 : f32 to vector<25x128xf32>
    %add3A_936 = arith.addf %max3A_933, %add3A_935 : vector<25x128xf32>
    %sqrt3A_937 = math.sqrt %add3A_936 : vector<25x128xf32>
    %neg3A_938 = arith.constant 0.000000e+00 : f32
    %neg3A_939 = vector.broadcast %neg3A_938 : f32 to vector<25x128xf32>
    %neg3A_940 = arith.subf %neg3A_939, %sqrt3A_937 : vector<25x128xf32>
    %mul3A_941 = arith.constant 1.000000e+00 : f32
    %mul3A_942 = vector.broadcast %mul3A_941 : f32 to vector<25x128xf32>
    %mul3A_943 = arith.mulf %neg3A_940, %mul3A_942 : vector<25x128xf32>
    %slice3A_944 = vector.extract_strided_slice %concatenate3A_189 {offsets = [15, 0], sizes = [1, 128], strides = [1, 1]} : vector<25x128xf32> to vector<1x128xf32>
    %sub3A_945 = vector.broadcast %slice3A_944 : vector<1x128xf32> to vector<25x128xf32>
    %sub3A_946 = arith.subf %sub3A_945, %concatenate3A_193 : vector<25x128xf32>
    %abs3A_947 = math.absf %sub3A_946 : vector<25x128xf32>
    %mul3A_948 = arith.constant 2.000000e-01 : f32
    %mul3A_949 = vector.broadcast %mul3A_948 : f32 to vector<25x128xf32>
    %mul3A_950 = arith.mulf %mul3A_949, %abs3A_947 : vector<25x128xf32>
    %sub3A_951 = arith.subf %mul3A_943, %mul3A_950 : vector<25x128xf32>
    %jit3A_952 = arith.constant -8.000000e+00 : f32
    %jit3A_953 = arith.constant 8.000000e+00 : f32
    %max3A_954 = vector.broadcast %jit3A_952 : f32 to vector<25x128xf32>
    %max3A_955 = arith.maximumf %max3A_954, %sub3A_951 : vector<25x128xf32>
    %min3A_956 = vector.broadcast %jit3A_953 : f32 to vector<25x128xf32>
    %min3A_957 = arith.minimumf %min3A_956, %max3A_955 : vector<25x128xf32>
    %mul3A_958 = arith.constant 2.000000e+00 : f32
    %mul3A_959 = vector.broadcast %mul3A_958 : f32 to vector<25x128xf32>
    %mul3A_960 = arith.mulf %min3A_957, %mul3A_959 : vector<25x128xf32>
    %exp3A_961 = math.exp %mul3A_960 : vector<25x128xf32>
    %add3A_962 = arith.constant 9.99999997E-7 : f32
    %add3A_963 = vector.broadcast %add3A_962 : f32 to vector<25x128xf32>
    %add3A_964 = arith.addf %exp3A_961, %add3A_963 : vector<25x128xf32>
    %slice3A_965 = vector.extract_strided_slice %convert_element_type3A_201 {offsets = [16, 0, 0], sizes = [1, 64, 128], strides = [1, 1, 1]} : vector<25x64x128xf32> to vector<1x64x128xf32>
    %squeeze3A_966 = vector.shape_cast %slice3A_965 : vector<1x64x128xf32> to vector<64x128xf32>
    %broadcast_in_dim3A_967 = vector.shape_cast %squeeze3A_966 : vector<64x128xf32> to vector<1x64x128xf32>
    %mul3A_968 = vector.broadcast %broadcast_in_dim3A_967 : vector<1x64x128xf32> to vector<25x64x128xf32>
    %mul3A_969 = arith.mulf %mul3A_968, %convert_element_type3A_203 : vector<25x64x128xf32>
    %reduce_sum3A_970 = arith.constant dense<0.000000e+00> : vector<25x128xf32>
    %reduce_sum3A_971 = vector.multi_reduction <add>, %mul3A_969, %reduce_sum3A_970 [1] : vector<25x64x128xf32> to vector<25x128xf32>
    %slice3A_972 = vector.extract_strided_slice %reduce_sum3A_196 {offsets = [16, 0], sizes = [1, 128], strides = [1, 1]} : vector<25x128xf32> to vector<1x128xf32>
    %add3A_973 = vector.broadcast %slice3A_972 : vector<1x128xf32> to vector<25x128xf32>
    %add3A_974 = arith.addf %add3A_973, %reduce_sum3A_199 : vector<25x128xf32>
    %mul3A_975 = arith.constant 2.000000e+00 : f32
    %mul3A_976 = vector.broadcast %mul3A_975 : f32 to vector<25x128xf32>
    %mul3A_977 = arith.mulf %mul3A_976, %reduce_sum3A_971 : vector<25x128xf32>
    %sub3A_978 = arith.subf %add3A_974, %mul3A_977 : vector<25x128xf32>
    %max3A_979 = arith.constant 0.000000e+00 : f32
    %max3A_980 = vector.broadcast %max3A_979 : f32 to vector<25x128xf32>
    %max3A_981 = arith.maximumf %sub3A_978, %max3A_980 : vector<25x128xf32>
    %add3A_982 = arith.constant 9.99999993E-9 : f32
    %add3A_983 = vector.broadcast %add3A_982 : f32 to vector<25x128xf32>
    %add3A_984 = arith.addf %max3A_981, %add3A_983 : vector<25x128xf32>
    %sqrt3A_985 = math.sqrt %add3A_984 : vector<25x128xf32>
    %neg3A_986 = arith.constant 0.000000e+00 : f32
    %neg3A_987 = vector.broadcast %neg3A_986 : f32 to vector<25x128xf32>
    %neg3A_988 = arith.subf %neg3A_987, %sqrt3A_985 : vector<25x128xf32>
    %mul3A_989 = arith.constant 1.000000e+00 : f32
    %mul3A_990 = vector.broadcast %mul3A_989 : f32 to vector<25x128xf32>
    %mul3A_991 = arith.mulf %neg3A_988, %mul3A_990 : vector<25x128xf32>
    %slice3A_992 = vector.extract_strided_slice %concatenate3A_189 {offsets = [16, 0], sizes = [1, 128], strides = [1, 1]} : vector<25x128xf32> to vector<1x128xf32>
    %sub3A_993 = vector.broadcast %slice3A_992 : vector<1x128xf32> to vector<25x128xf32>
    %sub3A_994 = arith.subf %sub3A_993, %concatenate3A_193 : vector<25x128xf32>
    %abs3A_995 = math.absf %sub3A_994 : vector<25x128xf32>
    %mul3A_996 = arith.constant 2.000000e-01 : f32
    %mul3A_997 = vector.broadcast %mul3A_996 : f32 to vector<25x128xf32>
    %mul3A_998 = arith.mulf %mul3A_997, %abs3A_995 : vector<25x128xf32>
    %sub3A_999 = arith.subf %mul3A_991, %mul3A_998 : vector<25x128xf32>
    %jit3A_1000 = arith.constant -8.000000e+00 : f32
    %jit3A_1001 = arith.constant 8.000000e+00 : f32
    %max3A_1002 = vector.broadcast %jit3A_1000 : f32 to vector<25x128xf32>
    %max3A_1003 = arith.maximumf %max3A_1002, %sub3A_999 : vector<25x128xf32>
    %min3A_1004 = vector.broadcast %jit3A_1001 : f32 to vector<25x128xf32>
    %min3A_1005 = arith.minimumf %min3A_1004, %max3A_1003 : vector<25x128xf32>
    %mul3A_1006 = arith.constant 2.000000e+00 : f32
    %mul3A_1007 = vector.broadcast %mul3A_1006 : f32 to vector<25x128xf32>
    %mul3A_1008 = arith.mulf %min3A_1005, %mul3A_1007 : vector<25x128xf32>
    %exp3A_1009 = math.exp %mul3A_1008 : vector<25x128xf32>
    %add3A_1010 = arith.constant 9.99999997E-7 : f32
    %add3A_1011 = vector.broadcast %add3A_1010 : f32 to vector<25x128xf32>
    %add3A_1012 = arith.addf %exp3A_1009, %add3A_1011 : vector<25x128xf32>
    %slice3A_1013 = vector.extract_strided_slice %convert_element_type3A_201 {offsets = [17, 0, 0], sizes = [1, 64, 128], strides = [1, 1, 1]} : vector<25x64x128xf32> to vector<1x64x128xf32>
    %squeeze3A_1014 = vector.shape_cast %slice3A_1013 : vector<1x64x128xf32> to vector<64x128xf32>
    %broadcast_in_dim3A_1015 = vector.shape_cast %squeeze3A_1014 : vector<64x128xf32> to vector<1x64x128xf32>
    %mul3A_1016 = vector.broadcast %broadcast_in_dim3A_1015 : vector<1x64x128xf32> to vector<25x64x128xf32>
    %mul3A_1017 = arith.mulf %mul3A_1016, %convert_element_type3A_203 : vector<25x64x128xf32>
    %reduce_sum3A_1018 = arith.constant dense<0.000000e+00> : vector<25x128xf32>
    %reduce_sum3A_1019 = vector.multi_reduction <add>, %mul3A_1017, %reduce_sum3A_1018 [1] : vector<25x64x128xf32> to vector<25x128xf32>
    %slice3A_1020 = vector.extract_strided_slice %reduce_sum3A_196 {offsets = [17, 0], sizes = [1, 128], strides = [1, 1]} : vector<25x128xf32> to vector<1x128xf32>
    %add3A_1021 = vector.broadcast %slice3A_1020 : vector<1x128xf32> to vector<25x128xf32>
    %add3A_1022 = arith.addf %add3A_1021, %reduce_sum3A_199 : vector<25x128xf32>
    %mul3A_1023 = arith.constant 2.000000e+00 : f32
    %mul3A_1024 = vector.broadcast %mul3A_1023 : f32 to vector<25x128xf32>
    %mul3A_1025 = arith.mulf %mul3A_1024, %reduce_sum3A_1019 : vector<25x128xf32>
    %sub3A_1026 = arith.subf %add3A_1022, %mul3A_1025 : vector<25x128xf32>
    %max3A_1027 = arith.constant 0.000000e+00 : f32
    %max3A_1028 = vector.broadcast %max3A_1027 : f32 to vector<25x128xf32>
    %max3A_1029 = arith.maximumf %sub3A_1026, %max3A_1028 : vector<25x128xf32>
    %add3A_1030 = arith.constant 9.99999993E-9 : f32
    %add3A_1031 = vector.broadcast %add3A_1030 : f32 to vector<25x128xf32>
    %add3A_1032 = arith.addf %max3A_1029, %add3A_1031 : vector<25x128xf32>
    %sqrt3A_1033 = math.sqrt %add3A_1032 : vector<25x128xf32>
    %neg3A_1034 = arith.constant 0.000000e+00 : f32
    %neg3A_1035 = vector.broadcast %neg3A_1034 : f32 to vector<25x128xf32>
    %neg3A_1036 = arith.subf %neg3A_1035, %sqrt3A_1033 : vector<25x128xf32>
    %mul3A_1037 = arith.constant 1.000000e+00 : f32
    %mul3A_1038 = vector.broadcast %mul3A_1037 : f32 to vector<25x128xf32>
    %mul3A_1039 = arith.mulf %neg3A_1036, %mul3A_1038 : vector<25x128xf32>
    %slice3A_1040 = vector.extract_strided_slice %concatenate3A_189 {offsets = [17, 0], sizes = [1, 128], strides = [1, 1]} : vector<25x128xf32> to vector<1x128xf32>
    %sub3A_1041 = vector.broadcast %slice3A_1040 : vector<1x128xf32> to vector<25x128xf32>
    %sub3A_1042 = arith.subf %sub3A_1041, %concatenate3A_193 : vector<25x128xf32>
    %abs3A_1043 = math.absf %sub3A_1042 : vector<25x128xf32>
    %mul3A_1044 = arith.constant 2.000000e-01 : f32
    %mul3A_1045 = vector.broadcast %mul3A_1044 : f32 to vector<25x128xf32>
    %mul3A_1046 = arith.mulf %mul3A_1045, %abs3A_1043 : vector<25x128xf32>
    %sub3A_1047 = arith.subf %mul3A_1039, %mul3A_1046 : vector<25x128xf32>
    %jit3A_1048 = arith.constant -8.000000e+00 : f32
    %jit3A_1049 = arith.constant 8.000000e+00 : f32
    %max3A_1050 = vector.broadcast %jit3A_1048 : f32 to vector<25x128xf32>
    %max3A_1051 = arith.maximumf %max3A_1050, %sub3A_1047 : vector<25x128xf32>
    %min3A_1052 = vector.broadcast %jit3A_1049 : f32 to vector<25x128xf32>
    %min3A_1053 = arith.minimumf %min3A_1052, %max3A_1051 : vector<25x128xf32>
    %mul3A_1054 = arith.constant 2.000000e+00 : f32
    %mul3A_1055 = vector.broadcast %mul3A_1054 : f32 to vector<25x128xf32>
    %mul3A_1056 = arith.mulf %min3A_1053, %mul3A_1055 : vector<25x128xf32>
    %exp3A_1057 = math.exp %mul3A_1056 : vector<25x128xf32>
    %add3A_1058 = arith.constant 9.99999997E-7 : f32
    %add3A_1059 = vector.broadcast %add3A_1058 : f32 to vector<25x128xf32>
    %add3A_1060 = arith.addf %exp3A_1057, %add3A_1059 : vector<25x128xf32>
    %slice3A_1061 = vector.extract_strided_slice %convert_element_type3A_201 {offsets = [18, 0, 0], sizes = [1, 64, 128], strides = [1, 1, 1]} : vector<25x64x128xf32> to vector<1x64x128xf32>
    %squeeze3A_1062 = vector.shape_cast %slice3A_1061 : vector<1x64x128xf32> to vector<64x128xf32>
    %broadcast_in_dim3A_1063 = vector.shape_cast %squeeze3A_1062 : vector<64x128xf32> to vector<1x64x128xf32>
    %mul3A_1064 = vector.broadcast %broadcast_in_dim3A_1063 : vector<1x64x128xf32> to vector<25x64x128xf32>
    %mul3A_1065 = arith.mulf %mul3A_1064, %convert_element_type3A_203 : vector<25x64x128xf32>
    %reduce_sum3A_1066 = arith.constant dense<0.000000e+00> : vector<25x128xf32>
    %reduce_sum3A_1067 = vector.multi_reduction <add>, %mul3A_1065, %reduce_sum3A_1066 [1] : vector<25x64x128xf32> to vector<25x128xf32>
    %slice3A_1068 = vector.extract_strided_slice %reduce_sum3A_196 {offsets = [18, 0], sizes = [1, 128], strides = [1, 1]} : vector<25x128xf32> to vector<1x128xf32>
    %add3A_1069 = vector.broadcast %slice3A_1068 : vector<1x128xf32> to vector<25x128xf32>
    %add3A_1070 = arith.addf %add3A_1069, %reduce_sum3A_199 : vector<25x128xf32>
    %mul3A_1071 = arith.constant 2.000000e+00 : f32
    %mul3A_1072 = vector.broadcast %mul3A_1071 : f32 to vector<25x128xf32>
    %mul3A_1073 = arith.mulf %mul3A_1072, %reduce_sum3A_1067 : vector<25x128xf32>
    %sub3A_1074 = arith.subf %add3A_1070, %mul3A_1073 : vector<25x128xf32>
    %max3A_1075 = arith.constant 0.000000e+00 : f32
    %max3A_1076 = vector.broadcast %max3A_1075 : f32 to vector<25x128xf32>
    %max3A_1077 = arith.maximumf %sub3A_1074, %max3A_1076 : vector<25x128xf32>
    %add3A_1078 = arith.constant 9.99999993E-9 : f32
    %add3A_1079 = vector.broadcast %add3A_1078 : f32 to vector<25x128xf32>
    %add3A_1080 = arith.addf %max3A_1077, %add3A_1079 : vector<25x128xf32>
    %sqrt3A_1081 = math.sqrt %add3A_1080 : vector<25x128xf32>
    %neg3A_1082 = arith.constant 0.000000e+00 : f32
    %neg3A_1083 = vector.broadcast %neg3A_1082 : f32 to vector<25x128xf32>
    %neg3A_1084 = arith.subf %neg3A_1083, %sqrt3A_1081 : vector<25x128xf32>
    %mul3A_1085 = arith.constant 1.000000e+00 : f32
    %mul3A_1086 = vector.broadcast %mul3A_1085 : f32 to vector<25x128xf32>
    %mul3A_1087 = arith.mulf %neg3A_1084, %mul3A_1086 : vector<25x128xf32>
    %slice3A_1088 = vector.extract_strided_slice %concatenate3A_189 {offsets = [18, 0], sizes = [1, 128], strides = [1, 1]} : vector<25x128xf32> to vector<1x128xf32>
    %sub3A_1089 = vector.broadcast %slice3A_1088 : vector<1x128xf32> to vector<25x128xf32>
    %sub3A_1090 = arith.subf %sub3A_1089, %concatenate3A_193 : vector<25x128xf32>
    %abs3A_1091 = math.absf %sub3A_1090 : vector<25x128xf32>
    %mul3A_1092 = arith.constant 2.000000e-01 : f32
    %mul3A_1093 = vector.broadcast %mul3A_1092 : f32 to vector<25x128xf32>
    %mul3A_1094 = arith.mulf %mul3A_1093, %abs3A_1091 : vector<25x128xf32>
    %sub3A_1095 = arith.subf %mul3A_1087, %mul3A_1094 : vector<25x128xf32>
    %jit3A_1096 = arith.constant -8.000000e+00 : f32
    %jit3A_1097 = arith.constant 8.000000e+00 : f32
    %max3A_1098 = vector.broadcast %jit3A_1096 : f32 to vector<25x128xf32>
    %max3A_1099 = arith.maximumf %max3A_1098, %sub3A_1095 : vector<25x128xf32>
    %min3A_1100 = vector.broadcast %jit3A_1097 : f32 to vector<25x128xf32>
    %min3A_1101 = arith.minimumf %min3A_1100, %max3A_1099 : vector<25x128xf32>
    %mul3A_1102 = arith.constant 2.000000e+00 : f32
    %mul3A_1103 = vector.broadcast %mul3A_1102 : f32 to vector<25x128xf32>
    %mul3A_1104 = arith.mulf %min3A_1101, %mul3A_1103 : vector<25x128xf32>
    %exp3A_1105 = math.exp %mul3A_1104 : vector<25x128xf32>
    %add3A_1106 = arith.constant 9.99999997E-7 : f32
    %add3A_1107 = vector.broadcast %add3A_1106 : f32 to vector<25x128xf32>
    %add3A_1108 = arith.addf %exp3A_1105, %add3A_1107 : vector<25x128xf32>
    %slice3A_1109 = vector.extract_strided_slice %convert_element_type3A_201 {offsets = [19, 0, 0], sizes = [1, 64, 128], strides = [1, 1, 1]} : vector<25x64x128xf32> to vector<1x64x128xf32>
    %squeeze3A_1110 = vector.shape_cast %slice3A_1109 : vector<1x64x128xf32> to vector<64x128xf32>
    %broadcast_in_dim3A_1111 = vector.shape_cast %squeeze3A_1110 : vector<64x128xf32> to vector<1x64x128xf32>
    %mul3A_1112 = vector.broadcast %broadcast_in_dim3A_1111 : vector<1x64x128xf32> to vector<25x64x128xf32>
    %mul3A_1113 = arith.mulf %mul3A_1112, %convert_element_type3A_203 : vector<25x64x128xf32>
    %reduce_sum3A_1114 = arith.constant dense<0.000000e+00> : vector<25x128xf32>
    %reduce_sum3A_1115 = vector.multi_reduction <add>, %mul3A_1113, %reduce_sum3A_1114 [1] : vector<25x64x128xf32> to vector<25x128xf32>
    %slice3A_1116 = vector.extract_strided_slice %reduce_sum3A_196 {offsets = [19, 0], sizes = [1, 128], strides = [1, 1]} : vector<25x128xf32> to vector<1x128xf32>
    %add3A_1117 = vector.broadcast %slice3A_1116 : vector<1x128xf32> to vector<25x128xf32>
    %add3A_1118 = arith.addf %add3A_1117, %reduce_sum3A_199 : vector<25x128xf32>
    %mul3A_1119 = arith.constant 2.000000e+00 : f32
    %mul3A_1120 = vector.broadcast %mul3A_1119 : f32 to vector<25x128xf32>
    %mul3A_1121 = arith.mulf %mul3A_1120, %reduce_sum3A_1115 : vector<25x128xf32>
    %sub3A_1122 = arith.subf %add3A_1118, %mul3A_1121 : vector<25x128xf32>
    %max3A_1123 = arith.constant 0.000000e+00 : f32
    %max3A_1124 = vector.broadcast %max3A_1123 : f32 to vector<25x128xf32>
    %max3A_1125 = arith.maximumf %sub3A_1122, %max3A_1124 : vector<25x128xf32>
    %add3A_1126 = arith.constant 9.99999993E-9 : f32
    %add3A_1127 = vector.broadcast %add3A_1126 : f32 to vector<25x128xf32>
    %add3A_1128 = arith.addf %max3A_1125, %add3A_1127 : vector<25x128xf32>
    %sqrt3A_1129 = math.sqrt %add3A_1128 : vector<25x128xf32>
    %neg3A_1130 = arith.constant 0.000000e+00 : f32
    %neg3A_1131 = vector.broadcast %neg3A_1130 : f32 to vector<25x128xf32>
    %neg3A_1132 = arith.subf %neg3A_1131, %sqrt3A_1129 : vector<25x128xf32>
    %mul3A_1133 = arith.constant 1.000000e+00 : f32
    %mul3A_1134 = vector.broadcast %mul3A_1133 : f32 to vector<25x128xf32>
    %mul3A_1135 = arith.mulf %neg3A_1132, %mul3A_1134 : vector<25x128xf32>
    %slice3A_1136 = vector.extract_strided_slice %concatenate3A_189 {offsets = [19, 0], sizes = [1, 128], strides = [1, 1]} : vector<25x128xf32> to vector<1x128xf32>
    %sub3A_1137 = vector.broadcast %slice3A_1136 : vector<1x128xf32> to vector<25x128xf32>
    %sub3A_1138 = arith.subf %sub3A_1137, %concatenate3A_193 : vector<25x128xf32>
    %abs3A_1139 = math.absf %sub3A_1138 : vector<25x128xf32>
    %mul3A_1140 = arith.constant 2.000000e-01 : f32
    %mul3A_1141 = vector.broadcast %mul3A_1140 : f32 to vector<25x128xf32>
    %mul3A_1142 = arith.mulf %mul3A_1141, %abs3A_1139 : vector<25x128xf32>
    %sub3A_1143 = arith.subf %mul3A_1135, %mul3A_1142 : vector<25x128xf32>
    %jit3A_1144 = arith.constant -8.000000e+00 : f32
    %jit3A_1145 = arith.constant 8.000000e+00 : f32
    %max3A_1146 = vector.broadcast %jit3A_1144 : f32 to vector<25x128xf32>
    %max3A_1147 = arith.maximumf %max3A_1146, %sub3A_1143 : vector<25x128xf32>
    %min3A_1148 = vector.broadcast %jit3A_1145 : f32 to vector<25x128xf32>
    %min3A_1149 = arith.minimumf %min3A_1148, %max3A_1147 : vector<25x128xf32>
    %mul3A_1150 = arith.constant 2.000000e+00 : f32
    %mul3A_1151 = vector.broadcast %mul3A_1150 : f32 to vector<25x128xf32>
    %mul3A_1152 = arith.mulf %min3A_1149, %mul3A_1151 : vector<25x128xf32>
    %exp3A_1153 = math.exp %mul3A_1152 : vector<25x128xf32>
    %add3A_1154 = arith.constant 9.99999997E-7 : f32
    %add3A_1155 = vector.broadcast %add3A_1154 : f32 to vector<25x128xf32>
    %add3A_1156 = arith.addf %exp3A_1153, %add3A_1155 : vector<25x128xf32>
    %slice3A_1157 = vector.extract_strided_slice %convert_element_type3A_201 {offsets = [20, 0, 0], sizes = [1, 64, 128], strides = [1, 1, 1]} : vector<25x64x128xf32> to vector<1x64x128xf32>
    %squeeze3A_1158 = vector.shape_cast %slice3A_1157 : vector<1x64x128xf32> to vector<64x128xf32>
    %broadcast_in_dim3A_1159 = vector.shape_cast %squeeze3A_1158 : vector<64x128xf32> to vector<1x64x128xf32>
    %mul3A_1160 = vector.broadcast %broadcast_in_dim3A_1159 : vector<1x64x128xf32> to vector<25x64x128xf32>
    %mul3A_1161 = arith.mulf %mul3A_1160, %convert_element_type3A_203 : vector<25x64x128xf32>
    %reduce_sum3A_1162 = arith.constant dense<0.000000e+00> : vector<25x128xf32>
    %reduce_sum3A_1163 = vector.multi_reduction <add>, %mul3A_1161, %reduce_sum3A_1162 [1] : vector<25x64x128xf32> to vector<25x128xf32>
    %slice3A_1164 = vector.extract_strided_slice %reduce_sum3A_196 {offsets = [20, 0], sizes = [1, 128], strides = [1, 1]} : vector<25x128xf32> to vector<1x128xf32>
    %add3A_1165 = vector.broadcast %slice3A_1164 : vector<1x128xf32> to vector<25x128xf32>
    %add3A_1166 = arith.addf %add3A_1165, %reduce_sum3A_199 : vector<25x128xf32>
    %mul3A_1167 = arith.constant 2.000000e+00 : f32
    %mul3A_1168 = vector.broadcast %mul3A_1167 : f32 to vector<25x128xf32>
    %mul3A_1169 = arith.mulf %mul3A_1168, %reduce_sum3A_1163 : vector<25x128xf32>
    %sub3A_1170 = arith.subf %add3A_1166, %mul3A_1169 : vector<25x128xf32>
    %max3A_1171 = arith.constant 0.000000e+00 : f32
    %max3A_1172 = vector.broadcast %max3A_1171 : f32 to vector<25x128xf32>
    %max3A_1173 = arith.maximumf %sub3A_1170, %max3A_1172 : vector<25x128xf32>
    %add3A_1174 = arith.constant 9.99999993E-9 : f32
    %add3A_1175 = vector.broadcast %add3A_1174 : f32 to vector<25x128xf32>
    %add3A_1176 = arith.addf %max3A_1173, %add3A_1175 : vector<25x128xf32>
    %sqrt3A_1177 = math.sqrt %add3A_1176 : vector<25x128xf32>
    %neg3A_1178 = arith.constant 0.000000e+00 : f32
    %neg3A_1179 = vector.broadcast %neg3A_1178 : f32 to vector<25x128xf32>
    %neg3A_1180 = arith.subf %neg3A_1179, %sqrt3A_1177 : vector<25x128xf32>
    %mul3A_1181 = arith.constant 1.000000e+00 : f32
    %mul3A_1182 = vector.broadcast %mul3A_1181 : f32 to vector<25x128xf32>
    %mul3A_1183 = arith.mulf %neg3A_1180, %mul3A_1182 : vector<25x128xf32>
    %slice3A_1184 = vector.extract_strided_slice %concatenate3A_189 {offsets = [20, 0], sizes = [1, 128], strides = [1, 1]} : vector<25x128xf32> to vector<1x128xf32>
    %sub3A_1185 = vector.broadcast %slice3A_1184 : vector<1x128xf32> to vector<25x128xf32>
    %sub3A_1186 = arith.subf %sub3A_1185, %concatenate3A_193 : vector<25x128xf32>
    %abs3A_1187 = math.absf %sub3A_1186 : vector<25x128xf32>
    %mul3A_1188 = arith.constant 2.000000e-01 : f32
    %mul3A_1189 = vector.broadcast %mul3A_1188 : f32 to vector<25x128xf32>
    %mul3A_1190 = arith.mulf %mul3A_1189, %abs3A_1187 : vector<25x128xf32>
    %sub3A_1191 = arith.subf %mul3A_1183, %mul3A_1190 : vector<25x128xf32>
    %jit3A_1192 = arith.constant -8.000000e+00 : f32
    %jit3A_1193 = arith.constant 8.000000e+00 : f32
    %max3A_1194 = vector.broadcast %jit3A_1192 : f32 to vector<25x128xf32>
    %max3A_1195 = arith.maximumf %max3A_1194, %sub3A_1191 : vector<25x128xf32>
    %min3A_1196 = vector.broadcast %jit3A_1193 : f32 to vector<25x128xf32>
    %min3A_1197 = arith.minimumf %min3A_1196, %max3A_1195 : vector<25x128xf32>
    %mul3A_1198 = arith.constant 2.000000e+00 : f32
    %mul3A_1199 = vector.broadcast %mul3A_1198 : f32 to vector<25x128xf32>
    %mul3A_1200 = arith.mulf %min3A_1197, %mul3A_1199 : vector<25x128xf32>
    %exp3A_1201 = math.exp %mul3A_1200 : vector<25x128xf32>
    %add3A_1202 = arith.constant 9.99999997E-7 : f32
    %add3A_1203 = vector.broadcast %add3A_1202 : f32 to vector<25x128xf32>
    %add3A_1204 = arith.addf %exp3A_1201, %add3A_1203 : vector<25x128xf32>
    %slice3A_1205 = vector.extract_strided_slice %convert_element_type3A_201 {offsets = [21, 0, 0], sizes = [1, 64, 128], strides = [1, 1, 1]} : vector<25x64x128xf32> to vector<1x64x128xf32>
    %squeeze3A_1206 = vector.shape_cast %slice3A_1205 : vector<1x64x128xf32> to vector<64x128xf32>
    %broadcast_in_dim3A_1207 = vector.shape_cast %squeeze3A_1206 : vector<64x128xf32> to vector<1x64x128xf32>
    %mul3A_1208 = vector.broadcast %broadcast_in_dim3A_1207 : vector<1x64x128xf32> to vector<25x64x128xf32>
    %mul3A_1209 = arith.mulf %mul3A_1208, %convert_element_type3A_203 : vector<25x64x128xf32>
    %reduce_sum3A_1210 = arith.constant dense<0.000000e+00> : vector<25x128xf32>
    %reduce_sum3A_1211 = vector.multi_reduction <add>, %mul3A_1209, %reduce_sum3A_1210 [1] : vector<25x64x128xf32> to vector<25x128xf32>
    %slice3A_1212 = vector.extract_strided_slice %reduce_sum3A_196 {offsets = [21, 0], sizes = [1, 128], strides = [1, 1]} : vector<25x128xf32> to vector<1x128xf32>
    %add3A_1213 = vector.broadcast %slice3A_1212 : vector<1x128xf32> to vector<25x128xf32>
    %add3A_1214 = arith.addf %add3A_1213, %reduce_sum3A_199 : vector<25x128xf32>
    %mul3A_1215 = arith.constant 2.000000e+00 : f32
    %mul3A_1216 = vector.broadcast %mul3A_1215 : f32 to vector<25x128xf32>
    %mul3A_1217 = arith.mulf %mul3A_1216, %reduce_sum3A_1211 : vector<25x128xf32>
    %sub3A_1218 = arith.subf %add3A_1214, %mul3A_1217 : vector<25x128xf32>
    %max3A_1219 = arith.constant 0.000000e+00 : f32
    %max3A_1220 = vector.broadcast %max3A_1219 : f32 to vector<25x128xf32>
    %max3A_1221 = arith.maximumf %sub3A_1218, %max3A_1220 : vector<25x128xf32>
    %add3A_1222 = arith.constant 9.99999993E-9 : f32
    %add3A_1223 = vector.broadcast %add3A_1222 : f32 to vector<25x128xf32>
    %add3A_1224 = arith.addf %max3A_1221, %add3A_1223 : vector<25x128xf32>
    %sqrt3A_1225 = math.sqrt %add3A_1224 : vector<25x128xf32>
    %neg3A_1226 = arith.constant 0.000000e+00 : f32
    %neg3A_1227 = vector.broadcast %neg3A_1226 : f32 to vector<25x128xf32>
    %neg3A_1228 = arith.subf %neg3A_1227, %sqrt3A_1225 : vector<25x128xf32>
    %mul3A_1229 = arith.constant 1.000000e+00 : f32
    %mul3A_1230 = vector.broadcast %mul3A_1229 : f32 to vector<25x128xf32>
    %mul3A_1231 = arith.mulf %neg3A_1228, %mul3A_1230 : vector<25x128xf32>
    %slice3A_1232 = vector.extract_strided_slice %concatenate3A_189 {offsets = [21, 0], sizes = [1, 128], strides = [1, 1]} : vector<25x128xf32> to vector<1x128xf32>
    %sub3A_1233 = vector.broadcast %slice3A_1232 : vector<1x128xf32> to vector<25x128xf32>
    %sub3A_1234 = arith.subf %sub3A_1233, %concatenate3A_193 : vector<25x128xf32>
    %abs3A_1235 = math.absf %sub3A_1234 : vector<25x128xf32>
    %mul3A_1236 = arith.constant 2.000000e-01 : f32
    %mul3A_1237 = vector.broadcast %mul3A_1236 : f32 to vector<25x128xf32>
    %mul3A_1238 = arith.mulf %mul3A_1237, %abs3A_1235 : vector<25x128xf32>
    %sub3A_1239 = arith.subf %mul3A_1231, %mul3A_1238 : vector<25x128xf32>
    %jit3A_1240 = arith.constant -8.000000e+00 : f32
    %jit3A_1241 = arith.constant 8.000000e+00 : f32
    %max3A_1242 = vector.broadcast %jit3A_1240 : f32 to vector<25x128xf32>
    %max3A_1243 = arith.maximumf %max3A_1242, %sub3A_1239 : vector<25x128xf32>
    %min3A_1244 = vector.broadcast %jit3A_1241 : f32 to vector<25x128xf32>
    %min3A_1245 = arith.minimumf %min3A_1244, %max3A_1243 : vector<25x128xf32>
    %mul3A_1246 = arith.constant 2.000000e+00 : f32
    %mul3A_1247 = vector.broadcast %mul3A_1246 : f32 to vector<25x128xf32>
    %mul3A_1248 = arith.mulf %min3A_1245, %mul3A_1247 : vector<25x128xf32>
    %exp3A_1249 = math.exp %mul3A_1248 : vector<25x128xf32>
    %add3A_1250 = arith.constant 9.99999997E-7 : f32
    %add3A_1251 = vector.broadcast %add3A_1250 : f32 to vector<25x128xf32>
    %add3A_1252 = arith.addf %exp3A_1249, %add3A_1251 : vector<25x128xf32>
    %slice3A_1253 = vector.extract_strided_slice %convert_element_type3A_201 {offsets = [22, 0, 0], sizes = [1, 64, 128], strides = [1, 1, 1]} : vector<25x64x128xf32> to vector<1x64x128xf32>
    %squeeze3A_1254 = vector.shape_cast %slice3A_1253 : vector<1x64x128xf32> to vector<64x128xf32>
    %broadcast_in_dim3A_1255 = vector.shape_cast %squeeze3A_1254 : vector<64x128xf32> to vector<1x64x128xf32>
    %mul3A_1256 = vector.broadcast %broadcast_in_dim3A_1255 : vector<1x64x128xf32> to vector<25x64x128xf32>
    %mul3A_1257 = arith.mulf %mul3A_1256, %convert_element_type3A_203 : vector<25x64x128xf32>
    %reduce_sum3A_1258 = arith.constant dense<0.000000e+00> : vector<25x128xf32>
    %reduce_sum3A_1259 = vector.multi_reduction <add>, %mul3A_1257, %reduce_sum3A_1258 [1] : vector<25x64x128xf32> to vector<25x128xf32>
    %slice3A_1260 = vector.extract_strided_slice %reduce_sum3A_196 {offsets = [22, 0], sizes = [1, 128], strides = [1, 1]} : vector<25x128xf32> to vector<1x128xf32>
    %add3A_1261 = vector.broadcast %slice3A_1260 : vector<1x128xf32> to vector<25x128xf32>
    %add3A_1262 = arith.addf %add3A_1261, %reduce_sum3A_199 : vector<25x128xf32>
    %mul3A_1263 = arith.constant 2.000000e+00 : f32
    %mul3A_1264 = vector.broadcast %mul3A_1263 : f32 to vector<25x128xf32>
    %mul3A_1265 = arith.mulf %mul3A_1264, %reduce_sum3A_1259 : vector<25x128xf32>
    %sub3A_1266 = arith.subf %add3A_1262, %mul3A_1265 : vector<25x128xf32>
    %max3A_1267 = arith.constant 0.000000e+00 : f32
    %max3A_1268 = vector.broadcast %max3A_1267 : f32 to vector<25x128xf32>
    %max3A_1269 = arith.maximumf %sub3A_1266, %max3A_1268 : vector<25x128xf32>
    %add3A_1270 = arith.constant 9.99999993E-9 : f32
    %add3A_1271 = vector.broadcast %add3A_1270 : f32 to vector<25x128xf32>
    %add3A_1272 = arith.addf %max3A_1269, %add3A_1271 : vector<25x128xf32>
    %sqrt3A_1273 = math.sqrt %add3A_1272 : vector<25x128xf32>
    %neg3A_1274 = arith.constant 0.000000e+00 : f32
    %neg3A_1275 = vector.broadcast %neg3A_1274 : f32 to vector<25x128xf32>
    %neg3A_1276 = arith.subf %neg3A_1275, %sqrt3A_1273 : vector<25x128xf32>
    %mul3A_1277 = arith.constant 1.000000e+00 : f32
    %mul3A_1278 = vector.broadcast %mul3A_1277 : f32 to vector<25x128xf32>
    %mul3A_1279 = arith.mulf %neg3A_1276, %mul3A_1278 : vector<25x128xf32>
    %slice3A_1280 = vector.extract_strided_slice %concatenate3A_189 {offsets = [22, 0], sizes = [1, 128], strides = [1, 1]} : vector<25x128xf32> to vector<1x128xf32>
    %sub3A_1281 = vector.broadcast %slice3A_1280 : vector<1x128xf32> to vector<25x128xf32>
    %sub3A_1282 = arith.subf %sub3A_1281, %concatenate3A_193 : vector<25x128xf32>
    %abs3A_1283 = math.absf %sub3A_1282 : vector<25x128xf32>
    %mul3A_1284 = arith.constant 2.000000e-01 : f32
    %mul3A_1285 = vector.broadcast %mul3A_1284 : f32 to vector<25x128xf32>
    %mul3A_1286 = arith.mulf %mul3A_1285, %abs3A_1283 : vector<25x128xf32>
    %sub3A_1287 = arith.subf %mul3A_1279, %mul3A_1286 : vector<25x128xf32>
    %jit3A_1288 = arith.constant -8.000000e+00 : f32
    %jit3A_1289 = arith.constant 8.000000e+00 : f32
    %max3A_1290 = vector.broadcast %jit3A_1288 : f32 to vector<25x128xf32>
    %max3A_1291 = arith.maximumf %max3A_1290, %sub3A_1287 : vector<25x128xf32>
    %min3A_1292 = vector.broadcast %jit3A_1289 : f32 to vector<25x128xf32>
    %min3A_1293 = arith.minimumf %min3A_1292, %max3A_1291 : vector<25x128xf32>
    %mul3A_1294 = arith.constant 2.000000e+00 : f32
    %mul3A_1295 = vector.broadcast %mul3A_1294 : f32 to vector<25x128xf32>
    %mul3A_1296 = arith.mulf %min3A_1293, %mul3A_1295 : vector<25x128xf32>
    %exp3A_1297 = math.exp %mul3A_1296 : vector<25x128xf32>
    %add3A_1298 = arith.constant 9.99999997E-7 : f32
    %add3A_1299 = vector.broadcast %add3A_1298 : f32 to vector<25x128xf32>
    %add3A_1300 = arith.addf %exp3A_1297, %add3A_1299 : vector<25x128xf32>
    %slice3A_1301 = vector.extract_strided_slice %convert_element_type3A_201 {offsets = [23, 0, 0], sizes = [1, 64, 128], strides = [1, 1, 1]} : vector<25x64x128xf32> to vector<1x64x128xf32>
    %squeeze3A_1302 = vector.shape_cast %slice3A_1301 : vector<1x64x128xf32> to vector<64x128xf32>
    %broadcast_in_dim3A_1303 = vector.shape_cast %squeeze3A_1302 : vector<64x128xf32> to vector<1x64x128xf32>
    %mul3A_1304 = vector.broadcast %broadcast_in_dim3A_1303 : vector<1x64x128xf32> to vector<25x64x128xf32>
    %mul3A_1305 = arith.mulf %mul3A_1304, %convert_element_type3A_203 : vector<25x64x128xf32>
    %reduce_sum3A_1306 = arith.constant dense<0.000000e+00> : vector<25x128xf32>
    %reduce_sum3A_1307 = vector.multi_reduction <add>, %mul3A_1305, %reduce_sum3A_1306 [1] : vector<25x64x128xf32> to vector<25x128xf32>
    %slice3A_1308 = vector.extract_strided_slice %reduce_sum3A_196 {offsets = [23, 0], sizes = [1, 128], strides = [1, 1]} : vector<25x128xf32> to vector<1x128xf32>
    %add3A_1309 = vector.broadcast %slice3A_1308 : vector<1x128xf32> to vector<25x128xf32>
    %add3A_1310 = arith.addf %add3A_1309, %reduce_sum3A_199 : vector<25x128xf32>
    %mul3A_1311 = arith.constant 2.000000e+00 : f32
    %mul3A_1312 = vector.broadcast %mul3A_1311 : f32 to vector<25x128xf32>
    %mul3A_1313 = arith.mulf %mul3A_1312, %reduce_sum3A_1307 : vector<25x128xf32>
    %sub3A_1314 = arith.subf %add3A_1310, %mul3A_1313 : vector<25x128xf32>
    %max3A_1315 = arith.constant 0.000000e+00 : f32
    %max3A_1316 = vector.broadcast %max3A_1315 : f32 to vector<25x128xf32>
    %max3A_1317 = arith.maximumf %sub3A_1314, %max3A_1316 : vector<25x128xf32>
    %add3A_1318 = arith.constant 9.99999993E-9 : f32
    %add3A_1319 = vector.broadcast %add3A_1318 : f32 to vector<25x128xf32>
    %add3A_1320 = arith.addf %max3A_1317, %add3A_1319 : vector<25x128xf32>
    %sqrt3A_1321 = math.sqrt %add3A_1320 : vector<25x128xf32>
    %neg3A_1322 = arith.constant 0.000000e+00 : f32
    %neg3A_1323 = vector.broadcast %neg3A_1322 : f32 to vector<25x128xf32>
    %neg3A_1324 = arith.subf %neg3A_1323, %sqrt3A_1321 : vector<25x128xf32>
    %mul3A_1325 = arith.constant 1.000000e+00 : f32
    %mul3A_1326 = vector.broadcast %mul3A_1325 : f32 to vector<25x128xf32>
    %mul3A_1327 = arith.mulf %neg3A_1324, %mul3A_1326 : vector<25x128xf32>
    %slice3A_1328 = vector.extract_strided_slice %concatenate3A_189 {offsets = [23, 0], sizes = [1, 128], strides = [1, 1]} : vector<25x128xf32> to vector<1x128xf32>
    %sub3A_1329 = vector.broadcast %slice3A_1328 : vector<1x128xf32> to vector<25x128xf32>
    %sub3A_1330 = arith.subf %sub3A_1329, %concatenate3A_193 : vector<25x128xf32>
    %abs3A_1331 = math.absf %sub3A_1330 : vector<25x128xf32>
    %mul3A_1332 = arith.constant 2.000000e-01 : f32
    %mul3A_1333 = vector.broadcast %mul3A_1332 : f32 to vector<25x128xf32>
    %mul3A_1334 = arith.mulf %mul3A_1333, %abs3A_1331 : vector<25x128xf32>
    %sub3A_1335 = arith.subf %mul3A_1327, %mul3A_1334 : vector<25x128xf32>
    %jit3A_1336 = arith.constant -8.000000e+00 : f32
    %jit3A_1337 = arith.constant 8.000000e+00 : f32
    %max3A_1338 = vector.broadcast %jit3A_1336 : f32 to vector<25x128xf32>
    %max3A_1339 = arith.maximumf %max3A_1338, %sub3A_1335 : vector<25x128xf32>
    %min3A_1340 = vector.broadcast %jit3A_1337 : f32 to vector<25x128xf32>
    %min3A_1341 = arith.minimumf %min3A_1340, %max3A_1339 : vector<25x128xf32>
    %mul3A_1342 = arith.constant 2.000000e+00 : f32
    %mul3A_1343 = vector.broadcast %mul3A_1342 : f32 to vector<25x128xf32>
    %mul3A_1344 = arith.mulf %min3A_1341, %mul3A_1343 : vector<25x128xf32>
    %exp3A_1345 = math.exp %mul3A_1344 : vector<25x128xf32>
    %add3A_1346 = arith.constant 9.99999997E-7 : f32
    %add3A_1347 = vector.broadcast %add3A_1346 : f32 to vector<25x128xf32>
    %add3A_1348 = arith.addf %exp3A_1345, %add3A_1347 : vector<25x128xf32>
    %slice3A_1349 = vector.extract_strided_slice %convert_element_type3A_201 {offsets = [24, 0, 0], sizes = [1, 64, 128], strides = [1, 1, 1]} : vector<25x64x128xf32> to vector<1x64x128xf32>
    %squeeze3A_1350 = vector.shape_cast %slice3A_1349 : vector<1x64x128xf32> to vector<64x128xf32>
    %broadcast_in_dim3A_1351 = vector.shape_cast %squeeze3A_1350 : vector<64x128xf32> to vector<1x64x128xf32>
    %mul3A_1352 = vector.broadcast %broadcast_in_dim3A_1351 : vector<1x64x128xf32> to vector<25x64x128xf32>
    %mul3A_1353 = arith.mulf %mul3A_1352, %convert_element_type3A_203 : vector<25x64x128xf32>
    %reduce_sum3A_1354 = arith.constant dense<0.000000e+00> : vector<25x128xf32>
    %reduce_sum3A_1355 = vector.multi_reduction <add>, %mul3A_1353, %reduce_sum3A_1354 [1] : vector<25x64x128xf32> to vector<25x128xf32>
    %slice3A_1356 = vector.extract_strided_slice %reduce_sum3A_196 {offsets = [24, 0], sizes = [1, 128], strides = [1, 1]} : vector<25x128xf32> to vector<1x128xf32>
    %add3A_1357 = vector.broadcast %slice3A_1356 : vector<1x128xf32> to vector<25x128xf32>
    %add3A_1358 = arith.addf %add3A_1357, %reduce_sum3A_199 : vector<25x128xf32>
    %mul3A_1359 = arith.constant 2.000000e+00 : f32
    %mul3A_1360 = vector.broadcast %mul3A_1359 : f32 to vector<25x128xf32>
    %mul3A_1361 = arith.mulf %mul3A_1360, %reduce_sum3A_1355 : vector<25x128xf32>
    %sub3A_1362 = arith.subf %add3A_1358, %mul3A_1361 : vector<25x128xf32>
    %max3A_1363 = arith.constant 0.000000e+00 : f32
    %max3A_1364 = vector.broadcast %max3A_1363 : f32 to vector<25x128xf32>
    %max3A_1365 = arith.maximumf %sub3A_1362, %max3A_1364 : vector<25x128xf32>
    %add3A_1366 = arith.constant 9.99999993E-9 : f32
    %add3A_1367 = vector.broadcast %add3A_1366 : f32 to vector<25x128xf32>
    %add3A_1368 = arith.addf %max3A_1365, %add3A_1367 : vector<25x128xf32>
    %sqrt3A_1369 = math.sqrt %add3A_1368 : vector<25x128xf32>
    %neg3A_1370 = arith.constant 0.000000e+00 : f32
    %neg3A_1371 = vector.broadcast %neg3A_1370 : f32 to vector<25x128xf32>
    %neg3A_1372 = arith.subf %neg3A_1371, %sqrt3A_1369 : vector<25x128xf32>
    %mul3A_1373 = arith.constant 1.000000e+00 : f32
    %mul3A_1374 = vector.broadcast %mul3A_1373 : f32 to vector<25x128xf32>
    %mul3A_1375 = arith.mulf %neg3A_1372, %mul3A_1374 : vector<25x128xf32>
    %slice3A_1376 = vector.extract_strided_slice %concatenate3A_189 {offsets = [24, 0], sizes = [1, 128], strides = [1, 1]} : vector<25x128xf32> to vector<1x128xf32>
    %sub3A_1377 = vector.broadcast %slice3A_1376 : vector<1x128xf32> to vector<25x128xf32>
    %sub3A_1378 = arith.subf %sub3A_1377, %concatenate3A_193 : vector<25x128xf32>
    %abs3A_1379 = math.absf %sub3A_1378 : vector<25x128xf32>
    %mul3A_1380 = arith.constant 2.000000e-01 : f32
    %mul3A_1381 = vector.broadcast %mul3A_1380 : f32 to vector<25x128xf32>
    %mul3A_1382 = arith.mulf %mul3A_1381, %abs3A_1379 : vector<25x128xf32>
    %sub3A_1383 = arith.subf %mul3A_1375, %mul3A_1382 : vector<25x128xf32>
    %jit3A_1384 = arith.constant -8.000000e+00 : f32
    %jit3A_1385 = arith.constant 8.000000e+00 : f32
    %max3A_1386 = vector.broadcast %jit3A_1384 : f32 to vector<25x128xf32>
    %max3A_1387 = arith.maximumf %max3A_1386, %sub3A_1383 : vector<25x128xf32>
    %min3A_1388 = vector.broadcast %jit3A_1385 : f32 to vector<25x128xf32>
    %min3A_1389 = arith.minimumf %min3A_1388, %max3A_1387 : vector<25x128xf32>
    %mul3A_1390 = arith.constant 2.000000e+00 : f32
    %mul3A_1391 = vector.broadcast %mul3A_1390 : f32 to vector<25x128xf32>
    %mul3A_1392 = arith.mulf %min3A_1389, %mul3A_1391 : vector<25x128xf32>
    %exp3A_1393 = math.exp %mul3A_1392 : vector<25x128xf32>
    %add3A_1394 = arith.constant 9.99999997E-7 : f32
    %add3A_1395 = vector.broadcast %add3A_1394 : f32 to vector<25x128xf32>
    %add3A_1396 = arith.addf %exp3A_1393, %add3A_1395 : vector<25x128xf32>
    %stack3A_1397 = vector.shape_cast %add3A_244 : vector<25x128xf32> to vector<1x25x128xf32>
    %stack3A_1398 = vector.shape_cast %add3A_292 : vector<25x128xf32> to vector<1x25x128xf32>
    %stack3A_1399 = vector.shape_cast %add3A_340 : vector<25x128xf32> to vector<1x25x128xf32>
    %stack3A_1400 = vector.shape_cast %add3A_388 : vector<25x128xf32> to vector<1x25x128xf32>
    %stack3A_1401 = vector.shape_cast %add3A_436 : vector<25x128xf32> to vector<1x25x128xf32>
    %stack3A_1402 = vector.shape_cast %add3A_484 : vector<25x128xf32> to vector<1x25x128xf32>
    %stack3A_1403 = vector.shape_cast %add3A_532 : vector<25x128xf32> to vector<1x25x128xf32>
    %stack3A_1404 = vector.shape_cast %add3A_580 : vector<25x128xf32> to vector<1x25x128xf32>
    %stack3A_1405 = vector.shape_cast %add3A_628 : vector<25x128xf32> to vector<1x25x128xf32>
    %stack3A_1406 = vector.shape_cast %add3A_676 : vector<25x128xf32> to vector<1x25x128xf32>
    %stack3A_1407 = vector.shape_cast %add3A_724 : vector<25x128xf32> to vector<1x25x128xf32>
    %stack3A_1408 = vector.shape_cast %add3A_772 : vector<25x128xf32> to vector<1x25x128xf32>
    %stack3A_1409 = vector.shape_cast %add3A_820 : vector<25x128xf32> to vector<1x25x128xf32>
    %stack3A_1410 = vector.shape_cast %add3A_868 : vector<25x128xf32> to vector<1x25x128xf32>
    %stack3A_1411 = vector.shape_cast %add3A_916 : vector<25x128xf32> to vector<1x25x128xf32>
    %stack3A_1412 = vector.shape_cast %add3A_964 : vector<25x128xf32> to vector<1x25x128xf32>
    %stack3A_1413 = vector.shape_cast %add3A_1012 : vector<25x128xf32> to vector<1x25x128xf32>
    %stack3A_1414 = vector.shape_cast %add3A_1060 : vector<25x128xf32> to vector<1x25x128xf32>
    %stack3A_1415 = vector.shape_cast %add3A_1108 : vector<25x128xf32> to vector<1x25x128xf32>
    %stack3A_1416 = vector.shape_cast %add3A_1156 : vector<25x128xf32> to vector<1x25x128xf32>
    %stack3A_1417 = vector.shape_cast %add3A_1204 : vector<25x128xf32> to vector<1x25x128xf32>
    %stack3A_1418 = vector.shape_cast %add3A_1252 : vector<25x128xf32> to vector<1x25x128xf32>
    %stack3A_1419 = vector.shape_cast %add3A_1300 : vector<25x128xf32> to vector<1x25x128xf32>
    %stack3A_1420 = vector.shape_cast %add3A_1348 : vector<25x128xf32> to vector<1x25x128xf32>
    %stack3A_1421 = vector.shape_cast %add3A_1396 : vector<25x128xf32> to vector<1x25x128xf32>
    %stack3A_1422 = tpu.concatenate %stack3A_1397, %stack3A_1398, %stack3A_1399, %stack3A_1400, %stack3A_1401, %stack3A_1402, %stack3A_1403, %stack3A_1404, %stack3A_1405, %stack3A_1406, %stack3A_1407, %stack3A_1408, %stack3A_1409, %stack3A_1410, %stack3A_1411, %stack3A_1412, %stack3A_1413, %stack3A_1414, %stack3A_1415, %stack3A_1416, %stack3A_1417, %stack3A_1418, %stack3A_1419, %stack3A_1420, %stack3A_1421 in 0 : vector<1x25x128xf32>, vector<1x25x128xf32>, vector<1x25x128xf32>, vector<1x25x128xf32>, vector<1x25x128xf32>, vector<1x25x128xf32>, vector<1x25x128xf32>, vector<1x25x128xf32>, vector<1x25x128xf32>, vector<1x25x128xf32>, vector<1x25x128xf32>, vector<1x25x128xf32>, vector<1x25x128xf32>, vector<1x25x128xf32>, vector<1x25x128xf32>, vector<1x25x128xf32>, vector<1x25x128xf32>, vector<1x25x128xf32>, vector<1x25x128xf32>, vector<1x25x128xf32>, vector<1x25x128xf32>, vector<1x25x128xf32>, vector<1x25x128xf32>, vector<1x25x128xf32>, vector<1x25x128xf32> -> vector<25x25x128xf32>
    %reduce_sum3A_1423 = arith.constant dense<0.000000e+00> : vector<25x128xf32>
    %reduce_sum3A_1424 = vector.multi_reduction <add>, %stack3A_1422, %reduce_sum3A_1423 [1] : vector<25x25x128xf32> to vector<25x128xf32>
    %broadcast_in_dim3A_1425 = vector.shape_cast %reduce_sum3A_1424 : vector<25x128xf32> to vector<25x1x128xf32>
    %add3A_1426 = arith.constant 9.99999997E-7 : f32
    %add3A_1427 = vector.broadcast %add3A_1426 : f32 to vector<25x1x128xf32>
    %add3A_1428 = arith.addf %broadcast_in_dim3A_1425, %add3A_1427 : vector<25x1x128xf32>
    %div3A_1429 = vector.broadcast %add3A_1428 : vector<25x1x128xf32> to vector<25x25x128xf32>
    %div3A_1430 = arith.divf %stack3A_1422, %div3A_1429 : vector<25x25x128xf32>
    %add3A_1431 = arith.constant 9.99999997E-7 : f32
    %add3A_1432 = vector.broadcast %add3A_1431 : f32 to vector<25x25x128xf32>
    %add3A_1433 = arith.addf %div3A_1430, %add3A_1432 : vector<25x25x128xf32>
    %reduce_sum3A_1434 = arith.constant dense<0.000000e+00> : vector<25x128xf32>
    %reduce_sum3A_1435 = vector.multi_reduction <add>, %add3A_1433, %reduce_sum3A_1434 [0] : vector<25x25x128xf32> to vector<25x128xf32>
    %broadcast_in_dim3A_1436 = vector.shape_cast %reduce_sum3A_1435 : vector<25x128xf32> to vector<1x25x128xf32>
    %add3A_1437 = arith.constant 9.99999997E-7 : f32
    %add3A_1438 = vector.broadcast %add3A_1437 : f32 to vector<1x25x128xf32>
    %add3A_1439 = arith.addf %broadcast_in_dim3A_1436, %add3A_1438 : vector<1x25x128xf32>
    %div3A_1440 = vector.broadcast %add3A_1439 : vector<1x25x128xf32> to vector<25x25x128xf32>
    %div3A_1441 = arith.divf %add3A_1433, %div3A_1440 : vector<25x25x128xf32>
    %add3A_1442 = arith.constant 9.99999997E-7 : f32
    %add3A_1443 = vector.broadcast %add3A_1442 : f32 to vector<25x25x128xf32>
    %add3A_1444 = arith.addf %div3A_1441, %add3A_1443 : vector<25x25x128xf32>
    %reduce_sum3A_1445 = arith.constant dense<0.000000e+00> : vector<25x128xf32>
    %reduce_sum3A_1446 = vector.multi_reduction <add>, %add3A_1444, %reduce_sum3A_1445 [1] : vector<25x25x128xf32> to vector<25x128xf32>
    %broadcast_in_dim3A_1447 = vector.shape_cast %reduce_sum3A_1446 : vector<25x128xf32> to vector<25x1x128xf32>
    %add3A_1448 = arith.constant 9.99999997E-7 : f32
    %add3A_1449 = vector.broadcast %add3A_1448 : f32 to vector<25x1x128xf32>
    %add3A_1450 = arith.addf %broadcast_in_dim3A_1447, %add3A_1449 : vector<25x1x128xf32>
    %div3A_1451 = vector.broadcast %add3A_1450 : vector<25x1x128xf32> to vector<25x25x128xf32>
    %div3A_1452 = arith.divf %add3A_1444, %div3A_1451 : vector<25x25x128xf32>
    %add3A_1453 = arith.constant 9.99999997E-7 : f32
    %add3A_1454 = vector.broadcast %add3A_1453 : f32 to vector<25x25x128xf32>
    %add3A_1455 = arith.addf %div3A_1452, %add3A_1454 : vector<25x25x128xf32>
    %reduce_sum3A_1456 = arith.constant dense<0.000000e+00> : vector<25x128xf32>
    %reduce_sum3A_1457 = vector.multi_reduction <add>, %add3A_1455, %reduce_sum3A_1456 [0] : vector<25x25x128xf32> to vector<25x128xf32>
    %broadcast_in_dim3A_1458 = vector.shape_cast %reduce_sum3A_1457 : vector<25x128xf32> to vector<1x25x128xf32>
    %add3A_1459 = arith.constant 9.99999997E-7 : f32
    %add3A_1460 = vector.broadcast %add3A_1459 : f32 to vector<1x25x128xf32>
    %add3A_1461 = arith.addf %broadcast_in_dim3A_1458, %add3A_1460 : vector<1x25x128xf32>
    %div3A_1462 = vector.broadcast %add3A_1461 : vector<1x25x128xf32> to vector<25x25x128xf32>
    %div3A_1463 = arith.divf %add3A_1455, %div3A_1462 : vector<25x25x128xf32>
    %add3A_1464 = arith.constant 9.99999997E-7 : f32
    %add3A_1465 = vector.broadcast %add3A_1464 : f32 to vector<25x25x128xf32>
    %add3A_1466 = arith.addf %div3A_1463, %add3A_1465 : vector<25x25x128xf32>
    %reduce_sum3A_1467 = arith.constant dense<0.000000e+00> : vector<25x128xf32>
    %reduce_sum3A_1468 = vector.multi_reduction <add>, %add3A_1466, %reduce_sum3A_1467 [1] : vector<25x25x128xf32> to vector<25x128xf32>
    %broadcast_in_dim3A_1469 = vector.shape_cast %reduce_sum3A_1468 : vector<25x128xf32> to vector<25x1x128xf32>
    %add3A_1470 = arith.constant 9.99999997E-7 : f32
    %add3A_1471 = vector.broadcast %add3A_1470 : f32 to vector<25x1x128xf32>
    %add3A_1472 = arith.addf %broadcast_in_dim3A_1469, %add3A_1471 : vector<25x1x128xf32>
    %div3A_1473 = vector.broadcast %add3A_1472 : vector<25x1x128xf32> to vector<25x25x128xf32>
    %div3A_1474 = arith.divf %add3A_1466, %div3A_1473 : vector<25x25x128xf32>
    %add3A_1475 = arith.constant 9.99999997E-7 : f32
    %add3A_1476 = vector.broadcast %add3A_1475 : f32 to vector<25x25x128xf32>
    %add3A_1477 = arith.addf %div3A_1474, %add3A_1476 : vector<25x25x128xf32>
    %reduce_sum3A_1478 = arith.constant dense<0.000000e+00> : vector<25x128xf32>
    %reduce_sum3A_1479 = vector.multi_reduction <add>, %add3A_1477, %reduce_sum3A_1478 [0] : vector<25x25x128xf32> to vector<25x128xf32>
    %broadcast_in_dim3A_1480 = vector.shape_cast %reduce_sum3A_1479 : vector<25x128xf32> to vector<1x25x128xf32>
    %add3A_1481 = arith.constant 9.99999997E-7 : f32
    %add3A_1482 = vector.broadcast %add3A_1481 : f32 to vector<1x25x128xf32>
    %add3A_1483 = arith.addf %broadcast_in_dim3A_1480, %add3A_1482 : vector<1x25x128xf32>
    %div3A_1484 = vector.broadcast %add3A_1483 : vector<1x25x128xf32> to vector<25x25x128xf32>
    %div3A_1485 = arith.divf %add3A_1477, %div3A_1484 : vector<25x25x128xf32>
    %add3A_1486 = arith.constant 9.99999997E-7 : f32
    %add3A_1487 = vector.broadcast %add3A_1486 : f32 to vector<25x25x128xf32>
    %add3A_1488 = arith.addf %div3A_1485, %add3A_1487 : vector<25x25x128xf32>
    %reduce_sum3A_1489 = arith.constant dense<0.000000e+00> : vector<25x128xf32>
    %reduce_sum3A_1490 = vector.multi_reduction <add>, %add3A_1488, %reduce_sum3A_1489 [1] : vector<25x25x128xf32> to vector<25x128xf32>
    %broadcast_in_dim3A_1491 = vector.shape_cast %reduce_sum3A_1490 : vector<25x128xf32> to vector<25x1x128xf32>
    %add3A_1492 = arith.constant 9.99999997E-7 : f32
    %add3A_1493 = vector.broadcast %add3A_1492 : f32 to vector<25x1x128xf32>
    %add3A_1494 = arith.addf %broadcast_in_dim3A_1491, %add3A_1493 : vector<25x1x128xf32>
    %div3A_1495 = vector.broadcast %add3A_1494 : vector<25x1x128xf32> to vector<25x25x128xf32>
    %div3A_1496 = arith.divf %add3A_1488, %div3A_1495 : vector<25x25x128xf32>
    %add3A_1497 = arith.constant 9.99999997E-7 : f32
    %add3A_1498 = vector.broadcast %add3A_1497 : f32 to vector<25x25x128xf32>
    %add3A_1499 = arith.addf %div3A_1496, %add3A_1498 : vector<25x25x128xf32>
    %reduce_sum3A_1500 = arith.constant dense<0.000000e+00> : vector<25x128xf32>
    %reduce_sum3A_1501 = vector.multi_reduction <add>, %add3A_1499, %reduce_sum3A_1500 [0] : vector<25x25x128xf32> to vector<25x128xf32>
    %broadcast_in_dim3A_1502 = vector.shape_cast %reduce_sum3A_1501 : vector<25x128xf32> to vector<1x25x128xf32>
    %add3A_1503 = arith.constant 9.99999997E-7 : f32
    %add3A_1504 = vector.broadcast %add3A_1503 : f32 to vector<1x25x128xf32>
    %add3A_1505 = arith.addf %broadcast_in_dim3A_1502, %add3A_1504 : vector<1x25x128xf32>
    %div3A_1506 = vector.broadcast %add3A_1505 : vector<1x25x128xf32> to vector<25x25x128xf32>
    %div3A_1507 = arith.divf %add3A_1499, %div3A_1506 : vector<25x25x128xf32>
    %add3A_1508 = arith.constant 9.99999997E-7 : f32
    %add3A_1509 = vector.broadcast %add3A_1508 : f32 to vector<25x25x128xf32>
    %add3A_1510 = arith.addf %div3A_1507, %add3A_1509 : vector<25x25x128xf32>
    %reduce_sum3A_1511 = arith.constant dense<0.000000e+00> : vector<25x128xf32>
    %reduce_sum3A_1512 = vector.multi_reduction <add>, %add3A_1510, %reduce_sum3A_1511 [1] : vector<25x25x128xf32> to vector<25x128xf32>
    %broadcast_in_dim3A_1513 = vector.shape_cast %reduce_sum3A_1512 : vector<25x128xf32> to vector<25x1x128xf32>
    %add3A_1514 = arith.constant 9.99999997E-7 : f32
    %add3A_1515 = vector.broadcast %add3A_1514 : f32 to vector<25x1x128xf32>
    %add3A_1516 = arith.addf %broadcast_in_dim3A_1513, %add3A_1515 : vector<25x1x128xf32>
    %div3A_1517 = vector.broadcast %add3A_1516 : vector<25x1x128xf32> to vector<25x25x128xf32>
    %div3A_1518 = arith.divf %add3A_1510, %div3A_1517 : vector<25x25x128xf32>
    %add3A_1519 = arith.constant 9.99999997E-7 : f32
    %add3A_1520 = vector.broadcast %add3A_1519 : f32 to vector<25x25x128xf32>
    %add3A_1521 = arith.addf %div3A_1518, %add3A_1520 : vector<25x25x128xf32>
    %reduce_sum3A_1522 = arith.constant dense<0.000000e+00> : vector<25x128xf32>
    %reduce_sum3A_1523 = vector.multi_reduction <add>, %add3A_1521, %reduce_sum3A_1522 [0] : vector<25x25x128xf32> to vector<25x128xf32>
    %broadcast_in_dim3A_1524 = vector.shape_cast %reduce_sum3A_1523 : vector<25x128xf32> to vector<1x25x128xf32>
    %add3A_1525 = arith.constant 9.99999997E-7 : f32
    %add3A_1526 = vector.broadcast %add3A_1525 : f32 to vector<1x25x128xf32>
    %add3A_1527 = arith.addf %broadcast_in_dim3A_1524, %add3A_1526 : vector<1x25x128xf32>
    %div3A_1528 = vector.broadcast %add3A_1527 : vector<1x25x128xf32> to vector<25x25x128xf32>
    %div3A_1529 = arith.divf %add3A_1521, %div3A_1528 : vector<25x25x128xf32>
    %add3A_1530 = arith.constant 9.99999997E-7 : f32
    %add3A_1531 = vector.broadcast %add3A_1530 : f32 to vector<25x25x128xf32>
    %add3A_1532 = arith.addf %div3A_1529, %add3A_1531 : vector<25x25x128xf32>
    %broadcast_in_dim3A_1533 = arith.constant 0.000000e+00 : f32
    %broadcast_in_dim3A_1534 = vector.broadcast %broadcast_in_dim3A_1533 : f32 to vector<25x25x128xf32>
    %broadcast_in_dim3A_1535 = arith.constant 0.000000e+00 : f32
    %broadcast_in_dim3A_1536 = vector.broadcast %broadcast_in_dim3A_1535 : f32 to vector<25x25x128xf32>
    %slice3A_1537 = vector.extract_strided_slice %add3A_1532 {offsets = [0, 0, 0], sizes = [1, 25, 128], strides = [1, 1, 1]} : vector<25x25x128xf32> to vector<1x25x128xf32>
    %slice3A_1538 = vector.extract_strided_slice %add3A_1532 {offsets = [0, 0, 0], sizes = [1, 25, 128], strides = [1, 1, 1]} : vector<25x25x128xf32> to vector<1x25x128xf32>
    %gt3A = arith.cmpf ogt, %slice3A_1537, %slice3A_1538 : vector<1x25x128xf32>
    %slice3A_1539 = vector.extract_strided_slice %add3A_1532 {offsets = [1, 0, 0], sizes = [24, 25, 128], strides = [1, 1, 1]} : vector<25x25x128xf32> to vector<24x25x128xf32>
    %ge3A = vector.broadcast %slice3A_1537 : vector<1x25x128xf32> to vector<24x25x128xf32>
    %ge3A_1540 = arith.cmpf oge, %ge3A, %slice3A_1539 : vector<24x25x128xf32>
    %concatenate3A_1541 = tpu.concatenate %gt3A, %ge3A_1540 in 0 : vector<1x25x128xi1>, vector<24x25x128xi1> -> vector<25x25x128xi1>
    %jit3A_1542 = arith.constant 0.000000e+00 : f32
    %broadcast_in_dim3A_1543 = vector.shape_cast %slice3A_1537 : vector<1x25x128xf32> to vector<1x25x128xf32>
    %broadcast_in_dim3A_1544 = vector.broadcast %broadcast_in_dim3A_1543 : vector<1x25x128xf32> to vector<25x25x128xf32>
    %broadcast_in_dim3A_1545 = vector.broadcast %jit3A_1542 : f32 to vector<25x25x128xf32>
    %select_n3A = arith.select %concatenate3A_1541, %broadcast_in_dim3A_1544, %broadcast_in_dim3A_1545 : vector<25x25x128xi1>, vector<25x25x128xf32>
    %add3A_1546 = arith.addf %broadcast_in_dim3A_1534, %select_n3A : vector<25x25x128xf32>
    %convert_element_type3A_1547 = arith.extui %concatenate3A_1541 : vector<25x25x128xi1> to vector<25x25x128xi32>
    %convert_element_type3A_1548 = arith.sitofp %convert_element_type3A_1547 : vector<25x25x128xi32> to vector<25x25x128xf32>
    %add3A_1549 = arith.addf %broadcast_in_dim3A_1536, %convert_element_type3A_1548 : vector<25x25x128xf32>
    %slice3A_1550 = vector.extract_strided_slice %add3A_1532 {offsets = [1, 0, 0], sizes = [1, 25, 128], strides = [1, 1, 1]} : vector<25x25x128xf32> to vector<1x25x128xf32>
    %slice3A_1551 = vector.extract_strided_slice %add3A_1532 {offsets = [0, 0, 0], sizes = [2, 25, 128], strides = [1, 1, 1]} : vector<25x25x128xf32> to vector<2x25x128xf32>
    %gt3A_1552 = vector.broadcast %slice3A_1550 : vector<1x25x128xf32> to vector<2x25x128xf32>
    %gt3A_1553 = arith.cmpf ogt, %gt3A_1552, %slice3A_1551 : vector<2x25x128xf32>
    %slice3A_1554 = vector.extract_strided_slice %add3A_1532 {offsets = [2, 0, 0], sizes = [23, 25, 128], strides = [1, 1, 1]} : vector<25x25x128xf32> to vector<23x25x128xf32>
    %ge3A_1555 = vector.broadcast %slice3A_1550 : vector<1x25x128xf32> to vector<23x25x128xf32>
    %ge3A_1556 = arith.cmpf oge, %ge3A_1555, %slice3A_1554 : vector<23x25x128xf32>
    %concatenate3A_1557 = tpu.concatenate %gt3A_1553, %ge3A_1556 in 0 : vector<2x25x128xi1>, vector<23x25x128xi1> -> vector<25x25x128xi1>
    %jit3A_1558 = arith.constant 0.000000e+00 : f32
    %broadcast_in_dim3A_1559 = vector.shape_cast %slice3A_1550 : vector<1x25x128xf32> to vector<1x25x128xf32>
    %broadcast_in_dim3A_1560 = vector.broadcast %broadcast_in_dim3A_1559 : vector<1x25x128xf32> to vector<25x25x128xf32>
    %broadcast_in_dim3A_1561 = vector.broadcast %jit3A_1558 : f32 to vector<25x25x128xf32>
    %select_n3A_1562 = arith.select %concatenate3A_1557, %broadcast_in_dim3A_1560, %broadcast_in_dim3A_1561 : vector<25x25x128xi1>, vector<25x25x128xf32>
    %add3A_1563 = arith.addf %add3A_1546, %select_n3A_1562 : vector<25x25x128xf32>
    %convert_element_type3A_1564 = arith.extui %concatenate3A_1557 : vector<25x25x128xi1> to vector<25x25x128xi32>
    %convert_element_type3A_1565 = arith.sitofp %convert_element_type3A_1564 : vector<25x25x128xi32> to vector<25x25x128xf32>
    %add3A_1566 = arith.addf %add3A_1549, %convert_element_type3A_1565 : vector<25x25x128xf32>
    %slice3A_1567 = vector.extract_strided_slice %add3A_1532 {offsets = [2, 0, 0], sizes = [1, 25, 128], strides = [1, 1, 1]} : vector<25x25x128xf32> to vector<1x25x128xf32>
    %slice3A_1568 = vector.extract_strided_slice %add3A_1532 {offsets = [0, 0, 0], sizes = [3, 25, 128], strides = [1, 1, 1]} : vector<25x25x128xf32> to vector<3x25x128xf32>
    %gt3A_1569 = vector.broadcast %slice3A_1567 : vector<1x25x128xf32> to vector<3x25x128xf32>
    %gt3A_1570 = arith.cmpf ogt, %gt3A_1569, %slice3A_1568 : vector<3x25x128xf32>
    %slice3A_1571 = vector.extract_strided_slice %add3A_1532 {offsets = [3, 0, 0], sizes = [22, 25, 128], strides = [1, 1, 1]} : vector<25x25x128xf32> to vector<22x25x128xf32>
    %ge3A_1572 = vector.broadcast %slice3A_1567 : vector<1x25x128xf32> to vector<22x25x128xf32>
    %ge3A_1573 = arith.cmpf oge, %ge3A_1572, %slice3A_1571 : vector<22x25x128xf32>
    %concatenate3A_1574 = tpu.concatenate %gt3A_1570, %ge3A_1573 in 0 : vector<3x25x128xi1>, vector<22x25x128xi1> -> vector<25x25x128xi1>
    %jit3A_1575 = arith.constant 0.000000e+00 : f32
    %broadcast_in_dim3A_1576 = vector.shape_cast %slice3A_1567 : vector<1x25x128xf32> to vector<1x25x128xf32>
    %broadcast_in_dim3A_1577 = vector.broadcast %broadcast_in_dim3A_1576 : vector<1x25x128xf32> to vector<25x25x128xf32>
    %broadcast_in_dim3A_1578 = vector.broadcast %jit3A_1575 : f32 to vector<25x25x128xf32>
    %select_n3A_1579 = arith.select %concatenate3A_1574, %broadcast_in_dim3A_1577, %broadcast_in_dim3A_1578 : vector<25x25x128xi1>, vector<25x25x128xf32>
    %add3A_1580 = arith.addf %add3A_1563, %select_n3A_1579 : vector<25x25x128xf32>
    %convert_element_type3A_1581 = arith.extui %concatenate3A_1574 : vector<25x25x128xi1> to vector<25x25x128xi32>
    %convert_element_type3A_1582 = arith.sitofp %convert_element_type3A_1581 : vector<25x25x128xi32> to vector<25x25x128xf32>
    %add3A_1583 = arith.addf %add3A_1566, %convert_element_type3A_1582 : vector<25x25x128xf32>
    %slice3A_1584 = vector.extract_strided_slice %add3A_1532 {offsets = [3, 0, 0], sizes = [1, 25, 128], strides = [1, 1, 1]} : vector<25x25x128xf32> to vector<1x25x128xf32>
    %slice3A_1585 = vector.extract_strided_slice %add3A_1532 {offsets = [0, 0, 0], sizes = [4, 25, 128], strides = [1, 1, 1]} : vector<25x25x128xf32> to vector<4x25x128xf32>
    %gt3A_1586 = vector.broadcast %slice3A_1584 : vector<1x25x128xf32> to vector<4x25x128xf32>
    %gt3A_1587 = arith.cmpf ogt, %gt3A_1586, %slice3A_1585 : vector<4x25x128xf32>
    %slice3A_1588 = vector.extract_strided_slice %add3A_1532 {offsets = [4, 0, 0], sizes = [21, 25, 128], strides = [1, 1, 1]} : vector<25x25x128xf32> to vector<21x25x128xf32>
    %ge3A_1589 = vector.broadcast %slice3A_1584 : vector<1x25x128xf32> to vector<21x25x128xf32>
    %ge3A_1590 = arith.cmpf oge, %ge3A_1589, %slice3A_1588 : vector<21x25x128xf32>
    %concatenate3A_1591 = tpu.concatenate %gt3A_1587, %ge3A_1590 in 0 : vector<4x25x128xi1>, vector<21x25x128xi1> -> vector<25x25x128xi1>
    %jit3A_1592 = arith.constant 0.000000e+00 : f32
    %broadcast_in_dim3A_1593 = vector.shape_cast %slice3A_1584 : vector<1x25x128xf32> to vector<1x25x128xf32>
    %broadcast_in_dim3A_1594 = vector.broadcast %broadcast_in_dim3A_1593 : vector<1x25x128xf32> to vector<25x25x128xf32>
    %broadcast_in_dim3A_1595 = vector.broadcast %jit3A_1592 : f32 to vector<25x25x128xf32>
    %select_n3A_1596 = arith.select %concatenate3A_1591, %broadcast_in_dim3A_1594, %broadcast_in_dim3A_1595 : vector<25x25x128xi1>, vector<25x25x128xf32>
    %add3A_1597 = arith.addf %add3A_1580, %select_n3A_1596 : vector<25x25x128xf32>
    %convert_element_type3A_1598 = arith.extui %concatenate3A_1591 : vector<25x25x128xi1> to vector<25x25x128xi32>
    %convert_element_type3A_1599 = arith.sitofp %convert_element_type3A_1598 : vector<25x25x128xi32> to vector<25x25x128xf32>
    %add3A_1600 = arith.addf %add3A_1583, %convert_element_type3A_1599 : vector<25x25x128xf32>
    %slice3A_1601 = vector.extract_strided_slice %add3A_1532 {offsets = [4, 0, 0], sizes = [1, 25, 128], strides = [1, 1, 1]} : vector<25x25x128xf32> to vector<1x25x128xf32>
    %slice3A_1602 = vector.extract_strided_slice %add3A_1532 {offsets = [0, 0, 0], sizes = [5, 25, 128], strides = [1, 1, 1]} : vector<25x25x128xf32> to vector<5x25x128xf32>
    %gt3A_1603 = vector.broadcast %slice3A_1601 : vector<1x25x128xf32> to vector<5x25x128xf32>
    %gt3A_1604 = arith.cmpf ogt, %gt3A_1603, %slice3A_1602 : vector<5x25x128xf32>
    %slice3A_1605 = vector.extract_strided_slice %add3A_1532 {offsets = [5, 0, 0], sizes = [20, 25, 128], strides = [1, 1, 1]} : vector<25x25x128xf32> to vector<20x25x128xf32>
    %ge3A_1606 = vector.broadcast %slice3A_1601 : vector<1x25x128xf32> to vector<20x25x128xf32>
    %ge3A_1607 = arith.cmpf oge, %ge3A_1606, %slice3A_1605 : vector<20x25x128xf32>
    %concatenate3A_1608 = tpu.concatenate %gt3A_1604, %ge3A_1607 in 0 : vector<5x25x128xi1>, vector<20x25x128xi1> -> vector<25x25x128xi1>
    %jit3A_1609 = arith.constant 0.000000e+00 : f32
    %broadcast_in_dim3A_1610 = vector.shape_cast %slice3A_1601 : vector<1x25x128xf32> to vector<1x25x128xf32>
    %broadcast_in_dim3A_1611 = vector.broadcast %broadcast_in_dim3A_1610 : vector<1x25x128xf32> to vector<25x25x128xf32>
    %broadcast_in_dim3A_1612 = vector.broadcast %jit3A_1609 : f32 to vector<25x25x128xf32>
    %select_n3A_1613 = arith.select %concatenate3A_1608, %broadcast_in_dim3A_1611, %broadcast_in_dim3A_1612 : vector<25x25x128xi1>, vector<25x25x128xf32>
    %add3A_1614 = arith.addf %add3A_1597, %select_n3A_1613 : vector<25x25x128xf32>
    %convert_element_type3A_1615 = arith.extui %concatenate3A_1608 : vector<25x25x128xi1> to vector<25x25x128xi32>
    %convert_element_type3A_1616 = arith.sitofp %convert_element_type3A_1615 : vector<25x25x128xi32> to vector<25x25x128xf32>
    %add3A_1617 = arith.addf %add3A_1600, %convert_element_type3A_1616 : vector<25x25x128xf32>
    %slice3A_1618 = vector.extract_strided_slice %add3A_1532 {offsets = [5, 0, 0], sizes = [1, 25, 128], strides = [1, 1, 1]} : vector<25x25x128xf32> to vector<1x25x128xf32>
    %slice3A_1619 = vector.extract_strided_slice %add3A_1532 {offsets = [0, 0, 0], sizes = [6, 25, 128], strides = [1, 1, 1]} : vector<25x25x128xf32> to vector<6x25x128xf32>
    %gt3A_1620 = vector.broadcast %slice3A_1618 : vector<1x25x128xf32> to vector<6x25x128xf32>
    %gt3A_1621 = arith.cmpf ogt, %gt3A_1620, %slice3A_1619 : vector<6x25x128xf32>
    %slice3A_1622 = vector.extract_strided_slice %add3A_1532 {offsets = [6, 0, 0], sizes = [19, 25, 128], strides = [1, 1, 1]} : vector<25x25x128xf32> to vector<19x25x128xf32>
    %ge3A_1623 = vector.broadcast %slice3A_1618 : vector<1x25x128xf32> to vector<19x25x128xf32>
    %ge3A_1624 = arith.cmpf oge, %ge3A_1623, %slice3A_1622 : vector<19x25x128xf32>
    %concatenate3A_1625 = tpu.concatenate %gt3A_1621, %ge3A_1624 in 0 : vector<6x25x128xi1>, vector<19x25x128xi1> -> vector<25x25x128xi1>
    %jit3A_1626 = arith.constant 0.000000e+00 : f32
    %broadcast_in_dim3A_1627 = vector.shape_cast %slice3A_1618 : vector<1x25x128xf32> to vector<1x25x128xf32>
    %broadcast_in_dim3A_1628 = vector.broadcast %broadcast_in_dim3A_1627 : vector<1x25x128xf32> to vector<25x25x128xf32>
    %broadcast_in_dim3A_1629 = vector.broadcast %jit3A_1626 : f32 to vector<25x25x128xf32>
    %select_n3A_1630 = arith.select %concatenate3A_1625, %broadcast_in_dim3A_1628, %broadcast_in_dim3A_1629 : vector<25x25x128xi1>, vector<25x25x128xf32>
    %add3A_1631 = arith.addf %add3A_1614, %select_n3A_1630 : vector<25x25x128xf32>
    %convert_element_type3A_1632 = arith.extui %concatenate3A_1625 : vector<25x25x128xi1> to vector<25x25x128xi32>
    %convert_element_type3A_1633 = arith.sitofp %convert_element_type3A_1632 : vector<25x25x128xi32> to vector<25x25x128xf32>
    %add3A_1634 = arith.addf %add3A_1617, %convert_element_type3A_1633 : vector<25x25x128xf32>
    %slice3A_1635 = vector.extract_strided_slice %add3A_1532 {offsets = [6, 0, 0], sizes = [1, 25, 128], strides = [1, 1, 1]} : vector<25x25x128xf32> to vector<1x25x128xf32>
    %slice3A_1636 = vector.extract_strided_slice %add3A_1532 {offsets = [0, 0, 0], sizes = [7, 25, 128], strides = [1, 1, 1]} : vector<25x25x128xf32> to vector<7x25x128xf32>
    %gt3A_1637 = vector.broadcast %slice3A_1635 : vector<1x25x128xf32> to vector<7x25x128xf32>
    %gt3A_1638 = arith.cmpf ogt, %gt3A_1637, %slice3A_1636 : vector<7x25x128xf32>
    %slice3A_1639 = vector.extract_strided_slice %add3A_1532 {offsets = [7, 0, 0], sizes = [18, 25, 128], strides = [1, 1, 1]} : vector<25x25x128xf32> to vector<18x25x128xf32>
    %ge3A_1640 = vector.broadcast %slice3A_1635 : vector<1x25x128xf32> to vector<18x25x128xf32>
    %ge3A_1641 = arith.cmpf oge, %ge3A_1640, %slice3A_1639 : vector<18x25x128xf32>
    %concatenate3A_1642 = tpu.concatenate %gt3A_1638, %ge3A_1641 in 0 : vector<7x25x128xi1>, vector<18x25x128xi1> -> vector<25x25x128xi1>
    %jit3A_1643 = arith.constant 0.000000e+00 : f32
    %broadcast_in_dim3A_1644 = vector.shape_cast %slice3A_1635 : vector<1x25x128xf32> to vector<1x25x128xf32>
    %broadcast_in_dim3A_1645 = vector.broadcast %broadcast_in_dim3A_1644 : vector<1x25x128xf32> to vector<25x25x128xf32>
    %broadcast_in_dim3A_1646 = vector.broadcast %jit3A_1643 : f32 to vector<25x25x128xf32>
    %select_n3A_1647 = arith.select %concatenate3A_1642, %broadcast_in_dim3A_1645, %broadcast_in_dim3A_1646 : vector<25x25x128xi1>, vector<25x25x128xf32>
    %add3A_1648 = arith.addf %add3A_1631, %select_n3A_1647 : vector<25x25x128xf32>
    %convert_element_type3A_1649 = arith.extui %concatenate3A_1642 : vector<25x25x128xi1> to vector<25x25x128xi32>
    %convert_element_type3A_1650 = arith.sitofp %convert_element_type3A_1649 : vector<25x25x128xi32> to vector<25x25x128xf32>
    %add3A_1651 = arith.addf %add3A_1634, %convert_element_type3A_1650 : vector<25x25x128xf32>
    %slice3A_1652 = vector.extract_strided_slice %add3A_1532 {offsets = [7, 0, 0], sizes = [1, 25, 128], strides = [1, 1, 1]} : vector<25x25x128xf32> to vector<1x25x128xf32>
    %slice3A_1653 = vector.extract_strided_slice %add3A_1532 {offsets = [0, 0, 0], sizes = [8, 25, 128], strides = [1, 1, 1]} : vector<25x25x128xf32> to vector<8x25x128xf32>
    %gt3A_1654 = vector.broadcast %slice3A_1652 : vector<1x25x128xf32> to vector<8x25x128xf32>
    %gt3A_1655 = arith.cmpf ogt, %gt3A_1654, %slice3A_1653 : vector<8x25x128xf32>
    %slice3A_1656 = vector.extract_strided_slice %add3A_1532 {offsets = [8, 0, 0], sizes = [17, 25, 128], strides = [1, 1, 1]} : vector<25x25x128xf32> to vector<17x25x128xf32>
    %ge3A_1657 = vector.broadcast %slice3A_1652 : vector<1x25x128xf32> to vector<17x25x128xf32>
    %ge3A_1658 = arith.cmpf oge, %ge3A_1657, %slice3A_1656 : vector<17x25x128xf32>
    %concatenate3A_1659 = tpu.concatenate %gt3A_1655, %ge3A_1658 in 0 : vector<8x25x128xi1>, vector<17x25x128xi1> -> vector<25x25x128xi1>
    %jit3A_1660 = arith.constant 0.000000e+00 : f32
    %broadcast_in_dim3A_1661 = vector.shape_cast %slice3A_1652 : vector<1x25x128xf32> to vector<1x25x128xf32>
    %broadcast_in_dim3A_1662 = vector.broadcast %broadcast_in_dim3A_1661 : vector<1x25x128xf32> to vector<25x25x128xf32>
    %broadcast_in_dim3A_1663 = vector.broadcast %jit3A_1660 : f32 to vector<25x25x128xf32>
    %select_n3A_1664 = arith.select %concatenate3A_1659, %broadcast_in_dim3A_1662, %broadcast_in_dim3A_1663 : vector<25x25x128xi1>, vector<25x25x128xf32>
    %add3A_1665 = arith.addf %add3A_1648, %select_n3A_1664 : vector<25x25x128xf32>
    %convert_element_type3A_1666 = arith.extui %concatenate3A_1659 : vector<25x25x128xi1> to vector<25x25x128xi32>
    %convert_element_type3A_1667 = arith.sitofp %convert_element_type3A_1666 : vector<25x25x128xi32> to vector<25x25x128xf32>
    %add3A_1668 = arith.addf %add3A_1651, %convert_element_type3A_1667 : vector<25x25x128xf32>
    %slice3A_1669 = vector.extract_strided_slice %add3A_1532 {offsets = [8, 0, 0], sizes = [1, 25, 128], strides = [1, 1, 1]} : vector<25x25x128xf32> to vector<1x25x128xf32>
    %slice3A_1670 = vector.extract_strided_slice %add3A_1532 {offsets = [0, 0, 0], sizes = [9, 25, 128], strides = [1, 1, 1]} : vector<25x25x128xf32> to vector<9x25x128xf32>
    %gt3A_1671 = vector.broadcast %slice3A_1669 : vector<1x25x128xf32> to vector<9x25x128xf32>
    %gt3A_1672 = arith.cmpf ogt, %gt3A_1671, %slice3A_1670 : vector<9x25x128xf32>
    %slice3A_1673 = vector.extract_strided_slice %add3A_1532 {offsets = [9, 0, 0], sizes = [16, 25, 128], strides = [1, 1, 1]} : vector<25x25x128xf32> to vector<16x25x128xf32>
    %ge3A_1674 = vector.broadcast %slice3A_1669 : vector<1x25x128xf32> to vector<16x25x128xf32>
    %ge3A_1675 = arith.cmpf oge, %ge3A_1674, %slice3A_1673 : vector<16x25x128xf32>
    %concatenate3A_1676 = tpu.concatenate %gt3A_1672, %ge3A_1675 in 0 : vector<9x25x128xi1>, vector<16x25x128xi1> -> vector<25x25x128xi1>
    %jit3A_1677 = arith.constant 0.000000e+00 : f32
    %broadcast_in_dim3A_1678 = vector.shape_cast %slice3A_1669 : vector<1x25x128xf32> to vector<1x25x128xf32>
    %broadcast_in_dim3A_1679 = vector.broadcast %broadcast_in_dim3A_1678 : vector<1x25x128xf32> to vector<25x25x128xf32>
    %broadcast_in_dim3A_1680 = vector.broadcast %jit3A_1677 : f32 to vector<25x25x128xf32>
    %select_n3A_1681 = arith.select %concatenate3A_1676, %broadcast_in_dim3A_1679, %broadcast_in_dim3A_1680 : vector<25x25x128xi1>, vector<25x25x128xf32>
    %add3A_1682 = arith.addf %add3A_1665, %select_n3A_1681 : vector<25x25x128xf32>
    %convert_element_type3A_1683 = arith.extui %concatenate3A_1676 : vector<25x25x128xi1> to vector<25x25x128xi32>
    %convert_element_type3A_1684 = arith.sitofp %convert_element_type3A_1683 : vector<25x25x128xi32> to vector<25x25x128xf32>
    %add3A_1685 = arith.addf %add3A_1668, %convert_element_type3A_1684 : vector<25x25x128xf32>
    %slice3A_1686 = vector.extract_strided_slice %add3A_1532 {offsets = [9, 0, 0], sizes = [1, 25, 128], strides = [1, 1, 1]} : vector<25x25x128xf32> to vector<1x25x128xf32>
    %slice3A_1687 = vector.extract_strided_slice %add3A_1532 {offsets = [0, 0, 0], sizes = [10, 25, 128], strides = [1, 1, 1]} : vector<25x25x128xf32> to vector<10x25x128xf32>
    %gt3A_1688 = vector.broadcast %slice3A_1686 : vector<1x25x128xf32> to vector<10x25x128xf32>
    %gt3A_1689 = arith.cmpf ogt, %gt3A_1688, %slice3A_1687 : vector<10x25x128xf32>
    %slice3A_1690 = vector.extract_strided_slice %add3A_1532 {offsets = [10, 0, 0], sizes = [15, 25, 128], strides = [1, 1, 1]} : vector<25x25x128xf32> to vector<15x25x128xf32>
    %ge3A_1691 = vector.broadcast %slice3A_1686 : vector<1x25x128xf32> to vector<15x25x128xf32>
    %ge3A_1692 = arith.cmpf oge, %ge3A_1691, %slice3A_1690 : vector<15x25x128xf32>
    %concatenate3A_1693 = tpu.concatenate %gt3A_1689, %ge3A_1692 in 0 : vector<10x25x128xi1>, vector<15x25x128xi1> -> vector<25x25x128xi1>
    %jit3A_1694 = arith.constant 0.000000e+00 : f32
    %broadcast_in_dim3A_1695 = vector.shape_cast %slice3A_1686 : vector<1x25x128xf32> to vector<1x25x128xf32>
    %broadcast_in_dim3A_1696 = vector.broadcast %broadcast_in_dim3A_1695 : vector<1x25x128xf32> to vector<25x25x128xf32>
    %broadcast_in_dim3A_1697 = vector.broadcast %jit3A_1694 : f32 to vector<25x25x128xf32>
    %select_n3A_1698 = arith.select %concatenate3A_1693, %broadcast_in_dim3A_1696, %broadcast_in_dim3A_1697 : vector<25x25x128xi1>, vector<25x25x128xf32>
    %add3A_1699 = arith.addf %add3A_1682, %select_n3A_1698 : vector<25x25x128xf32>
    %convert_element_type3A_1700 = arith.extui %concatenate3A_1693 : vector<25x25x128xi1> to vector<25x25x128xi32>
    %convert_element_type3A_1701 = arith.sitofp %convert_element_type3A_1700 : vector<25x25x128xi32> to vector<25x25x128xf32>
    %add3A_1702 = arith.addf %add3A_1685, %convert_element_type3A_1701 : vector<25x25x128xf32>
    %slice3A_1703 = vector.extract_strided_slice %add3A_1532 {offsets = [10, 0, 0], sizes = [1, 25, 128], strides = [1, 1, 1]} : vector<25x25x128xf32> to vector<1x25x128xf32>
    %slice3A_1704 = vector.extract_strided_slice %add3A_1532 {offsets = [0, 0, 0], sizes = [11, 25, 128], strides = [1, 1, 1]} : vector<25x25x128xf32> to vector<11x25x128xf32>
    %gt3A_1705 = vector.broadcast %slice3A_1703 : vector<1x25x128xf32> to vector<11x25x128xf32>
    %gt3A_1706 = arith.cmpf ogt, %gt3A_1705, %slice3A_1704 : vector<11x25x128xf32>
    %slice3A_1707 = vector.extract_strided_slice %add3A_1532 {offsets = [11, 0, 0], sizes = [14, 25, 128], strides = [1, 1, 1]} : vector<25x25x128xf32> to vector<14x25x128xf32>
    %ge3A_1708 = vector.broadcast %slice3A_1703 : vector<1x25x128xf32> to vector<14x25x128xf32>
    %ge3A_1709 = arith.cmpf oge, %ge3A_1708, %slice3A_1707 : vector<14x25x128xf32>
    %concatenate3A_1710 = tpu.concatenate %gt3A_1706, %ge3A_1709 in 0 : vector<11x25x128xi1>, vector<14x25x128xi1> -> vector<25x25x128xi1>
    %jit3A_1711 = arith.constant 0.000000e+00 : f32
    %broadcast_in_dim3A_1712 = vector.shape_cast %slice3A_1703 : vector<1x25x128xf32> to vector<1x25x128xf32>
    %broadcast_in_dim3A_1713 = vector.broadcast %broadcast_in_dim3A_1712 : vector<1x25x128xf32> to vector<25x25x128xf32>
    %broadcast_in_dim3A_1714 = vector.broadcast %jit3A_1711 : f32 to vector<25x25x128xf32>
    %select_n3A_1715 = arith.select %concatenate3A_1710, %broadcast_in_dim3A_1713, %broadcast_in_dim3A_1714 : vector<25x25x128xi1>, vector<25x25x128xf32>
    %add3A_1716 = arith.addf %add3A_1699, %select_n3A_1715 : vector<25x25x128xf32>
    %convert_element_type3A_1717 = arith.extui %concatenate3A_1710 : vector<25x25x128xi1> to vector<25x25x128xi32>
    %convert_element_type3A_1718 = arith.sitofp %convert_element_type3A_1717 : vector<25x25x128xi32> to vector<25x25x128xf32>
    %add3A_1719 = arith.addf %add3A_1702, %convert_element_type3A_1718 : vector<25x25x128xf32>
    %slice3A_1720 = vector.extract_strided_slice %add3A_1532 {offsets = [11, 0, 0], sizes = [1, 25, 128], strides = [1, 1, 1]} : vector<25x25x128xf32> to vector<1x25x128xf32>
    %slice3A_1721 = vector.extract_strided_slice %add3A_1532 {offsets = [0, 0, 0], sizes = [12, 25, 128], strides = [1, 1, 1]} : vector<25x25x128xf32> to vector<12x25x128xf32>
    %gt3A_1722 = vector.broadcast %slice3A_1720 : vector<1x25x128xf32> to vector<12x25x128xf32>
    %gt3A_1723 = arith.cmpf ogt, %gt3A_1722, %slice3A_1721 : vector<12x25x128xf32>
    %slice3A_1724 = vector.extract_strided_slice %add3A_1532 {offsets = [12, 0, 0], sizes = [13, 25, 128], strides = [1, 1, 1]} : vector<25x25x128xf32> to vector<13x25x128xf32>
    %ge3A_1725 = vector.broadcast %slice3A_1720 : vector<1x25x128xf32> to vector<13x25x128xf32>
    %ge3A_1726 = arith.cmpf oge, %ge3A_1725, %slice3A_1724 : vector<13x25x128xf32>
    %concatenate3A_1727 = tpu.concatenate %gt3A_1723, %ge3A_1726 in 0 : vector<12x25x128xi1>, vector<13x25x128xi1> -> vector<25x25x128xi1>
    %jit3A_1728 = arith.constant 0.000000e+00 : f32
    %broadcast_in_dim3A_1729 = vector.shape_cast %slice3A_1720 : vector<1x25x128xf32> to vector<1x25x128xf32>
    %broadcast_in_dim3A_1730 = vector.broadcast %broadcast_in_dim3A_1729 : vector<1x25x128xf32> to vector<25x25x128xf32>
    %broadcast_in_dim3A_1731 = vector.broadcast %jit3A_1728 : f32 to vector<25x25x128xf32>
    %select_n3A_1732 = arith.select %concatenate3A_1727, %broadcast_in_dim3A_1730, %broadcast_in_dim3A_1731 : vector<25x25x128xi1>, vector<25x25x128xf32>
    %add3A_1733 = arith.addf %add3A_1716, %select_n3A_1732 : vector<25x25x128xf32>
    %convert_element_type3A_1734 = arith.extui %concatenate3A_1727 : vector<25x25x128xi1> to vector<25x25x128xi32>
    %convert_element_type3A_1735 = arith.sitofp %convert_element_type3A_1734 : vector<25x25x128xi32> to vector<25x25x128xf32>
    %add3A_1736 = arith.addf %add3A_1719, %convert_element_type3A_1735 : vector<25x25x128xf32>
    %slice3A_1737 = vector.extract_strided_slice %add3A_1532 {offsets = [12, 0, 0], sizes = [1, 25, 128], strides = [1, 1, 1]} : vector<25x25x128xf32> to vector<1x25x128xf32>
    %slice3A_1738 = vector.extract_strided_slice %add3A_1532 {offsets = [0, 0, 0], sizes = [13, 25, 128], strides = [1, 1, 1]} : vector<25x25x128xf32> to vector<13x25x128xf32>
    %gt3A_1739 = vector.broadcast %slice3A_1737 : vector<1x25x128xf32> to vector<13x25x128xf32>
    %gt3A_1740 = arith.cmpf ogt, %gt3A_1739, %slice3A_1738 : vector<13x25x128xf32>
    %slice3A_1741 = vector.extract_strided_slice %add3A_1532 {offsets = [13, 0, 0], sizes = [12, 25, 128], strides = [1, 1, 1]} : vector<25x25x128xf32> to vector<12x25x128xf32>
    %ge3A_1742 = vector.broadcast %slice3A_1737 : vector<1x25x128xf32> to vector<12x25x128xf32>
    %ge3A_1743 = arith.cmpf oge, %ge3A_1742, %slice3A_1741 : vector<12x25x128xf32>
    %concatenate3A_1744 = tpu.concatenate %gt3A_1740, %ge3A_1743 in 0 : vector<13x25x128xi1>, vector<12x25x128xi1> -> vector<25x25x128xi1>
    %jit3A_1745 = arith.constant 0.000000e+00 : f32
    %broadcast_in_dim3A_1746 = vector.shape_cast %slice3A_1737 : vector<1x25x128xf32> to vector<1x25x128xf32>
    %broadcast_in_dim3A_1747 = vector.broadcast %broadcast_in_dim3A_1746 : vector<1x25x128xf32> to vector<25x25x128xf32>
    %broadcast_in_dim3A_1748 = vector.broadcast %jit3A_1745 : f32 to vector<25x25x128xf32>
    %select_n3A_1749 = arith.select %concatenate3A_1744, %broadcast_in_dim3A_1747, %broadcast_in_dim3A_1748 : vector<25x25x128xi1>, vector<25x25x128xf32>
    %add3A_1750 = arith.addf %add3A_1733, %select_n3A_1749 : vector<25x25x128xf32>
    %convert_element_type3A_1751 = arith.extui %concatenate3A_1744 : vector<25x25x128xi1> to vector<25x25x128xi32>
    %convert_element_type3A_1752 = arith.sitofp %convert_element_type3A_1751 : vector<25x25x128xi32> to vector<25x25x128xf32>
    %add3A_1753 = arith.addf %add3A_1736, %convert_element_type3A_1752 : vector<25x25x128xf32>
    %slice3A_1754 = vector.extract_strided_slice %add3A_1532 {offsets = [13, 0, 0], sizes = [1, 25, 128], strides = [1, 1, 1]} : vector<25x25x128xf32> to vector<1x25x128xf32>
    %slice3A_1755 = vector.extract_strided_slice %add3A_1532 {offsets = [0, 0, 0], sizes = [14, 25, 128], strides = [1, 1, 1]} : vector<25x25x128xf32> to vector<14x25x128xf32>
    %gt3A_1756 = vector.broadcast %slice3A_1754 : vector<1x25x128xf32> to vector<14x25x128xf32>
    %gt3A_1757 = arith.cmpf ogt, %gt3A_1756, %slice3A_1755 : vector<14x25x128xf32>
    %slice3A_1758 = vector.extract_strided_slice %add3A_1532 {offsets = [14, 0, 0], sizes = [11, 25, 128], strides = [1, 1, 1]} : vector<25x25x128xf32> to vector<11x25x128xf32>
    %ge3A_1759 = vector.broadcast %slice3A_1754 : vector<1x25x128xf32> to vector<11x25x128xf32>
    %ge3A_1760 = arith.cmpf oge, %ge3A_1759, %slice3A_1758 : vector<11x25x128xf32>
    %concatenate3A_1761 = tpu.concatenate %gt3A_1757, %ge3A_1760 in 0 : vector<14x25x128xi1>, vector<11x25x128xi1> -> vector<25x25x128xi1>
    %jit3A_1762 = arith.constant 0.000000e+00 : f32
    %broadcast_in_dim3A_1763 = vector.shape_cast %slice3A_1754 : vector<1x25x128xf32> to vector<1x25x128xf32>
    %broadcast_in_dim3A_1764 = vector.broadcast %broadcast_in_dim3A_1763 : vector<1x25x128xf32> to vector<25x25x128xf32>
    %broadcast_in_dim3A_1765 = vector.broadcast %jit3A_1762 : f32 to vector<25x25x128xf32>
    %select_n3A_1766 = arith.select %concatenate3A_1761, %broadcast_in_dim3A_1764, %broadcast_in_dim3A_1765 : vector<25x25x128xi1>, vector<25x25x128xf32>
    %add3A_1767 = arith.addf %add3A_1750, %select_n3A_1766 : vector<25x25x128xf32>
    %convert_element_type3A_1768 = arith.extui %concatenate3A_1761 : vector<25x25x128xi1> to vector<25x25x128xi32>
    %convert_element_type3A_1769 = arith.sitofp %convert_element_type3A_1768 : vector<25x25x128xi32> to vector<25x25x128xf32>
    %add3A_1770 = arith.addf %add3A_1753, %convert_element_type3A_1769 : vector<25x25x128xf32>
    %slice3A_1771 = vector.extract_strided_slice %add3A_1532 {offsets = [14, 0, 0], sizes = [1, 25, 128], strides = [1, 1, 1]} : vector<25x25x128xf32> to vector<1x25x128xf32>
    %slice3A_1772 = vector.extract_strided_slice %add3A_1532 {offsets = [0, 0, 0], sizes = [15, 25, 128], strides = [1, 1, 1]} : vector<25x25x128xf32> to vector<15x25x128xf32>
    %gt3A_1773 = vector.broadcast %slice3A_1771 : vector<1x25x128xf32> to vector<15x25x128xf32>
    %gt3A_1774 = arith.cmpf ogt, %gt3A_1773, %slice3A_1772 : vector<15x25x128xf32>
    %slice3A_1775 = vector.extract_strided_slice %add3A_1532 {offsets = [15, 0, 0], sizes = [10, 25, 128], strides = [1, 1, 1]} : vector<25x25x128xf32> to vector<10x25x128xf32>
    %ge3A_1776 = vector.broadcast %slice3A_1771 : vector<1x25x128xf32> to vector<10x25x128xf32>
    %ge3A_1777 = arith.cmpf oge, %ge3A_1776, %slice3A_1775 : vector<10x25x128xf32>
    %concatenate3A_1778 = tpu.concatenate %gt3A_1774, %ge3A_1777 in 0 : vector<15x25x128xi1>, vector<10x25x128xi1> -> vector<25x25x128xi1>
    %jit3A_1779 = arith.constant 0.000000e+00 : f32
    %broadcast_in_dim3A_1780 = vector.shape_cast %slice3A_1771 : vector<1x25x128xf32> to vector<1x25x128xf32>
    %broadcast_in_dim3A_1781 = vector.broadcast %broadcast_in_dim3A_1780 : vector<1x25x128xf32> to vector<25x25x128xf32>
    %broadcast_in_dim3A_1782 = vector.broadcast %jit3A_1779 : f32 to vector<25x25x128xf32>
    %select_n3A_1783 = arith.select %concatenate3A_1778, %broadcast_in_dim3A_1781, %broadcast_in_dim3A_1782 : vector<25x25x128xi1>, vector<25x25x128xf32>
    %add3A_1784 = arith.addf %add3A_1767, %select_n3A_1783 : vector<25x25x128xf32>
    %convert_element_type3A_1785 = arith.extui %concatenate3A_1778 : vector<25x25x128xi1> to vector<25x25x128xi32>
    %convert_element_type3A_1786 = arith.sitofp %convert_element_type3A_1785 : vector<25x25x128xi32> to vector<25x25x128xf32>
    %add3A_1787 = arith.addf %add3A_1770, %convert_element_type3A_1786 : vector<25x25x128xf32>
    %slice3A_1788 = vector.extract_strided_slice %add3A_1532 {offsets = [15, 0, 0], sizes = [1, 25, 128], strides = [1, 1, 1]} : vector<25x25x128xf32> to vector<1x25x128xf32>
    %slice3A_1789 = vector.extract_strided_slice %add3A_1532 {offsets = [0, 0, 0], sizes = [16, 25, 128], strides = [1, 1, 1]} : vector<25x25x128xf32> to vector<16x25x128xf32>
    %gt3A_1790 = vector.broadcast %slice3A_1788 : vector<1x25x128xf32> to vector<16x25x128xf32>
    %gt3A_1791 = arith.cmpf ogt, %gt3A_1790, %slice3A_1789 : vector<16x25x128xf32>
    %slice3A_1792 = vector.extract_strided_slice %add3A_1532 {offsets = [16, 0, 0], sizes = [9, 25, 128], strides = [1, 1, 1]} : vector<25x25x128xf32> to vector<9x25x128xf32>
    %ge3A_1793 = vector.broadcast %slice3A_1788 : vector<1x25x128xf32> to vector<9x25x128xf32>
    %ge3A_1794 = arith.cmpf oge, %ge3A_1793, %slice3A_1792 : vector<9x25x128xf32>
    %concatenate3A_1795 = tpu.concatenate %gt3A_1791, %ge3A_1794 in 0 : vector<16x25x128xi1>, vector<9x25x128xi1> -> vector<25x25x128xi1>
    %jit3A_1796 = arith.constant 0.000000e+00 : f32
    %broadcast_in_dim3A_1797 = vector.shape_cast %slice3A_1788 : vector<1x25x128xf32> to vector<1x25x128xf32>
    %broadcast_in_dim3A_1798 = vector.broadcast %broadcast_in_dim3A_1797 : vector<1x25x128xf32> to vector<25x25x128xf32>
    %broadcast_in_dim3A_1799 = vector.broadcast %jit3A_1796 : f32 to vector<25x25x128xf32>
    %select_n3A_1800 = arith.select %concatenate3A_1795, %broadcast_in_dim3A_1798, %broadcast_in_dim3A_1799 : vector<25x25x128xi1>, vector<25x25x128xf32>
    %add3A_1801 = arith.addf %add3A_1784, %select_n3A_1800 : vector<25x25x128xf32>
    %convert_element_type3A_1802 = arith.extui %concatenate3A_1795 : vector<25x25x128xi1> to vector<25x25x128xi32>
    %convert_element_type3A_1803 = arith.sitofp %convert_element_type3A_1802 : vector<25x25x128xi32> to vector<25x25x128xf32>
    %add3A_1804 = arith.addf %add3A_1787, %convert_element_type3A_1803 : vector<25x25x128xf32>
    %slice3A_1805 = vector.extract_strided_slice %add3A_1532 {offsets = [16, 0, 0], sizes = [1, 25, 128], strides = [1, 1, 1]} : vector<25x25x128xf32> to vector<1x25x128xf32>
    %slice3A_1806 = vector.extract_strided_slice %add3A_1532 {offsets = [0, 0, 0], sizes = [17, 25, 128], strides = [1, 1, 1]} : vector<25x25x128xf32> to vector<17x25x128xf32>
    %gt3A_1807 = vector.broadcast %slice3A_1805 : vector<1x25x128xf32> to vector<17x25x128xf32>
    %gt3A_1808 = arith.cmpf ogt, %gt3A_1807, %slice3A_1806 : vector<17x25x128xf32>
    %slice3A_1809 = vector.extract_strided_slice %add3A_1532 {offsets = [17, 0, 0], sizes = [8, 25, 128], strides = [1, 1, 1]} : vector<25x25x128xf32> to vector<8x25x128xf32>
    %ge3A_1810 = vector.broadcast %slice3A_1805 : vector<1x25x128xf32> to vector<8x25x128xf32>
    %ge3A_1811 = arith.cmpf oge, %ge3A_1810, %slice3A_1809 : vector<8x25x128xf32>
    %concatenate3A_1812 = tpu.concatenate %gt3A_1808, %ge3A_1811 in 0 : vector<17x25x128xi1>, vector<8x25x128xi1> -> vector<25x25x128xi1>
    %jit3A_1813 = arith.constant 0.000000e+00 : f32
    %broadcast_in_dim3A_1814 = vector.shape_cast %slice3A_1805 : vector<1x25x128xf32> to vector<1x25x128xf32>
    %broadcast_in_dim3A_1815 = vector.broadcast %broadcast_in_dim3A_1814 : vector<1x25x128xf32> to vector<25x25x128xf32>
    %broadcast_in_dim3A_1816 = vector.broadcast %jit3A_1813 : f32 to vector<25x25x128xf32>
    %select_n3A_1817 = arith.select %concatenate3A_1812, %broadcast_in_dim3A_1815, %broadcast_in_dim3A_1816 : vector<25x25x128xi1>, vector<25x25x128xf32>
    %add3A_1818 = arith.addf %add3A_1801, %select_n3A_1817 : vector<25x25x128xf32>
    %convert_element_type3A_1819 = arith.extui %concatenate3A_1812 : vector<25x25x128xi1> to vector<25x25x128xi32>
    %convert_element_type3A_1820 = arith.sitofp %convert_element_type3A_1819 : vector<25x25x128xi32> to vector<25x25x128xf32>
    %add3A_1821 = arith.addf %add3A_1804, %convert_element_type3A_1820 : vector<25x25x128xf32>
    %slice3A_1822 = vector.extract_strided_slice %add3A_1532 {offsets = [17, 0, 0], sizes = [1, 25, 128], strides = [1, 1, 1]} : vector<25x25x128xf32> to vector<1x25x128xf32>
    %slice3A_1823 = vector.extract_strided_slice %add3A_1532 {offsets = [0, 0, 0], sizes = [18, 25, 128], strides = [1, 1, 1]} : vector<25x25x128xf32> to vector<18x25x128xf32>
    %gt3A_1824 = vector.broadcast %slice3A_1822 : vector<1x25x128xf32> to vector<18x25x128xf32>
    %gt3A_1825 = arith.cmpf ogt, %gt3A_1824, %slice3A_1823 : vector<18x25x128xf32>
    %slice3A_1826 = vector.extract_strided_slice %add3A_1532 {offsets = [18, 0, 0], sizes = [7, 25, 128], strides = [1, 1, 1]} : vector<25x25x128xf32> to vector<7x25x128xf32>
    %ge3A_1827 = vector.broadcast %slice3A_1822 : vector<1x25x128xf32> to vector<7x25x128xf32>
    %ge3A_1828 = arith.cmpf oge, %ge3A_1827, %slice3A_1826 : vector<7x25x128xf32>
    %concatenate3A_1829 = tpu.concatenate %gt3A_1825, %ge3A_1828 in 0 : vector<18x25x128xi1>, vector<7x25x128xi1> -> vector<25x25x128xi1>
    %jit3A_1830 = arith.constant 0.000000e+00 : f32
    %broadcast_in_dim3A_1831 = vector.shape_cast %slice3A_1822 : vector<1x25x128xf32> to vector<1x25x128xf32>
    %broadcast_in_dim3A_1832 = vector.broadcast %broadcast_in_dim3A_1831 : vector<1x25x128xf32> to vector<25x25x128xf32>
    %broadcast_in_dim3A_1833 = vector.broadcast %jit3A_1830 : f32 to vector<25x25x128xf32>
    %select_n3A_1834 = arith.select %concatenate3A_1829, %broadcast_in_dim3A_1832, %broadcast_in_dim3A_1833 : vector<25x25x128xi1>, vector<25x25x128xf32>
    %add3A_1835 = arith.addf %add3A_1818, %select_n3A_1834 : vector<25x25x128xf32>
    %convert_element_type3A_1836 = arith.extui %concatenate3A_1829 : vector<25x25x128xi1> to vector<25x25x128xi32>
    %convert_element_type3A_1837 = arith.sitofp %convert_element_type3A_1836 : vector<25x25x128xi32> to vector<25x25x128xf32>
    %add3A_1838 = arith.addf %add3A_1821, %convert_element_type3A_1837 : vector<25x25x128xf32>
    %slice3A_1839 = vector.extract_strided_slice %add3A_1532 {offsets = [18, 0, 0], sizes = [1, 25, 128], strides = [1, 1, 1]} : vector<25x25x128xf32> to vector<1x25x128xf32>
    %slice3A_1840 = vector.extract_strided_slice %add3A_1532 {offsets = [0, 0, 0], sizes = [19, 25, 128], strides = [1, 1, 1]} : vector<25x25x128xf32> to vector<19x25x128xf32>
    %gt3A_1841 = vector.broadcast %slice3A_1839 : vector<1x25x128xf32> to vector<19x25x128xf32>
    %gt3A_1842 = arith.cmpf ogt, %gt3A_1841, %slice3A_1840 : vector<19x25x128xf32>
    %slice3A_1843 = vector.extract_strided_slice %add3A_1532 {offsets = [19, 0, 0], sizes = [6, 25, 128], strides = [1, 1, 1]} : vector<25x25x128xf32> to vector<6x25x128xf32>
    %ge3A_1844 = vector.broadcast %slice3A_1839 : vector<1x25x128xf32> to vector<6x25x128xf32>
    %ge3A_1845 = arith.cmpf oge, %ge3A_1844, %slice3A_1843 : vector<6x25x128xf32>
    %concatenate3A_1846 = tpu.concatenate %gt3A_1842, %ge3A_1845 in 0 : vector<19x25x128xi1>, vector<6x25x128xi1> -> vector<25x25x128xi1>
    %jit3A_1847 = arith.constant 0.000000e+00 : f32
    %broadcast_in_dim3A_1848 = vector.shape_cast %slice3A_1839 : vector<1x25x128xf32> to vector<1x25x128xf32>
    %broadcast_in_dim3A_1849 = vector.broadcast %broadcast_in_dim3A_1848 : vector<1x25x128xf32> to vector<25x25x128xf32>
    %broadcast_in_dim3A_1850 = vector.broadcast %jit3A_1847 : f32 to vector<25x25x128xf32>
    %select_n3A_1851 = arith.select %concatenate3A_1846, %broadcast_in_dim3A_1849, %broadcast_in_dim3A_1850 : vector<25x25x128xi1>, vector<25x25x128xf32>
    %add3A_1852 = arith.addf %add3A_1835, %select_n3A_1851 : vector<25x25x128xf32>
    %convert_element_type3A_1853 = arith.extui %concatenate3A_1846 : vector<25x25x128xi1> to vector<25x25x128xi32>
    %convert_element_type3A_1854 = arith.sitofp %convert_element_type3A_1853 : vector<25x25x128xi32> to vector<25x25x128xf32>
    %add3A_1855 = arith.addf %add3A_1838, %convert_element_type3A_1854 : vector<25x25x128xf32>
    %slice3A_1856 = vector.extract_strided_slice %add3A_1532 {offsets = [19, 0, 0], sizes = [1, 25, 128], strides = [1, 1, 1]} : vector<25x25x128xf32> to vector<1x25x128xf32>
    %slice3A_1857 = vector.extract_strided_slice %add3A_1532 {offsets = [0, 0, 0], sizes = [20, 25, 128], strides = [1, 1, 1]} : vector<25x25x128xf32> to vector<20x25x128xf32>
    %gt3A_1858 = vector.broadcast %slice3A_1856 : vector<1x25x128xf32> to vector<20x25x128xf32>
    %gt3A_1859 = arith.cmpf ogt, %gt3A_1858, %slice3A_1857 : vector<20x25x128xf32>
    %slice3A_1860 = vector.extract_strided_slice %add3A_1532 {offsets = [20, 0, 0], sizes = [5, 25, 128], strides = [1, 1, 1]} : vector<25x25x128xf32> to vector<5x25x128xf32>
    %ge3A_1861 = vector.broadcast %slice3A_1856 : vector<1x25x128xf32> to vector<5x25x128xf32>
    %ge3A_1862 = arith.cmpf oge, %ge3A_1861, %slice3A_1860 : vector<5x25x128xf32>
    %concatenate3A_1863 = tpu.concatenate %gt3A_1859, %ge3A_1862 in 0 : vector<20x25x128xi1>, vector<5x25x128xi1> -> vector<25x25x128xi1>
    %jit3A_1864 = arith.constant 0.000000e+00 : f32
    %broadcast_in_dim3A_1865 = vector.shape_cast %slice3A_1856 : vector<1x25x128xf32> to vector<1x25x128xf32>
    %broadcast_in_dim3A_1866 = vector.broadcast %broadcast_in_dim3A_1865 : vector<1x25x128xf32> to vector<25x25x128xf32>
    %broadcast_in_dim3A_1867 = vector.broadcast %jit3A_1864 : f32 to vector<25x25x128xf32>
    %select_n3A_1868 = arith.select %concatenate3A_1863, %broadcast_in_dim3A_1866, %broadcast_in_dim3A_1867 : vector<25x25x128xi1>, vector<25x25x128xf32>
    %add3A_1869 = arith.addf %add3A_1852, %select_n3A_1868 : vector<25x25x128xf32>
    %convert_element_type3A_1870 = arith.extui %concatenate3A_1863 : vector<25x25x128xi1> to vector<25x25x128xi32>
    %convert_element_type3A_1871 = arith.sitofp %convert_element_type3A_1870 : vector<25x25x128xi32> to vector<25x25x128xf32>
    %add3A_1872 = arith.addf %add3A_1855, %convert_element_type3A_1871 : vector<25x25x128xf32>
    %slice3A_1873 = vector.extract_strided_slice %add3A_1532 {offsets = [20, 0, 0], sizes = [1, 25, 128], strides = [1, 1, 1]} : vector<25x25x128xf32> to vector<1x25x128xf32>
    %slice3A_1874 = vector.extract_strided_slice %add3A_1532 {offsets = [0, 0, 0], sizes = [21, 25, 128], strides = [1, 1, 1]} : vector<25x25x128xf32> to vector<21x25x128xf32>
    %gt3A_1875 = vector.broadcast %slice3A_1873 : vector<1x25x128xf32> to vector<21x25x128xf32>
    %gt3A_1876 = arith.cmpf ogt, %gt3A_1875, %slice3A_1874 : vector<21x25x128xf32>
    %slice3A_1877 = vector.extract_strided_slice %add3A_1532 {offsets = [21, 0, 0], sizes = [4, 25, 128], strides = [1, 1, 1]} : vector<25x25x128xf32> to vector<4x25x128xf32>
    %ge3A_1878 = vector.broadcast %slice3A_1873 : vector<1x25x128xf32> to vector<4x25x128xf32>
    %ge3A_1879 = arith.cmpf oge, %ge3A_1878, %slice3A_1877 : vector<4x25x128xf32>
    %concatenate3A_1880 = tpu.concatenate %gt3A_1876, %ge3A_1879 in 0 : vector<21x25x128xi1>, vector<4x25x128xi1> -> vector<25x25x128xi1>
    %jit3A_1881 = arith.constant 0.000000e+00 : f32
    %broadcast_in_dim3A_1882 = vector.shape_cast %slice3A_1873 : vector<1x25x128xf32> to vector<1x25x128xf32>
    %broadcast_in_dim3A_1883 = vector.broadcast %broadcast_in_dim3A_1882 : vector<1x25x128xf32> to vector<25x25x128xf32>
    %broadcast_in_dim3A_1884 = vector.broadcast %jit3A_1881 : f32 to vector<25x25x128xf32>
    %select_n3A_1885 = arith.select %concatenate3A_1880, %broadcast_in_dim3A_1883, %broadcast_in_dim3A_1884 : vector<25x25x128xi1>, vector<25x25x128xf32>
    %add3A_1886 = arith.addf %add3A_1869, %select_n3A_1885 : vector<25x25x128xf32>
    %convert_element_type3A_1887 = arith.extui %concatenate3A_1880 : vector<25x25x128xi1> to vector<25x25x128xi32>
    %convert_element_type3A_1888 = arith.sitofp %convert_element_type3A_1887 : vector<25x25x128xi32> to vector<25x25x128xf32>
    %add3A_1889 = arith.addf %add3A_1872, %convert_element_type3A_1888 : vector<25x25x128xf32>
    %slice3A_1890 = vector.extract_strided_slice %add3A_1532 {offsets = [21, 0, 0], sizes = [1, 25, 128], strides = [1, 1, 1]} : vector<25x25x128xf32> to vector<1x25x128xf32>
    %slice3A_1891 = vector.extract_strided_slice %add3A_1532 {offsets = [0, 0, 0], sizes = [22, 25, 128], strides = [1, 1, 1]} : vector<25x25x128xf32> to vector<22x25x128xf32>
    %gt3A_1892 = vector.broadcast %slice3A_1890 : vector<1x25x128xf32> to vector<22x25x128xf32>
    %gt3A_1893 = arith.cmpf ogt, %gt3A_1892, %slice3A_1891 : vector<22x25x128xf32>
    %slice3A_1894 = vector.extract_strided_slice %add3A_1532 {offsets = [22, 0, 0], sizes = [3, 25, 128], strides = [1, 1, 1]} : vector<25x25x128xf32> to vector<3x25x128xf32>
    %ge3A_1895 = vector.broadcast %slice3A_1890 : vector<1x25x128xf32> to vector<3x25x128xf32>
    %ge3A_1896 = arith.cmpf oge, %ge3A_1895, %slice3A_1894 : vector<3x25x128xf32>
    %concatenate3A_1897 = tpu.concatenate %gt3A_1893, %ge3A_1896 in 0 : vector<22x25x128xi1>, vector<3x25x128xi1> -> vector<25x25x128xi1>
    %jit3A_1898 = arith.constant 0.000000e+00 : f32
    %broadcast_in_dim3A_1899 = vector.shape_cast %slice3A_1890 : vector<1x25x128xf32> to vector<1x25x128xf32>
    %broadcast_in_dim3A_1900 = vector.broadcast %broadcast_in_dim3A_1899 : vector<1x25x128xf32> to vector<25x25x128xf32>
    %broadcast_in_dim3A_1901 = vector.broadcast %jit3A_1898 : f32 to vector<25x25x128xf32>
    %select_n3A_1902 = arith.select %concatenate3A_1897, %broadcast_in_dim3A_1900, %broadcast_in_dim3A_1901 : vector<25x25x128xi1>, vector<25x25x128xf32>
    %add3A_1903 = arith.addf %add3A_1886, %select_n3A_1902 : vector<25x25x128xf32>
    %convert_element_type3A_1904 = arith.extui %concatenate3A_1897 : vector<25x25x128xi1> to vector<25x25x128xi32>
    %convert_element_type3A_1905 = arith.sitofp %convert_element_type3A_1904 : vector<25x25x128xi32> to vector<25x25x128xf32>
    %add3A_1906 = arith.addf %add3A_1889, %convert_element_type3A_1905 : vector<25x25x128xf32>
    %slice3A_1907 = vector.extract_strided_slice %add3A_1532 {offsets = [22, 0, 0], sizes = [1, 25, 128], strides = [1, 1, 1]} : vector<25x25x128xf32> to vector<1x25x128xf32>
    %slice3A_1908 = vector.extract_strided_slice %add3A_1532 {offsets = [0, 0, 0], sizes = [23, 25, 128], strides = [1, 1, 1]} : vector<25x25x128xf32> to vector<23x25x128xf32>
    %gt3A_1909 = vector.broadcast %slice3A_1907 : vector<1x25x128xf32> to vector<23x25x128xf32>
    %gt3A_1910 = arith.cmpf ogt, %gt3A_1909, %slice3A_1908 : vector<23x25x128xf32>
    %slice3A_1911 = vector.extract_strided_slice %add3A_1532 {offsets = [23, 0, 0], sizes = [2, 25, 128], strides = [1, 1, 1]} : vector<25x25x128xf32> to vector<2x25x128xf32>
    %ge3A_1912 = vector.broadcast %slice3A_1907 : vector<1x25x128xf32> to vector<2x25x128xf32>
    %ge3A_1913 = arith.cmpf oge, %ge3A_1912, %slice3A_1911 : vector<2x25x128xf32>
    %concatenate3A_1914 = tpu.concatenate %gt3A_1910, %ge3A_1913 in 0 : vector<23x25x128xi1>, vector<2x25x128xi1> -> vector<25x25x128xi1>
    %jit3A_1915 = arith.constant 0.000000e+00 : f32
    %broadcast_in_dim3A_1916 = vector.shape_cast %slice3A_1907 : vector<1x25x128xf32> to vector<1x25x128xf32>
    %broadcast_in_dim3A_1917 = vector.broadcast %broadcast_in_dim3A_1916 : vector<1x25x128xf32> to vector<25x25x128xf32>
    %broadcast_in_dim3A_1918 = vector.broadcast %jit3A_1915 : f32 to vector<25x25x128xf32>
    %select_n3A_1919 = arith.select %concatenate3A_1914, %broadcast_in_dim3A_1917, %broadcast_in_dim3A_1918 : vector<25x25x128xi1>, vector<25x25x128xf32>
    %add3A_1920 = arith.addf %add3A_1903, %select_n3A_1919 : vector<25x25x128xf32>
    %convert_element_type3A_1921 = arith.extui %concatenate3A_1914 : vector<25x25x128xi1> to vector<25x25x128xi32>
    %convert_element_type3A_1922 = arith.sitofp %convert_element_type3A_1921 : vector<25x25x128xi32> to vector<25x25x128xf32>
    %add3A_1923 = arith.addf %add3A_1906, %convert_element_type3A_1922 : vector<25x25x128xf32>
    %slice3A_1924 = vector.extract_strided_slice %add3A_1532 {offsets = [23, 0, 0], sizes = [1, 25, 128], strides = [1, 1, 1]} : vector<25x25x128xf32> to vector<1x25x128xf32>
    %slice3A_1925 = vector.extract_strided_slice %add3A_1532 {offsets = [0, 0, 0], sizes = [24, 25, 128], strides = [1, 1, 1]} : vector<25x25x128xf32> to vector<24x25x128xf32>
    %gt3A_1926 = vector.broadcast %slice3A_1924 : vector<1x25x128xf32> to vector<24x25x128xf32>
    %gt3A_1927 = arith.cmpf ogt, %gt3A_1926, %slice3A_1925 : vector<24x25x128xf32>
    %slice3A_1928 = vector.extract_strided_slice %add3A_1532 {offsets = [24, 0, 0], sizes = [1, 25, 128], strides = [1, 1, 1]} : vector<25x25x128xf32> to vector<1x25x128xf32>
    %ge3A_1929 = arith.cmpf oge, %slice3A_1924, %slice3A_1928 : vector<1x25x128xf32>
    %concatenate3A_1930 = tpu.concatenate %gt3A_1927, %ge3A_1929 in 0 : vector<24x25x128xi1>, vector<1x25x128xi1> -> vector<25x25x128xi1>
    %jit3A_1931 = arith.constant 0.000000e+00 : f32
    %broadcast_in_dim3A_1932 = vector.shape_cast %slice3A_1924 : vector<1x25x128xf32> to vector<1x25x128xf32>
    %broadcast_in_dim3A_1933 = vector.broadcast %broadcast_in_dim3A_1932 : vector<1x25x128xf32> to vector<25x25x128xf32>
    %broadcast_in_dim3A_1934 = vector.broadcast %jit3A_1931 : f32 to vector<25x25x128xf32>
    %select_n3A_1935 = arith.select %concatenate3A_1930, %broadcast_in_dim3A_1933, %broadcast_in_dim3A_1934 : vector<25x25x128xi1>, vector<25x25x128xf32>
    %add3A_1936 = arith.addf %add3A_1920, %select_n3A_1935 : vector<25x25x128xf32>
    %convert_element_type3A_1937 = arith.extui %concatenate3A_1930 : vector<25x25x128xi1> to vector<25x25x128xi32>
    %convert_element_type3A_1938 = arith.sitofp %convert_element_type3A_1937 : vector<25x25x128xi32> to vector<25x25x128xf32>
    %add3A_1939 = arith.addf %add3A_1923, %convert_element_type3A_1938 : vector<25x25x128xf32>
    %slice3A_1940 = vector.extract_strided_slice %add3A_1532 {offsets = [24, 0, 0], sizes = [1, 25, 128], strides = [1, 1, 1]} : vector<25x25x128xf32> to vector<1x25x128xf32>
    %gt3A_1941 = vector.broadcast %slice3A_1940 : vector<1x25x128xf32> to vector<25x25x128xf32>
    %gt3A_1942 = arith.cmpf ogt, %gt3A_1941, %add3A_1532 : vector<25x25x128xf32>
    %jit3A_1943 = arith.constant 0.000000e+00 : f32
    %broadcast_in_dim3A_1944 = vector.shape_cast %slice3A_1940 : vector<1x25x128xf32> to vector<1x25x128xf32>
    %broadcast_in_dim3A_1945 = vector.broadcast %broadcast_in_dim3A_1944 : vector<1x25x128xf32> to vector<25x25x128xf32>
    %broadcast_in_dim3A_1946 = vector.broadcast %jit3A_1943 : f32 to vector<25x25x128xf32>
    %select_n3A_1947 = arith.select %gt3A_1942, %broadcast_in_dim3A_1945, %broadcast_in_dim3A_1946 : vector<25x25x128xi1>, vector<25x25x128xf32>
    %add3A_1948 = arith.addf %add3A_1936, %select_n3A_1947 : vector<25x25x128xf32>
    %convert_element_type3A_1949 = arith.extui %gt3A_1942 : vector<25x25x128xi1> to vector<25x25x128xi32>
    %convert_element_type3A_1950 = arith.sitofp %convert_element_type3A_1949 : vector<25x25x128xi32> to vector<25x25x128xf32>
    %add3A_1951 = arith.addf %add3A_1939, %convert_element_type3A_1950 : vector<25x25x128xf32>
    %add3A_1952 = arith.addf %add3A_1948, %add3A_1532 : vector<25x25x128xf32>
    %lt3A = arith.constant 0.899999976 : f32
    %lt3A_1953 = vector.broadcast %lt3A : f32 to vector<25x25x128xf32>
    %lt3A_1954 = arith.cmpf olt, %add3A_1952, %lt3A_1953 : vector<25x25x128xf32>
    %lt3A_1955 = arith.constant 2.000000e+00 : f32
    %lt3A_1956 = vector.broadcast %lt3A_1955 : f32 to vector<25x25x128xf32>
    %lt3A_1957 = arith.cmpf olt, %add3A_1951, %lt3A_1956 : vector<25x25x128xf32>
    %or3A = arith.ori %lt3A_1954, %lt3A_1957 : vector<25x25x128xi1>
    %convert_element_type3A_1958 = arith.extui %or3A : vector<25x25x128xi1> to vector<25x25x128xi32>
    %convert_element_type3A_1959 = arith.sitofp %convert_element_type3A_1958 : vector<25x25x128xi32> to vector<25x25x128xf32>
    %mul3A_1960 = arith.mulf %add3A_1532, %convert_element_type3A_1959 : vector<25x25x128xf32>
    %reduce_sum3A_1961 = arith.constant dense<0.000000e+00> : vector<25x128xf32>
    %reduce_sum3A_1962 = vector.multi_reduction <add>, %mul3A_1960, %reduce_sum3A_1961 [0] : vector<25x25x128xf32> to vector<25x128xf32>
    %broadcast_in_dim3A_1963 = vector.shape_cast %reduce_sum3A_1962 : vector<25x128xf32> to vector<1x25x128xf32>
    %add3A_1964 = arith.constant 9.99999997E-7 : f32
    %add3A_1965 = vector.broadcast %add3A_1964 : f32 to vector<1x25x128xf32>
    %add3A_1966 = arith.addf %broadcast_in_dim3A_1963, %add3A_1965 : vector<1x25x128xf32>
    %div3A_1967 = vector.broadcast %add3A_1966 : vector<1x25x128xf32> to vector<25x25x128xf32>
    %div3A_1968 = arith.divf %mul3A_1960, %div3A_1967 : vector<25x25x128xf32>
    %convert_element_type3A_1969 = arith.truncf %stack3A_178 : vector<25x64x128xf32> to vector<25x64x128xbf16>
    %convert_element_type3A_1970 = arith.extf %convert_element_type3A_1969 : vector<25x64x128xbf16> to vector<25x64x128xf32>
    %convert_element_type3A_1971 = arith.truncf %div3A_1968 : vector<25x25x128xf32> to vector<25x25x128xbf16>
    %convert_element_type3A_1972 = arith.extf %convert_element_type3A_1971 : vector<25x25x128xbf16> to vector<25x25x128xf32>
    %broadcast_in_dim3A_1973 = arith.constant 0.000000e+00 : f32
    %broadcast_in_dim3A_1974 = vector.broadcast %broadcast_in_dim3A_1973 : f32 to vector<64x25x128xf32>
    %slice3A_1975 = vector.extract_strided_slice %convert_element_type3A_1970 {offsets = [0, 0, 0], sizes = [1, 64, 128], strides = [1, 1, 1]} : vector<25x64x128xf32> to vector<1x64x128xf32>
    %squeeze3A_1976 = vector.shape_cast %slice3A_1975 : vector<1x64x128xf32> to vector<64x128xf32>
    %broadcast_in_dim3A_1977 = vector.shape_cast %squeeze3A_1976 : vector<64x128xf32> to vector<64x1x128xf32>
    %slice3A_1978 = vector.extract_strided_slice %convert_element_type3A_1972 {offsets = [0, 0, 0], sizes = [1, 25, 128], strides = [1, 1, 1]} : vector<25x25x128xf32> to vector<1x25x128xf32>
    %squeeze3A_1979 = vector.shape_cast %slice3A_1978 : vector<1x25x128xf32> to vector<25x128xf32>
    %broadcast_in_dim3A_1980 = vector.shape_cast %squeeze3A_1979 : vector<25x128xf32> to vector<1x25x128xf32>
    %mul3A_1981 = vector.broadcast %broadcast_in_dim3A_1977 : vector<64x1x128xf32> to vector<64x25x128xf32>
    %mul3A_1982 = vector.broadcast %broadcast_in_dim3A_1980 : vector<1x25x128xf32> to vector<64x25x128xf32>
    %mul3A_1983 = arith.mulf %mul3A_1981, %mul3A_1982 : vector<64x25x128xf32>
    %add3A_1984 = arith.addf %broadcast_in_dim3A_1974, %mul3A_1983 : vector<64x25x128xf32>
    %slice3A_1985 = vector.extract_strided_slice %convert_element_type3A_1970 {offsets = [1, 0, 0], sizes = [1, 64, 128], strides = [1, 1, 1]} : vector<25x64x128xf32> to vector<1x64x128xf32>
    %squeeze3A_1986 = vector.shape_cast %slice3A_1985 : vector<1x64x128xf32> to vector<64x128xf32>
    %broadcast_in_dim3A_1987 = vector.shape_cast %squeeze3A_1986 : vector<64x128xf32> to vector<64x1x128xf32>
    %slice3A_1988 = vector.extract_strided_slice %convert_element_type3A_1972 {offsets = [1, 0, 0], sizes = [1, 25, 128], strides = [1, 1, 1]} : vector<25x25x128xf32> to vector<1x25x128xf32>
    %squeeze3A_1989 = vector.shape_cast %slice3A_1988 : vector<1x25x128xf32> to vector<25x128xf32>
    %broadcast_in_dim3A_1990 = vector.shape_cast %squeeze3A_1989 : vector<25x128xf32> to vector<1x25x128xf32>
    %mul3A_1991 = vector.broadcast %broadcast_in_dim3A_1987 : vector<64x1x128xf32> to vector<64x25x128xf32>
    %mul3A_1992 = vector.broadcast %broadcast_in_dim3A_1990 : vector<1x25x128xf32> to vector<64x25x128xf32>
    %mul3A_1993 = arith.mulf %mul3A_1991, %mul3A_1992 : vector<64x25x128xf32>
    %add3A_1994 = arith.addf %add3A_1984, %mul3A_1993 : vector<64x25x128xf32>
    %slice3A_1995 = vector.extract_strided_slice %convert_element_type3A_1970 {offsets = [2, 0, 0], sizes = [1, 64, 128], strides = [1, 1, 1]} : vector<25x64x128xf32> to vector<1x64x128xf32>
    %squeeze3A_1996 = vector.shape_cast %slice3A_1995 : vector<1x64x128xf32> to vector<64x128xf32>
    %broadcast_in_dim3A_1997 = vector.shape_cast %squeeze3A_1996 : vector<64x128xf32> to vector<64x1x128xf32>
    %slice3A_1998 = vector.extract_strided_slice %convert_element_type3A_1972 {offsets = [2, 0, 0], sizes = [1, 25, 128], strides = [1, 1, 1]} : vector<25x25x128xf32> to vector<1x25x128xf32>
    %squeeze3A_1999 = vector.shape_cast %slice3A_1998 : vector<1x25x128xf32> to vector<25x128xf32>
    %broadcast_in_dim3A_2000 = vector.shape_cast %squeeze3A_1999 : vector<25x128xf32> to vector<1x25x128xf32>
    %mul3A_2001 = vector.broadcast %broadcast_in_dim3A_1997 : vector<64x1x128xf32> to vector<64x25x128xf32>
    %mul3A_2002 = vector.broadcast %broadcast_in_dim3A_2000 : vector<1x25x128xf32> to vector<64x25x128xf32>
    %mul3A_2003 = arith.mulf %mul3A_2001, %mul3A_2002 : vector<64x25x128xf32>
    %add3A_2004 = arith.addf %add3A_1994, %mul3A_2003 : vector<64x25x128xf32>
    %slice3A_2005 = vector.extract_strided_slice %convert_element_type3A_1970 {offsets = [3, 0, 0], sizes = [1, 64, 128], strides = [1, 1, 1]} : vector<25x64x128xf32> to vector<1x64x128xf32>
    %squeeze3A_2006 = vector.shape_cast %slice3A_2005 : vector<1x64x128xf32> to vector<64x128xf32>
    %broadcast_in_dim3A_2007 = vector.shape_cast %squeeze3A_2006 : vector<64x128xf32> to vector<64x1x128xf32>
    %slice3A_2008 = vector.extract_strided_slice %convert_element_type3A_1972 {offsets = [3, 0, 0], sizes = [1, 25, 128], strides = [1, 1, 1]} : vector<25x25x128xf32> to vector<1x25x128xf32>
    %squeeze3A_2009 = vector.shape_cast %slice3A_2008 : vector<1x25x128xf32> to vector<25x128xf32>
    %broadcast_in_dim3A_2010 = vector.shape_cast %squeeze3A_2009 : vector<25x128xf32> to vector<1x25x128xf32>
    %mul3A_2011 = vector.broadcast %broadcast_in_dim3A_2007 : vector<64x1x128xf32> to vector<64x25x128xf32>
    %mul3A_2012 = vector.broadcast %broadcast_in_dim3A_2010 : vector<1x25x128xf32> to vector<64x25x128xf32>
    %mul3A_2013 = arith.mulf %mul3A_2011, %mul3A_2012 : vector<64x25x128xf32>
    %add3A_2014 = arith.addf %add3A_2004, %mul3A_2013 : vector<64x25x128xf32>
    %slice3A_2015 = vector.extract_strided_slice %convert_element_type3A_1970 {offsets = [4, 0, 0], sizes = [1, 64, 128], strides = [1, 1, 1]} : vector<25x64x128xf32> to vector<1x64x128xf32>
    %squeeze3A_2016 = vector.shape_cast %slice3A_2015 : vector<1x64x128xf32> to vector<64x128xf32>
    %broadcast_in_dim3A_2017 = vector.shape_cast %squeeze3A_2016 : vector<64x128xf32> to vector<64x1x128xf32>
    %slice3A_2018 = vector.extract_strided_slice %convert_element_type3A_1972 {offsets = [4, 0, 0], sizes = [1, 25, 128], strides = [1, 1, 1]} : vector<25x25x128xf32> to vector<1x25x128xf32>
    %squeeze3A_2019 = vector.shape_cast %slice3A_2018 : vector<1x25x128xf32> to vector<25x128xf32>
    %broadcast_in_dim3A_2020 = vector.shape_cast %squeeze3A_2019 : vector<25x128xf32> to vector<1x25x128xf32>
    %mul3A_2021 = vector.broadcast %broadcast_in_dim3A_2017 : vector<64x1x128xf32> to vector<64x25x128xf32>
    %mul3A_2022 = vector.broadcast %broadcast_in_dim3A_2020 : vector<1x25x128xf32> to vector<64x25x128xf32>
    %mul3A_2023 = arith.mulf %mul3A_2021, %mul3A_2022 : vector<64x25x128xf32>
    %add3A_2024 = arith.addf %add3A_2014, %mul3A_2023 : vector<64x25x128xf32>
    %slice3A_2025 = vector.extract_strided_slice %convert_element_type3A_1970 {offsets = [5, 0, 0], sizes = [1, 64, 128], strides = [1, 1, 1]} : vector<25x64x128xf32> to vector<1x64x128xf32>
    %squeeze3A_2026 = vector.shape_cast %slice3A_2025 : vector<1x64x128xf32> to vector<64x128xf32>
    %broadcast_in_dim3A_2027 = vector.shape_cast %squeeze3A_2026 : vector<64x128xf32> to vector<64x1x128xf32>
    %slice3A_2028 = vector.extract_strided_slice %convert_element_type3A_1972 {offsets = [5, 0, 0], sizes = [1, 25, 128], strides = [1, 1, 1]} : vector<25x25x128xf32> to vector<1x25x128xf32>
    %squeeze3A_2029 = vector.shape_cast %slice3A_2028 : vector<1x25x128xf32> to vector<25x128xf32>
    %broadcast_in_dim3A_2030 = vector.shape_cast %squeeze3A_2029 : vector<25x128xf32> to vector<1x25x128xf32>
    %mul3A_2031 = vector.broadcast %broadcast_in_dim3A_2027 : vector<64x1x128xf32> to vector<64x25x128xf32>
    %mul3A_2032 = vector.broadcast %broadcast_in_dim3A_2030 : vector<1x25x128xf32> to vector<64x25x128xf32>
    %mul3A_2033 = arith.mulf %mul3A_2031, %mul3A_2032 : vector<64x25x128xf32>
    %add3A_2034 = arith.addf %add3A_2024, %mul3A_2033 : vector<64x25x128xf32>
    %slice3A_2035 = vector.extract_strided_slice %convert_element_type3A_1970 {offsets = [6, 0, 0], sizes = [1, 64, 128], strides = [1, 1, 1]} : vector<25x64x128xf32> to vector<1x64x128xf32>
    %squeeze3A_2036 = vector.shape_cast %slice3A_2035 : vector<1x64x128xf32> to vector<64x128xf32>
    %broadcast_in_dim3A_2037 = vector.shape_cast %squeeze3A_2036 : vector<64x128xf32> to vector<64x1x128xf32>
    %slice3A_2038 = vector.extract_strided_slice %convert_element_type3A_1972 {offsets = [6, 0, 0], sizes = [1, 25, 128], strides = [1, 1, 1]} : vector<25x25x128xf32> to vector<1x25x128xf32>
    %squeeze3A_2039 = vector.shape_cast %slice3A_2038 : vector<1x25x128xf32> to vector<25x128xf32>
    %broadcast_in_dim3A_2040 = vector.shape_cast %squeeze3A_2039 : vector<25x128xf32> to vector<1x25x128xf32>
    %mul3A_2041 = vector.broadcast %broadcast_in_dim3A_2037 : vector<64x1x128xf32> to vector<64x25x128xf32>
    %mul3A_2042 = vector.broadcast %broadcast_in_dim3A_2040 : vector<1x25x128xf32> to vector<64x25x128xf32>
    %mul3A_2043 = arith.mulf %mul3A_2041, %mul3A_2042 : vector<64x25x128xf32>
    %add3A_2044 = arith.addf %add3A_2034, %mul3A_2043 : vector<64x25x128xf32>
    %slice3A_2045 = vector.extract_strided_slice %convert_element_type3A_1970 {offsets = [7, 0, 0], sizes = [1, 64, 128], strides = [1, 1, 1]} : vector<25x64x128xf32> to vector<1x64x128xf32>
    %squeeze3A_2046 = vector.shape_cast %slice3A_2045 : vector<1x64x128xf32> to vector<64x128xf32>
    %broadcast_in_dim3A_2047 = vector.shape_cast %squeeze3A_2046 : vector<64x128xf32> to vector<64x1x128xf32>
    %slice3A_2048 = vector.extract_strided_slice %convert_element_type3A_1972 {offsets = [7, 0, 0], sizes = [1, 25, 128], strides = [1, 1, 1]} : vector<25x25x128xf32> to vector<1x25x128xf32>
    %squeeze3A_2049 = vector.shape_cast %slice3A_2048 : vector<1x25x128xf32> to vector<25x128xf32>
    %broadcast_in_dim3A_2050 = vector.shape_cast %squeeze3A_2049 : vector<25x128xf32> to vector<1x25x128xf32>
    %mul3A_2051 = vector.broadcast %broadcast_in_dim3A_2047 : vector<64x1x128xf32> to vector<64x25x128xf32>
    %mul3A_2052 = vector.broadcast %broadcast_in_dim3A_2050 : vector<1x25x128xf32> to vector<64x25x128xf32>
    %mul3A_2053 = arith.mulf %mul3A_2051, %mul3A_2052 : vector<64x25x128xf32>
    %add3A_2054 = arith.addf %add3A_2044, %mul3A_2053 : vector<64x25x128xf32>
    %slice3A_2055 = vector.extract_strided_slice %convert_element_type3A_1970 {offsets = [8, 0, 0], sizes = [1, 64, 128], strides = [1, 1, 1]} : vector<25x64x128xf32> to vector<1x64x128xf32>
    %squeeze3A_2056 = vector.shape_cast %slice3A_2055 : vector<1x64x128xf32> to vector<64x128xf32>
    %broadcast_in_dim3A_2057 = vector.shape_cast %squeeze3A_2056 : vector<64x128xf32> to vector<64x1x128xf32>
    %slice3A_2058 = vector.extract_strided_slice %convert_element_type3A_1972 {offsets = [8, 0, 0], sizes = [1, 25, 128], strides = [1, 1, 1]} : vector<25x25x128xf32> to vector<1x25x128xf32>
    %squeeze3A_2059 = vector.shape_cast %slice3A_2058 : vector<1x25x128xf32> to vector<25x128xf32>
    %broadcast_in_dim3A_2060 = vector.shape_cast %squeeze3A_2059 : vector<25x128xf32> to vector<1x25x128xf32>
    %mul3A_2061 = vector.broadcast %broadcast_in_dim3A_2057 : vector<64x1x128xf32> to vector<64x25x128xf32>
    %mul3A_2062 = vector.broadcast %broadcast_in_dim3A_2060 : vector<1x25x128xf32> to vector<64x25x128xf32>
    %mul3A_2063 = arith.mulf %mul3A_2061, %mul3A_2062 : vector<64x25x128xf32>
    %add3A_2064 = arith.addf %add3A_2054, %mul3A_2063 : vector<64x25x128xf32>
    %slice3A_2065 = vector.extract_strided_slice %convert_element_type3A_1970 {offsets = [9, 0, 0], sizes = [1, 64, 128], strides = [1, 1, 1]} : vector<25x64x128xf32> to vector<1x64x128xf32>
    %squeeze3A_2066 = vector.shape_cast %slice3A_2065 : vector<1x64x128xf32> to vector<64x128xf32>
    %broadcast_in_dim3A_2067 = vector.shape_cast %squeeze3A_2066 : vector<64x128xf32> to vector<64x1x128xf32>
    %slice3A_2068 = vector.extract_strided_slice %convert_element_type3A_1972 {offsets = [9, 0, 0], sizes = [1, 25, 128], strides = [1, 1, 1]} : vector<25x25x128xf32> to vector<1x25x128xf32>
    %squeeze3A_2069 = vector.shape_cast %slice3A_2068 : vector<1x25x128xf32> to vector<25x128xf32>
    %broadcast_in_dim3A_2070 = vector.shape_cast %squeeze3A_2069 : vector<25x128xf32> to vector<1x25x128xf32>
    %mul3A_2071 = vector.broadcast %broadcast_in_dim3A_2067 : vector<64x1x128xf32> to vector<64x25x128xf32>
    %mul3A_2072 = vector.broadcast %broadcast_in_dim3A_2070 : vector<1x25x128xf32> to vector<64x25x128xf32>
    %mul3A_2073 = arith.mulf %mul3A_2071, %mul3A_2072 : vector<64x25x128xf32>
    %add3A_2074 = arith.addf %add3A_2064, %mul3A_2073 : vector<64x25x128xf32>
    %slice3A_2075 = vector.extract_strided_slice %convert_element_type3A_1970 {offsets = [10, 0, 0], sizes = [1, 64, 128], strides = [1, 1, 1]} : vector<25x64x128xf32> to vector<1x64x128xf32>
    %squeeze3A_2076 = vector.shape_cast %slice3A_2075 : vector<1x64x128xf32> to vector<64x128xf32>
    %broadcast_in_dim3A_2077 = vector.shape_cast %squeeze3A_2076 : vector<64x128xf32> to vector<64x1x128xf32>
    %slice3A_2078 = vector.extract_strided_slice %convert_element_type3A_1972 {offsets = [10, 0, 0], sizes = [1, 25, 128], strides = [1, 1, 1]} : vector<25x25x128xf32> to vector<1x25x128xf32>
    %squeeze3A_2079 = vector.shape_cast %slice3A_2078 : vector<1x25x128xf32> to vector<25x128xf32>
    %broadcast_in_dim3A_2080 = vector.shape_cast %squeeze3A_2079 : vector<25x128xf32> to vector<1x25x128xf32>
    %mul3A_2081 = vector.broadcast %broadcast_in_dim3A_2077 : vector<64x1x128xf32> to vector<64x25x128xf32>
    %mul3A_2082 = vector.broadcast %broadcast_in_dim3A_2080 : vector<1x25x128xf32> to vector<64x25x128xf32>
    %mul3A_2083 = arith.mulf %mul3A_2081, %mul3A_2082 : vector<64x25x128xf32>
    %add3A_2084 = arith.addf %add3A_2074, %mul3A_2083 : vector<64x25x128xf32>
    %slice3A_2085 = vector.extract_strided_slice %convert_element_type3A_1970 {offsets = [11, 0, 0], sizes = [1, 64, 128], strides = [1, 1, 1]} : vector<25x64x128xf32> to vector<1x64x128xf32>
    %squeeze3A_2086 = vector.shape_cast %slice3A_2085 : vector<1x64x128xf32> to vector<64x128xf32>
    %broadcast_in_dim3A_2087 = vector.shape_cast %squeeze3A_2086 : vector<64x128xf32> to vector<64x1x128xf32>
    %slice3A_2088 = vector.extract_strided_slice %convert_element_type3A_1972 {offsets = [11, 0, 0], sizes = [1, 25, 128], strides = [1, 1, 1]} : vector<25x25x128xf32> to vector<1x25x128xf32>
    %squeeze3A_2089 = vector.shape_cast %slice3A_2088 : vector<1x25x128xf32> to vector<25x128xf32>
    %broadcast_in_dim3A_2090 = vector.shape_cast %squeeze3A_2089 : vector<25x128xf32> to vector<1x25x128xf32>
    %mul3A_2091 = vector.broadcast %broadcast_in_dim3A_2087 : vector<64x1x128xf32> to vector<64x25x128xf32>
    %mul3A_2092 = vector.broadcast %broadcast_in_dim3A_2090 : vector<1x25x128xf32> to vector<64x25x128xf32>
    %mul3A_2093 = arith.mulf %mul3A_2091, %mul3A_2092 : vector<64x25x128xf32>
    %add3A_2094 = arith.addf %add3A_2084, %mul3A_2093 : vector<64x25x128xf32>
    %slice3A_2095 = vector.extract_strided_slice %convert_element_type3A_1970 {offsets = [12, 0, 0], sizes = [1, 64, 128], strides = [1, 1, 1]} : vector<25x64x128xf32> to vector<1x64x128xf32>
    %squeeze3A_2096 = vector.shape_cast %slice3A_2095 : vector<1x64x128xf32> to vector<64x128xf32>
    %broadcast_in_dim3A_2097 = vector.shape_cast %squeeze3A_2096 : vector<64x128xf32> to vector<64x1x128xf32>
    %slice3A_2098 = vector.extract_strided_slice %convert_element_type3A_1972 {offsets = [12, 0, 0], sizes = [1, 25, 128], strides = [1, 1, 1]} : vector<25x25x128xf32> to vector<1x25x128xf32>
    %squeeze3A_2099 = vector.shape_cast %slice3A_2098 : vector<1x25x128xf32> to vector<25x128xf32>
    %broadcast_in_dim3A_2100 = vector.shape_cast %squeeze3A_2099 : vector<25x128xf32> to vector<1x25x128xf32>
    %mul3A_2101 = vector.broadcast %broadcast_in_dim3A_2097 : vector<64x1x128xf32> to vector<64x25x128xf32>
    %mul3A_2102 = vector.broadcast %broadcast_in_dim3A_2100 : vector<1x25x128xf32> to vector<64x25x128xf32>
    %mul3A_2103 = arith.mulf %mul3A_2101, %mul3A_2102 : vector<64x25x128xf32>
    %add3A_2104 = arith.addf %add3A_2094, %mul3A_2103 : vector<64x25x128xf32>
    %slice3A_2105 = vector.extract_strided_slice %convert_element_type3A_1970 {offsets = [13, 0, 0], sizes = [1, 64, 128], strides = [1, 1, 1]} : vector<25x64x128xf32> to vector<1x64x128xf32>
    %squeeze3A_2106 = vector.shape_cast %slice3A_2105 : vector<1x64x128xf32> to vector<64x128xf32>
    %broadcast_in_dim3A_2107 = vector.shape_cast %squeeze3A_2106 : vector<64x128xf32> to vector<64x1x128xf32>
    %slice3A_2108 = vector.extract_strided_slice %convert_element_type3A_1972 {offsets = [13, 0, 0], sizes = [1, 25, 128], strides = [1, 1, 1]} : vector<25x25x128xf32> to vector<1x25x128xf32>
    %squeeze3A_2109 = vector.shape_cast %slice3A_2108 : vector<1x25x128xf32> to vector<25x128xf32>
    %broadcast_in_dim3A_2110 = vector.shape_cast %squeeze3A_2109 : vector<25x128xf32> to vector<1x25x128xf32>
    %mul3A_2111 = vector.broadcast %broadcast_in_dim3A_2107 : vector<64x1x128xf32> to vector<64x25x128xf32>
    %mul3A_2112 = vector.broadcast %broadcast_in_dim3A_2110 : vector<1x25x128xf32> to vector<64x25x128xf32>
    %mul3A_2113 = arith.mulf %mul3A_2111, %mul3A_2112 : vector<64x25x128xf32>
    %add3A_2114 = arith.addf %add3A_2104, %mul3A_2113 : vector<64x25x128xf32>
    %slice3A_2115 = vector.extract_strided_slice %convert_element_type3A_1970 {offsets = [14, 0, 0], sizes = [1, 64, 128], strides = [1, 1, 1]} : vector<25x64x128xf32> to vector<1x64x128xf32>
    %squeeze3A_2116 = vector.shape_cast %slice3A_2115 : vector<1x64x128xf32> to vector<64x128xf32>
    %broadcast_in_dim3A_2117 = vector.shape_cast %squeeze3A_2116 : vector<64x128xf32> to vector<64x1x128xf32>
    %slice3A_2118 = vector.extract_strided_slice %convert_element_type3A_1972 {offsets = [14, 0, 0], sizes = [1, 25, 128], strides = [1, 1, 1]} : vector<25x25x128xf32> to vector<1x25x128xf32>
    %squeeze3A_2119 = vector.shape_cast %slice3A_2118 : vector<1x25x128xf32> to vector<25x128xf32>
    %broadcast_in_dim3A_2120 = vector.shape_cast %squeeze3A_2119 : vector<25x128xf32> to vector<1x25x128xf32>
    %mul3A_2121 = vector.broadcast %broadcast_in_dim3A_2117 : vector<64x1x128xf32> to vector<64x25x128xf32>
    %mul3A_2122 = vector.broadcast %broadcast_in_dim3A_2120 : vector<1x25x128xf32> to vector<64x25x128xf32>
    %mul3A_2123 = arith.mulf %mul3A_2121, %mul3A_2122 : vector<64x25x128xf32>
    %add3A_2124 = arith.addf %add3A_2114, %mul3A_2123 : vector<64x25x128xf32>
    %slice3A_2125 = vector.extract_strided_slice %convert_element_type3A_1970 {offsets = [15, 0, 0], sizes = [1, 64, 128], strides = [1, 1, 1]} : vector<25x64x128xf32> to vector<1x64x128xf32>
    %squeeze3A_2126 = vector.shape_cast %slice3A_2125 : vector<1x64x128xf32> to vector<64x128xf32>
    %broadcast_in_dim3A_2127 = vector.shape_cast %squeeze3A_2126 : vector<64x128xf32> to vector<64x1x128xf32>
    %slice3A_2128 = vector.extract_strided_slice %convert_element_type3A_1972 {offsets = [15, 0, 0], sizes = [1, 25, 128], strides = [1, 1, 1]} : vector<25x25x128xf32> to vector<1x25x128xf32>
    %squeeze3A_2129 = vector.shape_cast %slice3A_2128 : vector<1x25x128xf32> to vector<25x128xf32>
    %broadcast_in_dim3A_2130 = vector.shape_cast %squeeze3A_2129 : vector<25x128xf32> to vector<1x25x128xf32>
    %mul3A_2131 = vector.broadcast %broadcast_in_dim3A_2127 : vector<64x1x128xf32> to vector<64x25x128xf32>
    %mul3A_2132 = vector.broadcast %broadcast_in_dim3A_2130 : vector<1x25x128xf32> to vector<64x25x128xf32>
    %mul3A_2133 = arith.mulf %mul3A_2131, %mul3A_2132 : vector<64x25x128xf32>
    %add3A_2134 = arith.addf %add3A_2124, %mul3A_2133 : vector<64x25x128xf32>
    %slice3A_2135 = vector.extract_strided_slice %convert_element_type3A_1970 {offsets = [16, 0, 0], sizes = [1, 64, 128], strides = [1, 1, 1]} : vector<25x64x128xf32> to vector<1x64x128xf32>
    %squeeze3A_2136 = vector.shape_cast %slice3A_2135 : vector<1x64x128xf32> to vector<64x128xf32>
    %broadcast_in_dim3A_2137 = vector.shape_cast %squeeze3A_2136 : vector<64x128xf32> to vector<64x1x128xf32>
    %slice3A_2138 = vector.extract_strided_slice %convert_element_type3A_1972 {offsets = [16, 0, 0], sizes = [1, 25, 128], strides = [1, 1, 1]} : vector<25x25x128xf32> to vector<1x25x128xf32>
    %squeeze3A_2139 = vector.shape_cast %slice3A_2138 : vector<1x25x128xf32> to vector<25x128xf32>
    %broadcast_in_dim3A_2140 = vector.shape_cast %squeeze3A_2139 : vector<25x128xf32> to vector<1x25x128xf32>
    %mul3A_2141 = vector.broadcast %broadcast_in_dim3A_2137 : vector<64x1x128xf32> to vector<64x25x128xf32>
    %mul3A_2142 = vector.broadcast %broadcast_in_dim3A_2140 : vector<1x25x128xf32> to vector<64x25x128xf32>
    %mul3A_2143 = arith.mulf %mul3A_2141, %mul3A_2142 : vector<64x25x128xf32>
    %add3A_2144 = arith.addf %add3A_2134, %mul3A_2143 : vector<64x25x128xf32>
    %slice3A_2145 = vector.extract_strided_slice %convert_element_type3A_1970 {offsets = [17, 0, 0], sizes = [1, 64, 128], strides = [1, 1, 1]} : vector<25x64x128xf32> to vector<1x64x128xf32>
    %squeeze3A_2146 = vector.shape_cast %slice3A_2145 : vector<1x64x128xf32> to vector<64x128xf32>
    %broadcast_in_dim3A_2147 = vector.shape_cast %squeeze3A_2146 : vector<64x128xf32> to vector<64x1x128xf32>
    %slice3A_2148 = vector.extract_strided_slice %convert_element_type3A_1972 {offsets = [17, 0, 0], sizes = [1, 25, 128], strides = [1, 1, 1]} : vector<25x25x128xf32> to vector<1x25x128xf32>
    %squeeze3A_2149 = vector.shape_cast %slice3A_2148 : vector<1x25x128xf32> to vector<25x128xf32>
    %broadcast_in_dim3A_2150 = vector.shape_cast %squeeze3A_2149 : vector<25x128xf32> to vector<1x25x128xf32>
    %mul3A_2151 = vector.broadcast %broadcast_in_dim3A_2147 : vector<64x1x128xf32> to vector<64x25x128xf32>
    %mul3A_2152 = vector.broadcast %broadcast_in_dim3A_2150 : vector<1x25x128xf32> to vector<64x25x128xf32>
    %mul3A_2153 = arith.mulf %mul3A_2151, %mul3A_2152 : vector<64x25x128xf32>
    %add3A_2154 = arith.addf %add3A_2144, %mul3A_2153 : vector<64x25x128xf32>
    %slice3A_2155 = vector.extract_strided_slice %convert_element_type3A_1970 {offsets = [18, 0, 0], sizes = [1, 64, 128], strides = [1, 1, 1]} : vector<25x64x128xf32> to vector<1x64x128xf32>
    %squeeze3A_2156 = vector.shape_cast %slice3A_2155 : vector<1x64x128xf32> to vector<64x128xf32>
    %broadcast_in_dim3A_2157 = vector.shape_cast %squeeze3A_2156 : vector<64x128xf32> to vector<64x1x128xf32>
    %slice3A_2158 = vector.extract_strided_slice %convert_element_type3A_1972 {offsets = [18, 0, 0], sizes = [1, 25, 128], strides = [1, 1, 1]} : vector<25x25x128xf32> to vector<1x25x128xf32>
    %squeeze3A_2159 = vector.shape_cast %slice3A_2158 : vector<1x25x128xf32> to vector<25x128xf32>
    %broadcast_in_dim3A_2160 = vector.shape_cast %squeeze3A_2159 : vector<25x128xf32> to vector<1x25x128xf32>
    %mul3A_2161 = vector.broadcast %broadcast_in_dim3A_2157 : vector<64x1x128xf32> to vector<64x25x128xf32>
    %mul3A_2162 = vector.broadcast %broadcast_in_dim3A_2160 : vector<1x25x128xf32> to vector<64x25x128xf32>
    %mul3A_2163 = arith.mulf %mul3A_2161, %mul3A_2162 : vector<64x25x128xf32>
    %add3A_2164 = arith.addf %add3A_2154, %mul3A_2163 : vector<64x25x128xf32>
    %slice3A_2165 = vector.extract_strided_slice %convert_element_type3A_1970 {offsets = [19, 0, 0], sizes = [1, 64, 128], strides = [1, 1, 1]} : vector<25x64x128xf32> to vector<1x64x128xf32>
    %squeeze3A_2166 = vector.shape_cast %slice3A_2165 : vector<1x64x128xf32> to vector<64x128xf32>
    %broadcast_in_dim3A_2167 = vector.shape_cast %squeeze3A_2166 : vector<64x128xf32> to vector<64x1x128xf32>
    %slice3A_2168 = vector.extract_strided_slice %convert_element_type3A_1972 {offsets = [19, 0, 0], sizes = [1, 25, 128], strides = [1, 1, 1]} : vector<25x25x128xf32> to vector<1x25x128xf32>
    %squeeze3A_2169 = vector.shape_cast %slice3A_2168 : vector<1x25x128xf32> to vector<25x128xf32>
    %broadcast_in_dim3A_2170 = vector.shape_cast %squeeze3A_2169 : vector<25x128xf32> to vector<1x25x128xf32>
    %mul3A_2171 = vector.broadcast %broadcast_in_dim3A_2167 : vector<64x1x128xf32> to vector<64x25x128xf32>
    %mul3A_2172 = vector.broadcast %broadcast_in_dim3A_2170 : vector<1x25x128xf32> to vector<64x25x128xf32>
    %mul3A_2173 = arith.mulf %mul3A_2171, %mul3A_2172 : vector<64x25x128xf32>
    %add3A_2174 = arith.addf %add3A_2164, %mul3A_2173 : vector<64x25x128xf32>
    %slice3A_2175 = vector.extract_strided_slice %convert_element_type3A_1970 {offsets = [20, 0, 0], sizes = [1, 64, 128], strides = [1, 1, 1]} : vector<25x64x128xf32> to vector<1x64x128xf32>
    %squeeze3A_2176 = vector.shape_cast %slice3A_2175 : vector<1x64x128xf32> to vector<64x128xf32>
    %broadcast_in_dim3A_2177 = vector.shape_cast %squeeze3A_2176 : vector<64x128xf32> to vector<64x1x128xf32>
    %slice3A_2178 = vector.extract_strided_slice %convert_element_type3A_1972 {offsets = [20, 0, 0], sizes = [1, 25, 128], strides = [1, 1, 1]} : vector<25x25x128xf32> to vector<1x25x128xf32>
    %squeeze3A_2179 = vector.shape_cast %slice3A_2178 : vector<1x25x128xf32> to vector<25x128xf32>
    %broadcast_in_dim3A_2180 = vector.shape_cast %squeeze3A_2179 : vector<25x128xf32> to vector<1x25x128xf32>
    %mul3A_2181 = vector.broadcast %broadcast_in_dim3A_2177 : vector<64x1x128xf32> to vector<64x25x128xf32>
    %mul3A_2182 = vector.broadcast %broadcast_in_dim3A_2180 : vector<1x25x128xf32> to vector<64x25x128xf32>
    %mul3A_2183 = arith.mulf %mul3A_2181, %mul3A_2182 : vector<64x25x128xf32>
    %add3A_2184 = arith.addf %add3A_2174, %mul3A_2183 : vector<64x25x128xf32>
    %slice3A_2185 = vector.extract_strided_slice %convert_element_type3A_1970 {offsets = [21, 0, 0], sizes = [1, 64, 128], strides = [1, 1, 1]} : vector<25x64x128xf32> to vector<1x64x128xf32>
    %squeeze3A_2186 = vector.shape_cast %slice3A_2185 : vector<1x64x128xf32> to vector<64x128xf32>
    %broadcast_in_dim3A_2187 = vector.shape_cast %squeeze3A_2186 : vector<64x128xf32> to vector<64x1x128xf32>
    %slice3A_2188 = vector.extract_strided_slice %convert_element_type3A_1972 {offsets = [21, 0, 0], sizes = [1, 25, 128], strides = [1, 1, 1]} : vector<25x25x128xf32> to vector<1x25x128xf32>
    %squeeze3A_2189 = vector.shape_cast %slice3A_2188 : vector<1x25x128xf32> to vector<25x128xf32>
    %broadcast_in_dim3A_2190 = vector.shape_cast %squeeze3A_2189 : vector<25x128xf32> to vector<1x25x128xf32>
    %mul3A_2191 = vector.broadcast %broadcast_in_dim3A_2187 : vector<64x1x128xf32> to vector<64x25x128xf32>
    %mul3A_2192 = vector.broadcast %broadcast_in_dim3A_2190 : vector<1x25x128xf32> to vector<64x25x128xf32>
    %mul3A_2193 = arith.mulf %mul3A_2191, %mul3A_2192 : vector<64x25x128xf32>
    %add3A_2194 = arith.addf %add3A_2184, %mul3A_2193 : vector<64x25x128xf32>
    %slice3A_2195 = vector.extract_strided_slice %convert_element_type3A_1970 {offsets = [22, 0, 0], sizes = [1, 64, 128], strides = [1, 1, 1]} : vector<25x64x128xf32> to vector<1x64x128xf32>
    %squeeze3A_2196 = vector.shape_cast %slice3A_2195 : vector<1x64x128xf32> to vector<64x128xf32>
    %broadcast_in_dim3A_2197 = vector.shape_cast %squeeze3A_2196 : vector<64x128xf32> to vector<64x1x128xf32>
    %slice3A_2198 = vector.extract_strided_slice %convert_element_type3A_1972 {offsets = [22, 0, 0], sizes = [1, 25, 128], strides = [1, 1, 1]} : vector<25x25x128xf32> to vector<1x25x128xf32>
    %squeeze3A_2199 = vector.shape_cast %slice3A_2198 : vector<1x25x128xf32> to vector<25x128xf32>
    %broadcast_in_dim3A_2200 = vector.shape_cast %squeeze3A_2199 : vector<25x128xf32> to vector<1x25x128xf32>
    %mul3A_2201 = vector.broadcast %broadcast_in_dim3A_2197 : vector<64x1x128xf32> to vector<64x25x128xf32>
    %mul3A_2202 = vector.broadcast %broadcast_in_dim3A_2200 : vector<1x25x128xf32> to vector<64x25x128xf32>
    %mul3A_2203 = arith.mulf %mul3A_2201, %mul3A_2202 : vector<64x25x128xf32>
    %add3A_2204 = arith.addf %add3A_2194, %mul3A_2203 : vector<64x25x128xf32>
    %slice3A_2205 = vector.extract_strided_slice %convert_element_type3A_1970 {offsets = [23, 0, 0], sizes = [1, 64, 128], strides = [1, 1, 1]} : vector<25x64x128xf32> to vector<1x64x128xf32>
    %squeeze3A_2206 = vector.shape_cast %slice3A_2205 : vector<1x64x128xf32> to vector<64x128xf32>
    %broadcast_in_dim3A_2207 = vector.shape_cast %squeeze3A_2206 : vector<64x128xf32> to vector<64x1x128xf32>
    %slice3A_2208 = vector.extract_strided_slice %convert_element_type3A_1972 {offsets = [23, 0, 0], sizes = [1, 25, 128], strides = [1, 1, 1]} : vector<25x25x128xf32> to vector<1x25x128xf32>
    %squeeze3A_2209 = vector.shape_cast %slice3A_2208 : vector<1x25x128xf32> to vector<25x128xf32>
    %broadcast_in_dim3A_2210 = vector.shape_cast %squeeze3A_2209 : vector<25x128xf32> to vector<1x25x128xf32>
    %mul3A_2211 = vector.broadcast %broadcast_in_dim3A_2207 : vector<64x1x128xf32> to vector<64x25x128xf32>
    %mul3A_2212 = vector.broadcast %broadcast_in_dim3A_2210 : vector<1x25x128xf32> to vector<64x25x128xf32>
    %mul3A_2213 = arith.mulf %mul3A_2211, %mul3A_2212 : vector<64x25x128xf32>
    %add3A_2214 = arith.addf %add3A_2204, %mul3A_2213 : vector<64x25x128xf32>
    %slice3A_2215 = vector.extract_strided_slice %convert_element_type3A_1970 {offsets = [24, 0, 0], sizes = [1, 64, 128], strides = [1, 1, 1]} : vector<25x64x128xf32> to vector<1x64x128xf32>
    %squeeze3A_2216 = vector.shape_cast %slice3A_2215 : vector<1x64x128xf32> to vector<64x128xf32>
    %broadcast_in_dim3A_2217 = vector.shape_cast %squeeze3A_2216 : vector<64x128xf32> to vector<64x1x128xf32>
    %slice3A_2218 = vector.extract_strided_slice %convert_element_type3A_1972 {offsets = [24, 0, 0], sizes = [1, 25, 128], strides = [1, 1, 1]} : vector<25x25x128xf32> to vector<1x25x128xf32>
    %squeeze3A_2219 = vector.shape_cast %slice3A_2218 : vector<1x25x128xf32> to vector<25x128xf32>
    %broadcast_in_dim3A_2220 = vector.shape_cast %squeeze3A_2219 : vector<25x128xf32> to vector<1x25x128xf32>
    %mul3A_2221 = vector.broadcast %broadcast_in_dim3A_2217 : vector<64x1x128xf32> to vector<64x25x128xf32>
    %mul3A_2222 = vector.broadcast %broadcast_in_dim3A_2220 : vector<1x25x128xf32> to vector<64x25x128xf32>
    %mul3A_2223 = arith.mulf %mul3A_2221, %mul3A_2222 : vector<64x25x128xf32>
    %add3A_2224 = arith.addf %add3A_2214, %mul3A_2223 : vector<64x25x128xf32>
    %broadcast_in_dim3A_2225 = arith.constant 0.000000e+00 : f32
    %broadcast_in_dim3A_2226 = vector.broadcast %broadcast_in_dim3A_2225 : f32 to vector<64x25x1xf32>
    %slice3A_2227 = vector.extract_strided_slice %add3A_2224 {offsets = [0, 0, 0], sizes = [64, 25, 127], strides = [1, 1, 1]} : vector<64x25x128xf32> to vector<64x25x127xf32>
    %concatenate3A_2228 = tpu.concatenate %broadcast_in_dim3A_2226, %slice3A_2227 in 2 : vector<64x25x1xf32>, vector<64x25x127xf32> -> vector<64x25x128xf32>
    %slice3A_2229 = vector.extract_strided_slice %concatenate3A_2228 {offsets = [0, 0, 0], sizes = [64, 1, 128], strides = [1, 1, 1]} : vector<64x25x128xf32> to vector<64x1x128xf32>
    %squeeze3A_2230 = vector.shape_cast %slice3A_2229 : vector<64x1x128xf32> to vector<64x128xf32>
    %slice3A_2231 = vector.extract_strided_slice %concatenate3A_2228 {offsets = [0, 1, 0], sizes = [64, 1, 128], strides = [1, 1, 1]} : vector<64x25x128xf32> to vector<64x1x128xf32>
    %squeeze3A_2232 = vector.shape_cast %slice3A_2231 : vector<64x1x128xf32> to vector<64x128xf32>
    %slice3A_2233 = vector.extract_strided_slice %concatenate3A_2228 {offsets = [0, 2, 0], sizes = [64, 1, 128], strides = [1, 1, 1]} : vector<64x25x128xf32> to vector<64x1x128xf32>
    %squeeze3A_2234 = vector.shape_cast %slice3A_2233 : vector<64x1x128xf32> to vector<64x128xf32>
    %slice3A_2235 = vector.extract_strided_slice %concatenate3A_2228 {offsets = [0, 3, 0], sizes = [64, 1, 128], strides = [1, 1, 1]} : vector<64x25x128xf32> to vector<64x1x128xf32>
    %squeeze3A_2236 = vector.shape_cast %slice3A_2235 : vector<64x1x128xf32> to vector<64x128xf32>
    %slice3A_2237 = vector.extract_strided_slice %concatenate3A_2228 {offsets = [0, 4, 0], sizes = [64, 1, 128], strides = [1, 1, 1]} : vector<64x25x128xf32> to vector<64x1x128xf32>
    %squeeze3A_2238 = vector.shape_cast %slice3A_2237 : vector<64x1x128xf32> to vector<64x128xf32>
    %slice3A_2239 = vector.extract_strided_slice %concatenate3A_2228 {offsets = [0, 5, 0], sizes = [64, 1, 128], strides = [1, 1, 1]} : vector<64x25x128xf32> to vector<64x1x128xf32>
    %squeeze3A_2240 = vector.shape_cast %slice3A_2239 : vector<64x1x128xf32> to vector<64x128xf32>
    %slice3A_2241 = vector.extract_strided_slice %concatenate3A_2228 {offsets = [0, 6, 0], sizes = [64, 1, 128], strides = [1, 1, 1]} : vector<64x25x128xf32> to vector<64x1x128xf32>
    %squeeze3A_2242 = vector.shape_cast %slice3A_2241 : vector<64x1x128xf32> to vector<64x128xf32>
    %slice3A_2243 = vector.extract_strided_slice %concatenate3A_2228 {offsets = [0, 7, 0], sizes = [64, 1, 128], strides = [1, 1, 1]} : vector<64x25x128xf32> to vector<64x1x128xf32>
    %squeeze3A_2244 = vector.shape_cast %slice3A_2243 : vector<64x1x128xf32> to vector<64x128xf32>
    %slice3A_2245 = vector.extract_strided_slice %concatenate3A_2228 {offsets = [0, 8, 0], sizes = [64, 1, 128], strides = [1, 1, 1]} : vector<64x25x128xf32> to vector<64x1x128xf32>
    %squeeze3A_2246 = vector.shape_cast %slice3A_2245 : vector<64x1x128xf32> to vector<64x128xf32>
    %slice3A_2247 = vector.extract_strided_slice %concatenate3A_2228 {offsets = [0, 9, 0], sizes = [64, 1, 128], strides = [1, 1, 1]} : vector<64x25x128xf32> to vector<64x1x128xf32>
    %squeeze3A_2248 = vector.shape_cast %slice3A_2247 : vector<64x1x128xf32> to vector<64x128xf32>
    %slice3A_2249 = vector.extract_strided_slice %concatenate3A_2228 {offsets = [0, 10, 0], sizes = [64, 1, 128], strides = [1, 1, 1]} : vector<64x25x128xf32> to vector<64x1x128xf32>
    %squeeze3A_2250 = vector.shape_cast %slice3A_2249 : vector<64x1x128xf32> to vector<64x128xf32>
    %slice3A_2251 = vector.extract_strided_slice %concatenate3A_2228 {offsets = [0, 11, 0], sizes = [64, 1, 128], strides = [1, 1, 1]} : vector<64x25x128xf32> to vector<64x1x128xf32>
    %squeeze3A_2252 = vector.shape_cast %slice3A_2251 : vector<64x1x128xf32> to vector<64x128xf32>
    %slice3A_2253 = vector.extract_strided_slice %concatenate3A_2228 {offsets = [0, 12, 0], sizes = [64, 1, 128], strides = [1, 1, 1]} : vector<64x25x128xf32> to vector<64x1x128xf32>
    %squeeze3A_2254 = vector.shape_cast %slice3A_2253 : vector<64x1x128xf32> to vector<64x128xf32>
    %slice3A_2255 = vector.extract_strided_slice %concatenate3A_2228 {offsets = [0, 13, 0], sizes = [64, 1, 128], strides = [1, 1, 1]} : vector<64x25x128xf32> to vector<64x1x128xf32>
    %squeeze3A_2256 = vector.shape_cast %slice3A_2255 : vector<64x1x128xf32> to vector<64x128xf32>
    %slice3A_2257 = vector.extract_strided_slice %concatenate3A_2228 {offsets = [0, 14, 0], sizes = [64, 1, 128], strides = [1, 1, 1]} : vector<64x25x128xf32> to vector<64x1x128xf32>
    %squeeze3A_2258 = vector.shape_cast %slice3A_2257 : vector<64x1x128xf32> to vector<64x128xf32>
    %slice3A_2259 = vector.extract_strided_slice %concatenate3A_2228 {offsets = [0, 15, 0], sizes = [64, 1, 128], strides = [1, 1, 1]} : vector<64x25x128xf32> to vector<64x1x128xf32>
    %squeeze3A_2260 = vector.shape_cast %slice3A_2259 : vector<64x1x128xf32> to vector<64x128xf32>
    %slice3A_2261 = vector.extract_strided_slice %concatenate3A_2228 {offsets = [0, 16, 0], sizes = [64, 1, 128], strides = [1, 1, 1]} : vector<64x25x128xf32> to vector<64x1x128xf32>
    %squeeze3A_2262 = vector.shape_cast %slice3A_2261 : vector<64x1x128xf32> to vector<64x128xf32>
    %slice3A_2263 = vector.extract_strided_slice %concatenate3A_2228 {offsets = [0, 17, 0], sizes = [64, 1, 128], strides = [1, 1, 1]} : vector<64x25x128xf32> to vector<64x1x128xf32>
    %squeeze3A_2264 = vector.shape_cast %slice3A_2263 : vector<64x1x128xf32> to vector<64x128xf32>
    %slice3A_2265 = vector.extract_strided_slice %concatenate3A_2228 {offsets = [0, 18, 0], sizes = [64, 1, 128], strides = [1, 1, 1]} : vector<64x25x128xf32> to vector<64x1x128xf32>
    %squeeze3A_2266 = vector.shape_cast %slice3A_2265 : vector<64x1x128xf32> to vector<64x128xf32>
    %slice3A_2267 = vector.extract_strided_slice %concatenate3A_2228 {offsets = [0, 19, 0], sizes = [64, 1, 128], strides = [1, 1, 1]} : vector<64x25x128xf32> to vector<64x1x128xf32>
    %squeeze3A_2268 = vector.shape_cast %slice3A_2267 : vector<64x1x128xf32> to vector<64x128xf32>
    %slice3A_2269 = vector.extract_strided_slice %concatenate3A_2228 {offsets = [0, 20, 0], sizes = [64, 1, 128], strides = [1, 1, 1]} : vector<64x25x128xf32> to vector<64x1x128xf32>
    %squeeze3A_2270 = vector.shape_cast %slice3A_2269 : vector<64x1x128xf32> to vector<64x128xf32>
    %slice3A_2271 = vector.extract_strided_slice %concatenate3A_2228 {offsets = [0, 21, 0], sizes = [64, 1, 128], strides = [1, 1, 1]} : vector<64x25x128xf32> to vector<64x1x128xf32>
    %squeeze3A_2272 = vector.shape_cast %slice3A_2271 : vector<64x1x128xf32> to vector<64x128xf32>
    %slice3A_2273 = vector.extract_strided_slice %concatenate3A_2228 {offsets = [0, 22, 0], sizes = [64, 1, 128], strides = [1, 1, 1]} : vector<64x25x128xf32> to vector<64x1x128xf32>
    %squeeze3A_2274 = vector.shape_cast %slice3A_2273 : vector<64x1x128xf32> to vector<64x128xf32>
    %slice3A_2275 = vector.extract_strided_slice %concatenate3A_2228 {offsets = [0, 23, 0], sizes = [64, 1, 128], strides = [1, 1, 1]} : vector<64x25x128xf32> to vector<64x1x128xf32>
    %squeeze3A_2276 = vector.shape_cast %slice3A_2275 : vector<64x1x128xf32> to vector<64x128xf32>
    %slice3A_2277 = vector.extract_strided_slice %concatenate3A_2228 {offsets = [0, 24, 0], sizes = [64, 1, 128], strides = [1, 1, 1]} : vector<64x25x128xf32> to vector<64x1x128xf32>
    %squeeze3A_2278 = vector.shape_cast %slice3A_2277 : vector<64x1x128xf32> to vector<64x128xf32>
    %concatenate3A_2279 = tpu.concatenate %squeeze3A_2230, %squeeze3A_2232, %squeeze3A_2234, %squeeze3A_2236, %squeeze3A_2238, %squeeze3A_2240, %squeeze3A_2242, %squeeze3A_2244, %squeeze3A_2246, %squeeze3A_2248, %squeeze3A_2250, %squeeze3A_2252, %squeeze3A_2254, %squeeze3A_2256, %squeeze3A_2258, %squeeze3A_2260, %squeeze3A_2262, %squeeze3A_2264, %squeeze3A_2266, %squeeze3A_2268, %squeeze3A_2270, %squeeze3A_2272, %squeeze3A_2274, %squeeze3A_2276, %squeeze3A_2278 in 1 : vector<64x128xf32>, vector<64x128xf32>, vector<64x128xf32>, vector<64x128xf32>, vector<64x128xf32>, vector<64x128xf32>, vector<64x128xf32>, vector<64x128xf32>, vector<64x128xf32>, vector<64x128xf32>, vector<64x128xf32>, vector<64x128xf32>, vector<64x128xf32>, vector<64x128xf32>, vector<64x128xf32>, vector<64x128xf32>, vector<64x128xf32>, vector<64x128xf32>, vector<64x128xf32>, vector<64x128xf32>, vector<64x128xf32>, vector<64x128xf32>, vector<64x128xf32>, vector<64x128xf32>, vector<64x128xf32> -> vector<64x3200xf32>
    %swap3A = arith.constant 0 : index
    %swap3A_2280 = arith.constant 0 : index
    %swap3A_2281 = arith.constant 0 : index
    %swap3A_2282 = vector.load %arg8[%swap3A, %swap3A_2280, %swap3A_2281] : memref<1x64x3200xf32, #tpu.memory_space<vmem>>, vector<1x64x3200xf32>
    %swap3A_2283 = vector.shape_cast %swap3A_2282 : vector<1x64x3200xf32> to vector<64x3200xf32>
    %swap3A_2284 = vector.shape_cast %concatenate3A_2279 : vector<64x3200xf32> to vector<1x64x3200xf32>
    tpu.vector_store %arg8[%swap3A, %swap3A_2280, %swap3A_2281], %swap3A_2284 {strides = array<i32>} : memref<1x64x3200xf32, #tpu.memory_space<vmem>>, vector<1x64x3200xf32>,
    %eq3A = arith.constant 0 : i32
    %eq3A_2285 = arith.cmpi eq, %arg0, %eq3A : i32
    %convert_element_type3A_2286 = arith.extui %eq3A_2285 : i1 to i32
    %cond3A = arith.constant 0 : i32
    %cond3A_2287 = arith.cmpi ne, %convert_element_type3A_2286, %cond3A : i32
    scf.if %cond3A_2287 {
      %broadcast_in_dim3A_2311 = arith.constant 0.000000e+00 : f32
      %broadcast_in_dim3A_2312 = vector.broadcast %broadcast_in_dim3A_2311 : f32 to vector<8x64xf32>
      %swap3A_2313 = arith.constant 0 : index
      %swap3A_2314 = arith.constant 0 : index
      %swap3A_2315 = vector.load %arg9[%swap3A_2313, %swap3A_2314] : memref<8x64xf32, #tpu.memory_space<vmem>>, vector<8x64xf32>
      tpu.vector_store %arg9[%swap3A_2313, %swap3A_2314], %broadcast_in_dim3A_2312 {strides = array<i32>} : memref<8x64xf32, #tpu.memory_space<vmem>>, vector<8x64xf32>,
      %broadcast_in_dim3A_2316 = arith.constant 0.000000e+00 : f32
      %broadcast_in_dim3A_2317 = vector.broadcast %broadcast_in_dim3A_2316 : f32 to vector<64x64xf32>
      %swap3A_2318 = arith.constant 0 : index
      %swap3A_2319 = arith.constant 0 : index
      %swap3A_2320 = vector.load %arg10[%swap3A_2318, %swap3A_2319] : memref<64x64xf32, #tpu.memory_space<vmem>>, vector<64x64xf32>
      tpu.vector_store %arg10[%swap3A_2318, %swap3A_2319], %broadcast_in_dim3A_2317 {strides = array<i32>} : memref<64x64xf32, #tpu.memory_space<vmem>>, vector<64x64xf32>,
    } else {
    }
    %convert_element_type3A_2288 = arith.truncf %concatenate3A_2279 : vector<64x3200xf32> to vector<64x3200xbf16>
    %convert_element_type3A_2289 = arith.extf %convert_element_type3A_2288 : vector<64x3200xbf16> to vector<64x3200xf32>
    %reduce_sum3A_2290 = arith.constant dense<0.000000e+00> : vector<64xf32>
    %reduce_sum3A_2291 = vector.multi_reduction <add>, %convert_element_type3A_2289, %reduce_sum3A_2290 [1] : vector<64x3200xf32> to vector<64xf32>
    %get3A_2292 = arith.constant 0 : index
    %get3A_2293 = arith.constant 0 : index
    %get3A_2294 = vector.load %arg9[%get3A_2292, %get3A_2293] : memref<8x64xf32, #tpu.memory_space<vmem>>, vector<8x64xf32>
    %broadcast_in_dim3A_2295 = vector.shape_cast %reduce_sum3A_2291 : vector<64xf32> to vector<1x64xf32>
    %broadcast_in_dim3A_2296 = vector.shape_cast %broadcast_in_dim3A_2295 : vector<1x64xf32> to vector<1x64xf32>
    %broadcast_in_dim3A_2297 = vector.broadcast %broadcast_in_dim3A_2296 : vector<1x64xf32> to vector<8x64xf32>
    %add3A_2298 = arith.addf %get3A_2294, %broadcast_in_dim3A_2297 : vector<8x64xf32>
    %swap3A_2299 = arith.constant 0 : index
    %swap3A_2300 = arith.constant 0 : index
    %swap3A_2301 = vector.load %arg9[%swap3A_2299, %swap3A_2300] : memref<8x64xf32, #tpu.memory_space<vmem>>, vector<8x64xf32>
    tpu.vector_store %arg9[%swap3A_2299, %swap3A_2300], %add3A_2298 {strides = array<i32>} : memref<8x64xf32, #tpu.memory_space<vmem>>, vector<8x64xf32>,
    %get3A_2302 = arith.constant 0 : index
    %get3A_2303 = arith.constant 0 : index
    %get3A_2304 = vector.load %arg10[%get3A_2302, %get3A_2303] : memref<64x64xf32, #tpu.memory_space<vmem>>, vector<64x64xf32>
    %dot_general3A_2305 = arith.constant dense<0.000000e+00> : vector<64x64xf32>
    %dot_general3A_2306 = tpu.matmul %convert_element_type3A_2288, %convert_element_type3A_2288, %dot_general3A_2305 {dimension_numbers = #tpu.dot_dimension_numbers<[1], [1], [0], [0], [0, 0, 1, 0], [], []>, transpose_lhs_hint = false} : vector<64x3200xbf16>, vector<64x3200xbf16>, vector<64x64xf32> -> vector<64x64xf32>
    %add3A_2307 = arith.addf %get3A_2304, %dot_general3A_2306 : vector<64x64xf32>
    %swap3A_2308 = arith.constant 0 : index
    %swap3A_2309 = arith.constant 0 : index
    %swap3A_2310 = vector.load %arg10[%swap3A_2308, %swap3A_2309] : memref<64x64xf32, #tpu.memory_space<vmem>>, vector<64x64xf32>
    tpu.vector_store %arg10[%swap3A_2308, %swap3A_2309], %add3A_2307 {strides = array<i32>} : memref<64x64xf32, #tpu.memory_space<vmem>>, vector<64x64xf32>,
    return
  }
  func.func @transform_0(%arg0: i32) -> (i32, i32, i32) {
    %c0_i32 = arith.constant 0 : i32
    %c0_i32_0 = arith.constant 0 : i32
    %c0_i32_1 = arith.constant 0 : i32
    return %arg0, %c0_i32, %c0_i32_0 : i32, i32, i32
  }
  func.func @transform_1(%arg0: i32) -> (i32, i32) {
    %c0_i32 = arith.constant 0 : i32
    %c0_i32_0 = arith.constant 0 : i32
    %c0_i32_1 = arith.constant 0 : i32
    return %c0_i32, %c0_i32_0 : i32, i32
  }
  func.func @transform_2(%arg0: i32) -> (i32, i32) {
    %c0_i32 = arith.constant 0 : i32
    %c0_i32_0 = arith.constant 0 : i32
    %c0_i32_1 = arith.constant 0 : i32
    return %c0_i32, %c0_i32_0 : i32, i32
  }
  func.func @transform_3(%arg0: i32) -> (i32, i32) {
    %c0_i32 = arith.constant 0 : i32
    %c0_i32_0 = arith.constant 0 : i32
    %c0_i32_1 = arith.constant 0 : i32
    return %c0_i32, %c0_i32_0 : i32, i32
  }
  func.func @transform_4(%arg0: i32) -> (i32, i32) {
    %c0_i32 = arith.constant 0 : i32
    %c0_i32_0 = arith.constant 0 : i32
    %c0_i32_1 = arith.constant 0 : i32
    return %c0_i32, %c0_i32_0 : i32, i32
  }
  func.func @transform_5(%arg0: i32) -> (i32, i32) {
    %c0_i32 = arith.constant 0 : i32
    %c0_i32_0 = arith.constant 0 : i32
    %c0_i32_1 = arith.constant 0 : i32
    return %c0_i32, %c0_i32_0 : i32, i32
  }
  func.func @transform_6(%arg0: i32) -> (i32, i32) {
    %c0_i32 = arith.constant 0 : i32
    %c0_i32_0 = arith.constant 0 : i32
    %c0_i32_1 = arith.constant 0 : i32
    return %c0_i32, %c0_i32_0 : i32, i32
  }
  func.func @transform_7(%arg0: i32) -> (i32, i32, i32) {
    %c0_i32 = arith.constant 0 : i32
    %c0_i32_0 = arith.constant 0 : i32
    %c0_i32_1 = arith.constant 0 : i32
    return %arg0, %c0_i32, %c0_i32_0 : i32, i32, i32
  }
  func.func @transform_8(%arg0: i32) -> (i32, i32) {
    %c0_i32 = arith.constant 0 : i32
    %c0_i32_0 = arith.constant 0 : i32
    %c0_i32_1 = arith.constant 0 : i32
    return %c0_i32, %c0_i32_0 : i32, i32
  }
  func.func @transform_9(%arg0: i32) -> (i32, i32) {
    %c0_i32 = arith.constant 0 : i32
    %c0_i32_0 = arith.constant 0 : i32
    %c0_i32_1 = arith.constant 0 : i32
    return %c0_i32, %c0_i32_0 : i32, i32
  }
}

module attributes {stable_mosaic.version = 14 : i64} {
  func.func @_proj_body(%arg0: i32, %arg1: memref<1x64x3200xf32, #tpu.memory_space<vmem>>, %arg2: memref<64x64xbf16, #tpu.memory_space<vmem>>, %arg3: memref<64x3200xf32, #tpu.memory_space<vmem>>, %arg4: memref<64x3200xf32, #tpu.memory_space<vmem>>, %arg5: memref<64x3200xf32, #tpu.memory_space<vmem>>, %arg6: memref<64x3200xf32, #tpu.memory_space<vmem>>, %arg7: memref<1x64x3200xf32, #tpu.memory_space<vmem>>) attributes {dimension_semantics = [#tpu.dimension_semantics<arbitrary>], iteration_bounds = array<i64: 64>, scalar_prefetch = 0 : i64, scratch_operands = 0 : i64, tpu.core_type = #tpu.core_type<tc>, window_params = [{transform_indices = @transform_0, window_bounds = array<i64: 1, 64, 3200>}, {pipeline_mode = #tpu.pipeline_mode<synchronous>, transform_indices = @transform_1, window_bounds = array<i64: 64, 64>}, {pipeline_mode = #tpu.pipeline_mode<synchronous>, transform_indices = @transform_2, window_bounds = array<i64: 64, 3200>}, {pipeline_mode = #tpu.pipeline_mode<synchronous>, transform_indices = @transform_3, window_bounds = array<i64: 64, 3200>}, {pipeline_mode = #tpu.pipeline_mode<synchronous>, transform_indices = @transform_4, window_bounds = array<i64: 64, 3200>}, {pipeline_mode = #tpu.pipeline_mode<synchronous>, transform_indices = @transform_5, window_bounds = array<i64: 64, 3200>}, {transform_indices = @transform_6, window_bounds = array<i64: 1, 64, 3200>}]} {
    %get3A = arith.constant 0 : index
    %get3A_0 = arith.constant 0 : index
    %get3A_1 = arith.constant 0 : index
    %get3A_2 = vector.load %arg1[%get3A, %get3A_0, %get3A_1] : memref<1x64x3200xf32, #tpu.memory_space<vmem>>, vector<1x64x3200xf32>
    %get3A_3 = vector.shape_cast %get3A_2 : vector<1x64x3200xf32> to vector<64x3200xf32>
    %get3A_4 = arith.constant 0 : index
    %get3A_5 = arith.constant 0 : index
    %get3A_6 = vector.load %arg2[%get3A_4, %get3A_5] : memref<64x64xbf16, #tpu.memory_space<vmem>>, vector<64x64xbf16>
    %convert_element_type3A = arith.truncf %get3A_3 : vector<64x3200xf32> to vector<64x3200xbf16>
    %dot_general3A = arith.constant dense<0.000000e+00> : vector<64x3200xf32>
    %dot_general3A_7 = tpu.matmul %get3A_6, %convert_element_type3A, %dot_general3A {dimension_numbers = #tpu.dot_dimension_numbers<[1], [0], [0], [1], [0, 0, 1, 1], [], []>, transpose_lhs_hint = false} : vector<64x64xbf16>, vector<64x3200xbf16>, vector<64x3200xf32> -> vector<64x3200xf32>
    %get3A_8 = arith.constant 0 : index
    %get3A_9 = arith.constant 0 : index
    %get3A_10 = vector.load %arg3[%get3A_8, %get3A_9] : memref<64x3200xf32, #tpu.memory_space<vmem>>, vector<64x3200xf32>
    %sub3A = arith.subf %dot_general3A_7, %get3A_10 : vector<64x3200xf32>
    %get3A_11 = arith.constant 0 : index
    %get3A_12 = arith.constant 0 : index
    %get3A_13 = vector.load %arg4[%get3A_11, %get3A_12] : memref<64x3200xf32, #tpu.memory_space<vmem>>, vector<64x3200xf32>
    %div3A = arith.divf %sub3A, %get3A_13 : vector<64x3200xf32>
    %get3A_14 = arith.constant 0 : index
    %get3A_15 = arith.constant 0 : index
    %get3A_16 = vector.load %arg5[%get3A_14, %get3A_15] : memref<64x3200xf32, #tpu.memory_space<vmem>>, vector<64x3200xf32>
    %mul3A = arith.mulf %div3A, %get3A_16 : vector<64x3200xf32>
    %get3A_17 = arith.constant 0 : index
    %get3A_18 = arith.constant 0 : index
    %get3A_19 = vector.load %arg6[%get3A_17, %get3A_18] : memref<64x3200xf32, #tpu.memory_space<vmem>>, vector<64x3200xf32>
    %add3A = arith.addf %mul3A, %get3A_19 : vector<64x3200xf32>
    %mul3A_20 = arith.constant 1.000000e+00 : f32
    %mul3A_21 = vector.broadcast %mul3A_20 : f32 to vector<64x3200xf32>
    %mul3A_22 = arith.mulf %mul3A_21, %add3A : vector<64x3200xf32>
    %swap3A = arith.constant 0 : index
    %swap3A_23 = arith.constant 0 : index
    %swap3A_24 = arith.constant 0 : index
    %swap3A_25 = vector.load %arg7[%swap3A, %swap3A_23, %swap3A_24] : memref<1x64x3200xf32, #tpu.memory_space<vmem>>, vector<1x64x3200xf32>
    %swap3A_26 = vector.shape_cast %swap3A_25 : vector<1x64x3200xf32> to vector<64x3200xf32>
    %swap3A_27 = vector.shape_cast %mul3A_22 : vector<64x3200xf32> to vector<1x64x3200xf32>
    tpu.vector_store %arg7[%swap3A, %swap3A_23, %swap3A_24], %swap3A_27 {strides = array<i32>} : memref<1x64x3200xf32, #tpu.memory_space<vmem>>, vector<1x64x3200xf32>,
    return
  }
  func.func @transform_0(%arg0: i32) -> (i32, i32, i32) {
    %c0_i32 = arith.constant 0 : i32
    %c0_i32_0 = arith.constant 0 : i32
    %c0_i32_1 = arith.constant 0 : i32
    return %arg0, %c0_i32, %c0_i32_0 : i32, i32, i32
  }
  func.func @transform_1(%arg0: i32) -> (i32, i32) {
    %c0_i32 = arith.constant 0 : i32
    %c0_i32_0 = arith.constant 0 : i32
    %c0_i32_1 = arith.constant 0 : i32
    return %c0_i32, %c0_i32_0 : i32, i32
  }
  func.func @transform_2(%arg0: i32) -> (i32, i32) {
    %c0_i32 = arith.constant 0 : i32
    %c0_i32_0 = arith.constant 0 : i32
    %c0_i32_1 = arith.constant 0 : i32
    return %c0_i32, %c0_i32_0 : i32, i32
  }
  func.func @transform_3(%arg0: i32) -> (i32, i32) {
    %c0_i32 = arith.constant 0 : i32
    %c0_i32_0 = arith.constant 0 : i32
    %c0_i32_1 = arith.constant 0 : i32
    return %c0_i32, %c0_i32_0 : i32, i32
  }
  func.func @transform_4(%arg0: i32) -> (i32, i32) {
    %c0_i32 = arith.constant 0 : i32
    %c0_i32_0 = arith.constant 0 : i32
    %c0_i32_1 = arith.constant 0 : i32
    return %c0_i32, %c0_i32_0 : i32, i32
  }
  func.func @transform_5(%arg0: i32) -> (i32, i32) {
    %c0_i32 = arith.constant 0 : i32
    %c0_i32_0 = arith.constant 0 : i32
    %c0_i32_1 = arith.constant 0 : i32
    return %c0_i32, %c0_i32_0 : i32, i32
  }
  func.func @transform_6(%arg0: i32) -> (i32, i32, i32) {
    %c0_i32 = arith.constant 0 : i32
    %c0_i32_0 = arith.constant 0 : i32
    %c0_i32_1 = arith.constant 0 : i32
    return %arg0, %c0_i32, %c0_i32_0 : i32, i32, i32
  }
}

</mosaic_0001>

<sc_bundles>
// kernel: sparse-core-data-format-call.cloned.1.call-start
scs
called_computation_lowered:
.L_overlay_start_0:
0x0: {  	s2 =	sld [smem:$0x3FD9]  }
0x1: {  	s3 =	sld [smem:$0x3FFE];
	_ =	sdelay $0x1  }
0x2: {  	s1 =	srdreg.scid  }
0x3: {  	s0 =	sand.u32 $0x1, s1  }
0x4: {  	s18 =	sshll.u32 s0, $0xA;
	s2 =	sadd.s32 s3, s2  }
0x5: {  	s2 =	sadd.s32 s2, s18  }
0x6: {  	[smem:$0x3FBF] =	sst s2  }
0x7: {  	_ = 	snop  }
0x8: {  	s2 =	sld [smem:$0x3FD0];
	(tm) =	ssettm $0x1  }
0x9: {  	s19 =	sld [smem:$0x3FFB];
	_ =	sdelay $0x3  }
0xa: {  	_ =	strace s19  }
0xb: {  	s3 =	sld [smem:$0x3FFC];
	_ =	sdelay $0x3  }
0xc: {  	_ =	strace s3  }
0xd: {  	s3 =	sld [smem:$0x3FFD];
	_ =	sdelay $0x3  }
0xe: {  	_ =	strace s3  }
0xf: {  	_ =	strace $0x8FFFFFFF  }
0x10: {  	s20 =	sld [smem:$0x3FDB];
	_ =	sdelay $0x1  }
0x11: {  	s4 =	simm.s32 $_scs_section_size  }
0x12: {  	s5 =	simm.s32 $_size__tile_overlayer_lowered;
	s6 =	simm.s32 $_tile_overlayer_lowered  }
0x13: {  	s23 =	simm.s32 $0x1BFF;
	s22 =	sshll.u32 s6, $0x1;
	s3 =	sadd.s32 s4, s20  }
0x14: {  	s7 =	simm.s32 $0x0;
	s21 =	sshll.u32 s5, $0x1;
	s5 =	sadd.s32 s22, s3  }
0x15: {  	[timem:s7], [sflag:s23] =	dma.local [hbm:s5], s21  }
0x16: {  	_ =	swait.ge [sflag:s23], s21  }
0x17: {  	s4 =	ssub.s32 $0x0, s21;
	[sflag:s23] =	ssyncset.done $0x0  }
0x18: {  	[sflag:s23] =	ssyncadd.s32 s4;
	_ =	sdelay $0x1  }
0x19: {  	s24 =	simm.s32 $0x1B8B  }
0x1a: {  	_ =	swait.ge [sflag:s24], $0x1  }
0x1b: {  	[sflag:s24] =	ssyncset.done $0x0  }
0x1c: {  	s26 =	simm.s32 $0x1B8E;
	s25 =	sld [smem:$0x3FFE];
	[sflag:s24] =	ssyncadd.s32 $0xFFFFFFFF  }
0x1d: {  	s27 =	simm.s32 $execute0_lowered;
	[smem:$0x3FD2] =	sst s26  }
0x1e: {  	s5 =	sshll.u32 s27, $0x1;
	_ =	strace $0x80000046;
	[dreg:$0x1] =	wrdreg $0xFFFFFFFF  }
0x1f: {  	s28 =	simm.s32 $_size_execute0_lowered;
	s3 =	sadd.s32 s3, s5;
	[dreg:$0x0] =	wrdreg $0x0  }
0x20: {  	s5 =	sshll.u32 s28, $0x1;
	[dreg:$0x2] =	wrdreg s3  }
0x21: {  	[dreg:$0x3] =	wrdreg s5  }
0x22: {  	[dreg:$0x4] =	wrdreg $0xC0  }
0x23: {  	_ =	task [dreg:s7], $0x5FFFF  }
0x24: {  	[dreg:$0x1] =	wrdreg $0xFFFFFFFF  }
0x25: {  	[dreg:$0x0] =	wrdreg $0x60  }
0x26: {  	[dreg:$0x2] =	wrdreg s25  }
0x27: {  	[dreg:$0x3] =	wrdreg s2  }
0x28: {  	[dreg:$0x4] =	wrdreg $0x9  }
0x29: {  	_ =	task.clear_ibuf [dreg:s7], $0x5FFFF;
	_ =	strace $0x90000046  }
0x2a: {  	s29 =	simm.s32 $0x9;
	_ =	strace $0x80000048  }
0x2b: {  	_ =	swait.ge [sflag:s29], $0x1  }
0x2c: {  	[sflag:s29] =	ssyncadd.s32 $0xFFFFFFFF  }
0x2d: {  	_ =	strace $0x90000048  }
0x2e: {  	_ =	sfence  }
0x2f: {  	s30 =	sld [smem:$0x0];
	_ =	sdelay $0x2  }
0x30: {  	s31 =	sshll.u32 s1, $0xD;
	s1 =	sshrl.u32 s1, $0x2  }
0x31: {  	s3 =	sand.u32 $0x4000, s31;
	s1 =	sadd.s32 s1, s30  }
0x32: {  	s0 =	sor.u32 s3, s0;
	s1 =	sshll.u32 s1, $0x11  }
0x33: {  	s0 =	sor.u32 s1, s0  }
0x34: {  	s0 =	sadd.s32 $0x8F2B, s0  }
0x35: {  	[sflag:s0] =	ssyncadd.remote.s32 $0x1  }
0x36: {  	_ =	sfence.sel $0xFFFF  }
0x37: {  	[dreg:$0x0] =	wrdreg $0xFFFFFFFF;
	(pc) =	sbr.abs _section_cstart, $3  }
0x38: {  	[dreg:$0x1] =	wrdreg $0xFFFFFFFF  }
0x39: {  	_ =	task.clear_ibuf [dreg:s7], $0x2FFFF;
	_ =	strace $0x9FFFFFFF  }
0x3a: {  	(tm) =	ssettm $0x7FFFFFFF  }
0x3b: {  	_ =	shalt  }
tec
execute0_lowered:
.L_overlay_start_1:
0x0: {  	(tag) =	ssettag $0x1  }
0x1: {  	s0 =	srdreg.scid  }
0x2: {  	s1 =	sshll.u32 s0, $0x4  }
0x3: {  	s6 =	rddreg [dreg:$0x0];
	s0 =	stileid.u32;
	s1 =	sand.u32 $0x10, s1  }
0x4: {  	s4 =	simm.s32 $0x1;
	s7 =	simm.s32 $0x2;
	s1 =	sor.u32 s0, s1  }
0x5: {  	s15 =	simm.s32 $0x0;
	s8 =	simm.s32 $0x2000;
	s2 =	sshll.u32 s1, $0x1  }
0x6: {  	s9 =	simm.s32 $0x32000;
	s10 =	simm.s32 $0x0;
	s1 =	ssub.s32 $0x40, s2  }
0x7: {  	s16 =	simm.s32 $0x0;
	s17 =	simm.s32 $0x0;
	s3 =	sand.u32 $0x3E, s1  }
0x8: {  	s11 =	simm.s32 $0x0;
	s5 =	sshrl.u32 s1, $0x6;
	p0 =	sne.s32 s3, $0x0  }
.Ltmp0:
0x9: {  	s1 =	rddreg [dreg:$0x2];
	s4 =	simm.s32 @!p0 $0x0;
	(pc) =	sbr.rel .LBB1_1-.Ltmp0, $4  }
0xa: {  	s12 =	simm.s32 $0x0;
	s3 =	rddreg [dreg:$0x1];
	s5 =	sadd.s32 s4, s5  }
0xb: {  	_ =	strace $0x80000047;
	s4 =	simm.s32 $0x1;
	s5 =	smul.u32 $0x19, s5  }
0xc: {  	s14 =	simm.s32 $0x0;
	s6 =	sadd.s32 $0x1200, s6;
	[sflag:s4] =	ssyncpa.u1 $0x0  }
0xd: {  	s13 =	smov.u32 s2;
	[sflag:s7] =	ssyncpa.u1 $0x0;
	s7 =	sadd.s32 $0x1, s5  }
.LBB1_7:
0xe: {  	s18 =	sadd.s32 $0x1, s11  }
0xf: {  	s15 =	sadd.s32 $0x40, s12;
	s19 =	smov.u32 s12;
	p1 =	sgt.s32 s18, $0x18  }
0x10: {  	s19 =	smov.u32 @p1 s15  }
0x11: {  	s21 =	smov.u32 s13;
	s15 =	sadd.s32 $0x40, s13;
	p2 =	sgt.s32 s19, $0x3F  }
0x12: {  	s21 =	smov.u32 @p2 s15  }
0x13: {  	s18 =	simm.s32 @p1 $0x0;
	p1 =	sgt.s32 s21, $0x3F  }
0x14: {  	p0 =	slt.u32 s14, $0x2;
	s21 =	smov.u32 @p1 s2;
	p1 =	sne.s32 s14, s7  }
.Ltmp1:
0x15: {  	s20 =	simm.s32 @!p0 $0x2;
	(pc) =	sbr.rel @!p1 .LBB1_8-.Ltmp1, $4  }
0x16: {  	s16 =	smov.u32 s12;
	s17 =	smov.u32 s13;
	_ =	swait.ge @!p0 [sflag:s20], $0x4000  }
0x17: {  	s10 =	sadd.s32 $0x4000, s10;
	[sflag:s20] =	ssyncset.done @!p0 $0x0;
	s19 =	simm.s32 @p2 $0x0  }
0x18: {  	s15 =	smov.u32 s11;
	[sflag:s20] =	ssyncadd.s32 @!p0 $0xFFFFC000;
	s11 =	smov.u32 s18  }
0x19: {  	s12 =	smov.u32 s19;
	s14 =	sadd.s32 $0x1, s14;
	s13 =	smov.u32 s21  }
.LBB1_1:
0x1a: {  	p0 =	sge.u32 s14, s5;
	s31 =	sadd.s32 $0xFFFFFFFF, s14  }
0x1b: {  	s18 =	sxor.u32 @!p0 $0xFFFFFFFF, s14;
	s19 =	sshll.u32 @!p0 s13, $0xF;
	s20 =	sshll.u32 @!p0 s12, $0x9  }
0x1c: {  	s21 =	sshll.u32 @!p0 s11, $0x4;
	s18 =	sshll.u32 @!p0 s18, $0xE;
	s19 =	sadd.s32 @!p0 s6, s19  }
0x1d: {  	s21 =	sand.u32 @!p0 $0x1F0, s21;
	s18 =	sand.u32 @!p0 $0x4000, s18;
	s19 =	sadd.s32 @!p0 s20, s19  }
0x1e: {  	s20 =	simm.s32 @!p0 $0x80;
	s19 =	sadd.s32 @!p0 s21, s19;
	s21 =	simm.s32 @!p0 $0x1000  }
0x1f: {  	[tilespmem:s18], [sflag:$0x1] =	stream.strided.gather @!p0 [hbm4b:s19+s20], $0x4000, s21, s20, $0x38;
	[tilespmem:$0x10000] =	vst v63  }
0x20: {  	p0 =	sge.u32 s31, s5  }
.Ltmp2:
0x21: {  	_ = 	snop;
	(pc) =	sbr.rel @p0 .LBB1_7-.Ltmp2, $1  }
0x22: {  	_ =	sdelay $0x3  }
0x23: {  	s18 =	sshll.u32 s10, $0x2;
	_ =	swait.ge [sflag:s4], $0x4000;
	s19 =	sshll.u32 s14, $0xE  }
0x24: {  	s21 =	simm.s32 $0x0;
	p1 =	por $0x1, $0x1;
	s20 =	sand.u32 $0x10000, s18  }
0x25: {  	[sflag:s4] =	ssyncset.done $0x0;
	s31 =	sand.u32 $0x4000, s19;
	s19 =	sshrl.u32 s20, $0x2  }
0x26: {  	[sflag:s4] =	ssyncadd.s32 $0xFFFFC000;
	s18 =	sor.u32 $0x8000, s31;
	s20 =	sadd.s32 $0x8040, s19  }
.LBB1_3:
0x27: {  	s21 =	sshll.u32 s21, $0x2  }
0x28: {  	s22 =	sshra.s32 s21, $0x2  }
0x29: {  	s21 =	sadd.s32 s22, s19  }
0x2a: {  	v1 =	vmov s21;
	_ =	sdelay $0x3  }
0x2b: {  	s21 =	simm.s32 $0x0  }
0x2c: {  	s22 =	sadd.s32 s22, s20;
	v7 =	vld.idx.msk [tilespmem:v1+s21+$0x70 ss:$0x1], $0xffff  }
0x2d: {  	v0 =	vmov s22;
	v8 =	vld.idx.msk [tilespmem:v1+s21+$0x0 ss:$0x1], $0xffff  }
0x2e: {  	v6 =	vld.idx.msk [tilespmem:v1+s21+$0x10 ss:$0x1], $0xffff  }
0x2f: {  	v5 =	vld.idx.msk [tilespmem:v1+s21+$0x20 ss:$0x1], $0xffff  }
0x30: {  	v4 =	vld.idx.msk [tilespmem:v1+s21+$0x30 ss:$0x1], $0xffff  }
0x31: {  	v2 =	vld.idx.msk [tilespmem:v1+s21+$0x40 ss:$0x1], $0xffff  }
0x32: {  	v3 =	vld.idx.msk [tilespmem:v1+s21+$0x50 ss:$0x1], $0xffff;
	[tilespmem:v0+s21+$0x30 ss:$0x1] =	vst.idx.msk $0xffff, v7  }
0x33: {  	p0 =	por p1, p1;
	s23 =	simm.s32 $0x400;
	s22 =	simm.s32 $0x80;
	[tilespmem:v0+s21+$0xFFFFFFC0 ss:$0x1] =	vst.idx.msk $0xffff, v8;
	v7 =	vld.idx.msk [tilespmem:v1+s21+$0x60 ss:$0x1], $0xffff  }
.LBB1_4:
0x34: {  	p1 =	sne.s32 s23, $0x7E00;
	v8 =	vld.idx.msk [tilespmem:v1+s22+$0x70 ss:$0x1], $0xffff;
	[tilespmem:v0+s21+$0xFFFFFFD0 ss:$0x1] =	vst.idx.msk $0xffff, v6  }
0x35: {  	v9 =	vld.idx.msk [tilespmem:v1+s22+$0x0 ss:$0x1], $0xffff;
	[tilespmem:v0+s21+$0xFFFFFFE0 ss:$0x1] =	vst.idx.msk $0xffff, v5  }
0x36: {  	v6 =	vld.idx.msk [tilespmem:v1+s22+$0x10 ss:$0x1], $0xffff;
	[tilespmem:v0+s21+$0xFFFFFFF0 ss:$0x1] =	vst.idx.msk $0xffff, v4  }
.Ltmp3:
0x37: {  	v5 =	vld.idx.msk [tilespmem:v1+s22+$0x20 ss:$0x1], $0xffff;
	[tilespmem:v0+s21+$0x0 ss:$0x1] =	vst.idx.msk $0xffff, v2;
	(pc) =	sbr.rel @p1 .LBB1_4-.Ltmp3, $4  }
0x38: {  	v4 =	vld.idx.msk [tilespmem:v1+s22+$0x30 ss:$0x1], $0xffff;
	[tilespmem:v0+s21+$0x10 ss:$0x1] =	vst.idx.msk $0xffff, v3  }
0x39: {  	v2 =	vld.idx.msk [tilespmem:v1+s22+$0x40 ss:$0x1], $0xffff;
	[tilespmem:v0+s21+$0x20 ss:$0x1] =	vst.idx.msk $0xffff, v7;
	s21 =	smov.u32 s22  }
0x3a: {  	v3 =	vld.idx.msk [tilespmem:v1+s21+$0x50 ss:$0x1], $0xffff;
	[tilespmem:v0+s21+$0x30 ss:$0x1] =	vst.idx.msk $0xffff, v8  }
0x3b: {  	s22 =	sshra.s32 s23, $0x2;
	s23 =	sadd.s32 $0x200, s23;
	[tilespmem:v0+s21+$0xFFFFFFC0 ss:$0x1] =	vst.idx.msk $0xffff, v9;
	v7 =	vld.idx.msk [tilespmem:v1+s21+$0x60 ss:$0x1], $0xffff  }
0x3c: {  	_ =	sdelay $0x3  }
0x3d: {  	[tilespmem:v0+s21+$0xFFFFFFD0 ss:$0x1] =	vst.idx.msk $0xffff, v6  }
0x3e: {  	v56 =	vld.idx.msk [tilespmem:v1+s22+$0x70 ss:$0x1], $0xffff;
	[tilespmem:v0+s21+$0xFFFFFFE0 ss:$0x1] =	vst.idx.msk $0xffff, v5  }
0x3f: {  	v57 =	vld.idx.msk [tilespmem:v1+s22+$0x0 ss:$0x1], $0xffff;
	[tilespmem:v0+s21+$0xFFFFFFF0 ss:$0x1] =	vst.idx.msk $0xffff, v4  }
0x40: {  	v58 =	vld.idx.msk [tilespmem:v1+s22+$0x10 ss:$0x1], $0xffff;
	[tilespmem:v0+s21+$0x0 ss:$0x1] =	vst.idx.msk $0xffff, v2  }
0x41: {  	v59 =	vld.idx.msk [tilespmem:v1+s22+$0x20 ss:$0x1], $0xffff;
	[tilespmem:v0+s21+$0x10 ss:$0x1] =	vst.idx.msk $0xffff, v3  }
0x42: {  	v60 =	vld.idx.msk [tilespmem:v1+s22+$0x30 ss:$0x1], $0xffff;
	[tilespmem:v0+s21+$0x20 ss:$0x1] =	vst.idx.msk $0xffff, v7  }
0x43: {  	v61 =	vld.idx.msk [tilespmem:v1+s22+$0x40 ss:$0x1], $0xffff;
	[tilespmem:v0+s22+$0x30 ss:$0x1] =	vst.idx.msk $0xffff, v56  }
0x44: {  	v62 =	vld.idx.msk [tilespmem:v1+s22+$0x50 ss:$0x1], $0xffff;
	[tilespmem:v0+s22+$0xFFFFFFC0 ss:$0x1] =	vst.idx.msk $0xffff, v57  }
0x45: {  	v63 =	vld.idx.msk [tilespmem:v1+s22+$0x60 ss:$0x1], $0xffff;
	[tilespmem:v0+s22+$0xFFFFFFD0 ss:$0x1] =	vst.idx.msk $0xffff, v58  }
.Ltmp4:
0x46: {  	[tilespmem:v0+s22+$0xFFFFFFE0 ss:$0x1] =	vst.idx.msk $0xffff, v59;
	(pc) =	sbr.rel @p0 .LBB1_3-.Ltmp4, $4  }
0x47: {  	[tilespmem:v0+s22+$0xFFFFFFF0 ss:$0x1] =	vst.idx.msk $0xffff, v60  }
0x48: {  	[tilespmem:v0+s22+$0x0 ss:$0x1] =	vst.idx.msk $0xffff, v61  }
0x49: {  	[tilespmem:v0+s22+$0x10 ss:$0x1] =	vst.idx.msk $0xffff, v62  }
0x4a: {  	p1 =	por $0x0, $0x0;
	s21 =	simm.s32 $0x2000;
	[tilespmem:v0+s22+$0x20 ss:$0x1] =	vst.idx.msk $0xffff, v63  }
0x4b: {  	s17 =	smul.u32 $0x6400, s17  }
.Ltmp5:
0x4c: {  	_ = 	snop;
	(pc) =	sbr.rel .LBB1_7-.Ltmp5, $4  }
0x4d: {  	s15 =	sshll.u32 s15, $0xA;
	s16 =	sshll.u32 s16, $0x4;
	s17 =	sadd.s32 s3, s17  }
0x4e: {  	s16 =	sand.u32 $0x3F0, s16;
	s15 =	sadd.s32 s15, s17  }
0x4f: {  	s15 =	sadd.s32 s16, s15  }
0x50: {  	[hbm4b:s15+s8] =	stream.strided.scatter [tilespmem:s18], [sflag:$0x2], $0x4000, s9, s8, $0x38;
	[tilespmem:$0x10000] =	vst v63  }
.LBB1_8:
0x51: {  	_ =	sfence.sel $0x180000  }
0x52: {  	s2 =	simm.s32 $0x1;
	[bflag:$0x0] =	sbarrier.arrive $0xFFFF  }
0x53: {  	s31 =	simm.s32 $0x2;
	[sflag:s2] =	ssyncpa.u1 $0x1  }
0x54: {  	[sflag:s31] =	ssyncpa.u1 $0x1  }
0x55: {  	p0 =	sne.s32 s0, $0x0;
	_ =	strace $0x90000047  }
0x56: {  	s0 =	sadd.s32 @!p0 $0x100000, s1;
	[bflag:$0x2] =	sbarrier.arrive $0xFFFF  }
0x57: {  	[sflag:s0] =	ssyncadd.tile.s32 @!p0 $0x1;
	_ =	shalt  }
.Lfunc_end1:
_tile_overlayer_lowered:
.L_overlay_start_2:
0x58: {  	(tag) =	ssettag $0x2  }
0x59: {  	s0 =	rddreg [dreg:$0x0];
	s2 =	stileid.u32  }
0x5a: {  	s1 =	rddreg [dreg:$0x1];
	p0 =	sne.s32 s2, $0x0  }
0x5b: {  	s3 =	rddreg [dreg:$0x2];
	[bflag:$0x3] =	sbarrier.arrive $0xFFFF;
	s2 =	simm.s32 @!p0 $0x1C01  }
0x5c: {  	[timem:s3], [sflag:s2] =	dma.local @!p0 [hbm:s0], s1  }
0x5d: {  	s0 =	simm.s32 @!p0 $0x1  }
0x5e: {  	_ =	swait.ge @!p0 [sflag:s0], s1  }
0x5f: {  	s1 =	ssub.s32 @!p0 $0x0, s1;
	[sflag:s0] =	ssyncset.done @!p0 $0x0  }
0x60: {  	[sflag:s0] =	ssyncadd.s32 @!p0 s1  }
0x61: {  	[bflag:$0x3] =	sbarrier.arrive $0xFFFF  }
0x62: {  	_ =	shalt  }

</sc_bundles>
